<compile_context>
chip_gen: v7x
topology: tpu7x:2x2x1
jax: 0.10.2.dev20260603
libtpu: 0.0.44.dev20260713+nightly
codegen_flags: <defaults>
</compile_context>

<pallas_src>
import functools

import numpy as np
import jax
import jax.numpy as jnp
from jax import lax
from jax.experimental import pallas as pl
from jax.experimental.pallas import tpu as pltpu
from jax.experimental.pallas import tpu_sc as plsc

_D = 256
_H = 8
_HD = _D // _H
_RADIUS = 0.1
_MIN_EVENTS = 3
_BK = 256


def _count_body(kpx_hbm, kpy_hbm, posx_hbm, posy_hbm, maskf_hbm, cnt_hbm,
                posx_v, posy_v, maskv, kx_v, ky_v, cnts_v):
    wid = lax.axis_index("s") * 2 + lax.axis_index("c")
    b = wid // 16
    koff = (wid % 16) * 32
    n = posx_v.shape[0]
    pltpu.sync_copy(posx_hbm.at[b], posx_v)
    pltpu.sync_copy(posy_hbm.at[b], posy_v)
    pltpu.sync_copy(maskf_hbm.at[b], maskv)
    pltpu.sync_copy(kpx_hbm.at[b, pl.ds(koff, 32)], kx_v)
    pltpu.sync_copy(kpy_hbm.at[b, pl.ds(koff, 32)], ky_v)

    r2 = np.float32(_RADIUS * _RADIUS)

    for g in range(2):
        kxs = kx_v[pl.ds(g * 16, 16)]
        kys = ky_v[pl.ds(g * 16, 16)]
        for j in range(16):
            kx = kxs[j]
            ky = kys[j]

            def per_chunk(c, acc, kx=kx, ky=ky):
                sl = pl.ds(c * 16, 16)
                dxv = posx_v[sl] - kx
                dyv = posy_v[sl] - ky
                d2v = dxv * dxv + dyv * dyv
                hit = (d2v < r2) & (maskv[sl] > 0.0)
                return acc + jnp.where(hit, 1.0, 0.0)

            acc = lax.fori_loop(0, n // 16, per_chunk,
                                jnp.zeros((16,), jnp.float32))
            cnts_v[pl.ds((g * 16 + j) * 16, 16)] = acc
    pltpu.sync_copy(cnts_v, cnt_hbm.at[b, pl.ds(koff * 16, 512)])


def _ball_counts(kpx, kpy, posx, posy, maskf01):
    B, K = kpx.shape
    N = posx.shape[1]
    mesh = plsc.VectorSubcoreMesh(core_axis_name="c", subcore_axis_name="s")
    f = functools.partial(
        pl.kernel,
        mesh=mesh,
        out_type=jax.ShapeDtypeStruct((B, K * 16), jnp.float32),
        scratch_types=[
            pltpu.VMEM((N,), jnp.float32),
            pltpu.VMEM((N,), jnp.float32),
            pltpu.VMEM((N,), jnp.float32),
            pltpu.VMEM((32,), jnp.float32),
            pltpu.VMEM((32,), jnp.float32),
            pltpu.VMEM((512,), jnp.float32),
        ],
    )(_count_body)
    return f(kpx, kpy, posx, posy, maskf01).reshape(B, K, 16).sum(-1)


def _attn_body(e_ref, pos_ref, maskf_ref, kp_ref, qwt_ref, qb_ref, inw_ref,
               inb_ref, outw_ref, outb_ref, dw_ref, db_ref, g_ref, beta_ref,
               o_ref, kproj, vproj):
    kb = pl.program_id(1)
    d = _D

    @pl.when(kb == 0)
    def _project_kv():
        ev = e_ref[0]
        kproj[...] = (lax.dot_general(
            ev, inw_ref[d:2 * d, :], (((1,), (1,)), ((), ())),
            preferred_element_type=jnp.float32)
            + inb_ref[0:1, d:2 * d]).astype(jnp.bfloat16)
        vproj[...] = lax.dot_general(
            ev, inw_ref[2 * d:3 * d, :], (((1,), (1,)), ((), ())),
            preferred_element_type=jnp.float32) + inb_ref[0:1, 2 * d:3 * d]

    pos = pos_ref[0]
    px = pos[0:1, :]
    py = pos[1:2, :]
    kp = kp_ref[0]
    kx = kp[:, 0:1]
    ky = kp[:, 1:2]
    dx = kx - px
    dy = ky - py
    d2 = dx * dx + dy * dy
    local = (d2 < _RADIUS * _RADIUS) & (maskf_ref[0] > 0.0)
    neg = jnp.where(local, 0.0, -jnp.inf)

    q0 = kx * qwt_ref[0:1, :] + ky * qwt_ref[1:2, :] + qb_ref[0:1, :]
    qp = lax.dot_general(q0, inw_ref[0:d, :], (((1,), (1,)), ((), ())),
                         preferred_element_type=jnp.float32) + inb_ref[0:1, 0:d]
    qp = qp * np.float32(1.0 / np.sqrt(_HD))
    qpb = qp.astype(jnp.bfloat16)

    ctx_parts = []
    for h in range(_H):
        sl = slice(h * _HD, (h + 1) * _HD)
        s = lax.dot_general(qpb[:, sl], kproj[:, sl], (((1,), (1,)), ((), ())),
                            preferred_element_type=jnp.float32)
        e = jnp.exp(s + neg)
        z = jnp.sum(e, axis=1, keepdims=True)
        ctx_u = lax.dot_general(e, vproj[:, sl], (((1,), (0,)), ((), ())),
                                preferred_element_type=jnp.float32)
        ctx_parts.append(ctx_u * (1.0 / z))
    ctx = jnp.concatenate(ctx_parts, axis=1)

    attn = lax.dot_general(ctx, outw_ref[...], (((1,), (1,)), ((), ())),
                           preferred_element_type=jnp.float32) + outb_ref[0:1, :]
    x = lax.dot_general(attn, dw_ref[...], (((1,), (1,)), ((), ())),
                        preferred_element_type=jnp.float32) + db_ref[0:1, :]
    mu = jnp.mean(x, axis=1, keepdims=True)
    xc = x - mu
    var = jnp.mean(xc * xc, axis=1, keepdims=True)
    x = xc / jnp.sqrt(var + 1e-5) * g_ref[0:1, :] + beta_ref[0:1, :]
    nrm = jnp.sqrt(jnp.sum(x * x, axis=1, keepdims=True))
    o_ref[0] = x / jnp.maximum(nrm, 1e-12)


def kernel(event_features, positions, mask, keypoints, qW, qb, in_w, in_b,
           out_w, out_b, dW, db, g, beta):
    B, N, D = event_features.shape
    K = keypoints.shape[1]
    bk = _BK
    pos_t = jnp.transpose(positions, (0, 2, 1))
    maskf = mask.astype(jnp.float32).reshape(B, 1, N)
    qwt = qW.T
    full = lambda shape: pl.BlockSpec(shape, lambda b, k: tuple(0 for _ in shape))

    cnt = _ball_counts(keypoints[:, :, 0], keypoints[:, :, 1],
                       positions[:, :, 0], positions[:, :, 1],
                       mask.astype(jnp.float32))

    out = pl.pallas_call(
        _attn_body,
        grid=(B, K // bk),
        in_specs=[
            pl.BlockSpec((1, N, D), lambda b, k: (b, 0, 0)),
            pl.BlockSpec((1, 2, N), lambda b, k: (b, 0, 0)),
            pl.BlockSpec((1, 1, N), lambda b, k: (b, 0, 0)),
            pl.BlockSpec((1, bk, 2), lambda b, k: (b, k, 0)),
            full((2, D)),
            full((1, D)),
            full((3 * D, D)),
            full((1, 3 * D)),
            full((D, D)),
            full((1, D)),
            full((D, D)),
            full((1, D)),
            full((1, D)),
            full((1, D)),
        ],
        out_specs=pl.BlockSpec((1, bk, D), lambda b, k: (b, k, 0)),
        out_shape=jax.ShapeDtypeStruct((B, K, D), jnp.float32),
        scratch_shapes=[
            pltpu.VMEM((N, D), jnp.bfloat16),
            pltpu.VMEM((N, D), jnp.float32),
        ],
    )(event_features, pos_t, maskf, keypoints, qwt, qb.reshape(1, D),
      in_w, in_b.reshape(1, 3 * D), out_w, out_b.reshape(1, D), dW,
      db.reshape(1, D), g.reshape(1, D), beta.reshape(1, D))

    return jnp.where(cnt.max() >= _MIN_EVENTS, out,
                     jnp.zeros((B, K, D), jnp.float32))

# --- scband reference (transcript-rebuilt; emitter-appended) ---
"""Pipeline reference for scband-descriptor-extractor-28991029248089 (READ-ONLY COPY).

The authoritative reference and input builder live on the scoring server;
editing this copy changes nothing except your own understanding.
"""

import jax, jax.numpy as jnp
import numpy as np

D_MODEL = 256
D_DESC = 256
RADIUS = 0.1
MIN_EVENTS = 3
H = 8


def setup_inputs(seed: int = 0) -> dict:
    key = jax.random.key(seed)
    ks = jax.random.split(key, 12)
    B, K, N, D = 2, 512, 2048, 256
    inp = {}
    inp["event_features"] = jax.random.normal(ks[0], (B, N, D), dtype=jnp.float32)
    inp["positions"] = jax.random.uniform(ks[1], (B, N, 2), dtype=jnp.float32)
    inp["mask"] = jnp.ones((B, N), dtype=bool)
    inp["keypoints"] = jax.random.uniform(ks[2], (B, K, 2), dtype=jnp.float32)
    inp["qW"] = jax.random.normal(ks[3], (D, 2), dtype=jnp.float32) * 0.1
    inp["qb"] = jnp.zeros((D,), dtype=jnp.float32)
    inp["in_w"] = jax.random.normal(ks[4], (3 * D, D), dtype=jnp.float32) * (1.0 / np.sqrt(D))
    inp["in_b"] = jnp.zeros((3 * D,), dtype=jnp.float32)
    inp["out_w"] = jax.random.normal(ks[5], (D, D), dtype=jnp.float32) * (1.0 / np.sqrt(D))
    inp["out_b"] = jnp.zeros((D,), dtype=jnp.float32)
    inp["dW"] = jax.random.normal(ks[6], (D_DESC, D), dtype=jnp.float32) * (1.0 / np.sqrt(D))
    inp["db"] = jnp.zeros((D_DESC,), dtype=jnp.float32)
    inp["g"] = jnp.ones((D_DESC,), dtype=jnp.float32)
    inp["beta"] = jnp.zeros((D_DESC,), dtype=jnp.float32)
    return inp


def _forward(event_features, keypoints, idx, valid, ml, qW, qb, in_w, in_b, out_w, out_b, dW, db, g, beta):
    B, K, _ = keypoints.shape
    D = event_features.shape[2]
    hd = D // H
    bidx = jnp.arange(B)[:, None, None]
    # gather local event features per keypoint; invalid slots zeroed (torch buffer init)
    lf = event_features[bidx, idx] * valid[..., None].astype(event_features.dtype)
    pad = ~valid  # True = padding (key_padding_mask)
    queries = keypoints @ qW.T + qb  # [B, K, D]
    q = queries.reshape(B * K, 1, D)
    kf = lf.reshape(B * K, ml, D)
    qp = q @ in_w[:D].T + in_b[:D]
    kp = kf @ in_w[D:2 * D].T + in_b[D:2 * D]
    vp = kf @ in_w[2 * D:].T + in_b[2 * D:]
    qh = qp.reshape(B * K, 1, H, hd).transpose(0, 2, 1, 3)
    kh = kp.reshape(B * K, ml, H, hd).transpose(0, 2, 1, 3)
    vh = vp.reshape(B * K, ml, H, hd).transpose(0, 2, 1, 3)
    scores = jnp.einsum('bhqd,bhkd->bhqk', qh, kh) / jnp.sqrt(jnp.float32(hd))
    padf = pad.reshape(B * K, ml)
    scores = jnp.where(padf[:, None, None, :], -jnp.inf, scores)
    w = jax.nn.softmax(scores, axis=-1)
    ctx = jnp.einsum('bhqk,bhkd->bhqd', w, vh).transpose(0, 2, 1, 3).reshape(B * K, 1, D)
    attn_out = ctx @ out_w.T + out_b
    x = attn_out.reshape(B, K, D) @ dW.T + db
    mu = x.mean(-1, keepdims=True)
    var = ((x - mu) ** 2).mean(-1, keepdims=True)
    x = (x - mu) / jnp.sqrt(var + 1e-5) * g + beta
    nrm = jnp.linalg.norm(x, axis=-1, keepdims=True)
    x = x / jnp.maximum(nrm, 1e-12)
    return x


def reference(event_features, positions, mask, keypoints, qW, qb, in_w, in_b, out_w, out_b, dW, db, g, beta):
    B, K, _ = keypoints.shape
    N, D = event_features.shape[1], event_features.shape[2]
    dists = jnp.linalg.norm(positions[:, None, :, :] - keypoints[:, :, None, :], axis=-1)
    local = (dists < RADIUS) & mask[:, None, :]
    ml_count = local.sum(axis=2).max()
    ml = min(N, 256)
    # stable argsort: valid (False->0) events first, ascending event index within group
    order = jnp.argsort((~local).astype(jnp.int32), axis=2)
    idx = order[:, :, :ml]
    valid = jnp.take_along_axis(local, idx, axis=2)
    out = _forward(event_features, keypoints, idx, valid, ml, qW, qb, in_w, in_b, out_w, out_b, dW, db, g, beta)
    return jnp.where(ml_count >= MIN_EVENTS, out, jnp.zeros((B, K, D_DESC), dtype=jnp.float32))

if __name__ == "__main__":
    import jax
    _d = setup_inputs()
    print(jax.jit(kernel)(*tuple(_d.values())))

</pallas_src>

<mosaic_0001>
#map = affine_map<(d0, d1) -> (0, 0)>
module attributes {stable_mosaic.version = 14 : i64} {
  func.func @_count_body(%arg0: i32, %arg1: i32, %arg2: memref<2x512xf32, #tpu.memory_space<hbm>>, %arg3: memref<2x512xf32, #tpu.memory_space<hbm>>, %arg4: memref<2x2048xf32, #tpu.memory_space<hbm>>, %arg5: memref<2x2048xf32, #tpu.memory_space<hbm>>, %arg6: memref<2x2048xf32, #tpu.memory_space<hbm>>, %arg7: memref<2x8192xf32, #tpu.memory_space<hbm>>, %arg8: memref<2048xf32, #tpu.memory_space<vmem>>, %arg9: memref<2048xf32, #tpu.memory_space<vmem>>, %arg10: memref<2048xf32, #tpu.memory_space<vmem>>, %arg11: memref<32xf32, #tpu.memory_space<vmem>>, %arg12: memref<32xf32, #tpu.memory_space<vmem>>, %arg13: memref<512xf32, #tpu.memory_space<vmem>>) attributes {dimension_semantics = [#tpu.dimension_semantics<core_parallel>, #tpu.dimension_semantics<subcore_parallel>], iteration_bounds = array<i64: 2, 16>, scalar_prefetch = 0 : i64, scratch_operands = 6 : i64, tpu.core_type = #tpu.core_type<sc_vector_subcore>, window_params = [{transform_indices = #map}, {transform_indices = #map}, {transform_indices = #map}, {transform_indices = #map}, {transform_indices = #map}, {transform_indices = #map}]} {
    %mul3A = arith.constant 2 : i32
    %mul3A_0 = arith.muli %arg1, %mul3A : i32
    %add3A = arith.addi %mul3A_0, %arg0 : i32
    %jit3A = arith.constant 16 : i32
    %div3A = arith.divsi %add3A, %jit3A : i32
    %sign3A = arith.constant 0 : i32
    %sign3A_1 = arith.cmpi sgt, %add3A, %sign3A : i32
    %sign3A_2 = arith.extui %sign3A_1 : i1 to i32
    %sign3A_3 = arith.constant 0 : i32
    %sign3A_4 = arith.cmpi slt, %add3A, %sign3A_3 : i32
    %sign3A_5 = arith.extui %sign3A_4 : i1 to i32
    %sign3A_6 = arith.subi %sign3A_2, %sign3A_5 : i32
    %sign3A_7 = arith.constant 0 : i32
    %sign3A_8 = arith.cmpi sgt, %jit3A, %sign3A_7 : i32
    %sign3A_9 = arith.extui %sign3A_8 : i1 to i32
    %sign3A_10 = arith.constant 0 : i32
    %sign3A_11 = arith.cmpi slt, %jit3A, %sign3A_10 : i32
    %sign3A_12 = arith.extui %sign3A_11 : i1 to i32
    %sign3A_13 = arith.subi %sign3A_9, %sign3A_12 : i32
    %ne3A = arith.cmpi ne, %sign3A_6, %sign3A_13 : i32
    %rem3A = arith.remsi %add3A, %jit3A : i32
    %ne3A_14 = arith.constant 0 : i32
    %ne3A_15 = arith.cmpi ne, %rem3A, %ne3A_14 : i32
    %and3A = arith.andi %ne3A, %ne3A_15 : i1
    %sub3A = arith.constant 1 : i32
    %sub3A_16 = arith.subi %div3A, %sub3A : i32
    %select_n3A = arith.select %and3A, %sub3A_16, %div3A : i32
    %jit3A_17 = arith.constant 16 : i32
    %eq3A = arith.constant 0 : i32
    %eq3A_18 = arith.cmpi eq, %jit3A_17, %eq3A : i32
    %jit3A_19 = arith.constant 1 : i32
    %select_n3A_20 = arith.select %eq3A_18, %jit3A_19, %jit3A_17 : i32
    %rem3A_21 = arith.remsi %add3A, %select_n3A_20 : i32
    %ne3A_22 = arith.constant 0 : i32
    %ne3A_23 = arith.cmpi ne, %rem3A_21, %ne3A_22 : i32
    %lt3A = arith.constant 0 : i32
    %lt3A_24 = arith.cmpi slt, %rem3A_21, %lt3A : i32
    %lt3A_25 = arith.constant 0 : i32
    %lt3A_26 = arith.cmpi slt, %select_n3A_20, %lt3A_25 : i32
    %ne3A_27 = arith.xori %lt3A_24, %lt3A_26 : i1
    %and3A_28 = arith.andi %ne3A_27, %ne3A_23 : i1
    %add3A_29 = arith.addi %rem3A_21, %select_n3A_20 : i32
    %select_n3A_30 = arith.select %and3A_28, %add3A_29, %rem3A_21 : i32
    %mul3A_31 = arith.constant 32 : i32
    %mul3A_32 = arith.muli %select_n3A_30, %mul3A_31 : i32
    "tpu.region"() ({
      %run_scoped3A = tpu.sem_alloc : memref<!tpu.dma_semaphore, #tpu.memory_space<semaphore_mem>>
      %dma_start3A = arith.constant 0 : i32
      %dma_start3A_553 = tpu.memref_slice %arg4[%select_n3A, %dma_start3A] : memref<2x2048xf32, #tpu.memory_space<hbm>> -> memref<1x2048xf32, #tpu.memory_space<hbm>>
      %dma_start3A_554 = tpu.memref_squeeze %dma_start3A_553 : memref<1x2048xf32, #tpu.memory_space<hbm>> -> memref<2048xf32, #tpu.memory_space<hbm>>
      %dma_start3A_555 = arith.constant 0 : i32
      %dma_start3A_556 = tpu.memref_slice %arg4[%select_n3A, %dma_start3A_555] : memref<2x2048xf32, #tpu.memory_space<hbm>> -> memref<1x2048xf32, #tpu.memory_space<hbm>>
      %dma_start3A_557 = tpu.memref_squeeze %dma_start3A_556 : memref<1x2048xf32, #tpu.memory_space<hbm>> -> memref<2048xf32, #tpu.memory_space<hbm>>
      tpu.enqueue_dma source(%dma_start3A_557 : memref<2048xf32, #tpu.memory_space<hbm>>) target(%arg8 : memref<2048xf32, #tpu.memory_space<vmem>>) target_semaphore(%run_scoped3A : memref<!tpu.dma_semaphore, #tpu.memory_space<semaphore_mem>>)
      %dma_wait3A = arith.constant 0 : i32
      %dma_wait3A_558 = tpu.memref_slice %arg4[%select_n3A, %dma_wait3A] : memref<2x2048xf32, #tpu.memory_space<hbm>> -> memref<1x2048xf32, #tpu.memory_space<hbm>>
      %dma_wait3A_559 = tpu.memref_squeeze %dma_wait3A_558 : memref<1x2048xf32, #tpu.memory_space<hbm>> -> memref<2048xf32, #tpu.memory_space<hbm>>
      %dma_wait3A_560 = arith.constant 0 : i32
      %dma_wait3A_561 = tpu.memref_slice %arg4[%select_n3A, %dma_wait3A_560] : memref<2x2048xf32, #tpu.memory_space<hbm>> -> memref<1x2048xf32, #tpu.memory_space<hbm>>
      %dma_wait3A_562 = tpu.memref_squeeze %dma_wait3A_561 : memref<1x2048xf32, #tpu.memory_space<hbm>> -> memref<2048xf32, #tpu.memory_space<hbm>>
      tpu.wait_dma2 semaphore(%run_scoped3A : memref<!tpu.dma_semaphore, #tpu.memory_space<semaphore_mem>>) src(%dma_wait3A_562 : memref<2048xf32, #tpu.memory_space<hbm>>) dst(%arg8 : memref<2048xf32, #tpu.memory_space<vmem>>)
      tpu.yield
    }) : () -> ()
    "tpu.region"() ({
      %run_scoped3A = tpu.sem_alloc : memref<!tpu.dma_semaphore, #tpu.memory_space<semaphore_mem>>
      %dma_start3A = arith.constant 0 : i32
      %dma_start3A_553 = tpu.memref_slice %arg5[%select_n3A, %dma_start3A] : memref<2x2048xf32, #tpu.memory_space<hbm>> -> memref<1x2048xf32, #tpu.memory_space<hbm>>
      %dma_start3A_554 = tpu.memref_squeeze %dma_start3A_553 : memref<1x2048xf32, #tpu.memory_space<hbm>> -> memref<2048xf32, #tpu.memory_space<hbm>>
      %dma_start3A_555 = arith.constant 0 : i32
      %dma_start3A_556 = tpu.memref_slice %arg5[%select_n3A, %dma_start3A_555] : memref<2x2048xf32, #tpu.memory_space<hbm>> -> memref<1x2048xf32, #tpu.memory_space<hbm>>
      %dma_start3A_557 = tpu.memref_squeeze %dma_start3A_556 : memref<1x2048xf32, #tpu.memory_space<hbm>> -> memref<2048xf32, #tpu.memory_space<hbm>>
      tpu.enqueue_dma source(%dma_start3A_557 : memref<2048xf32, #tpu.memory_space<hbm>>) target(%arg9 : memref<2048xf32, #tpu.memory_space<vmem>>) target_semaphore(%run_scoped3A : memref<!tpu.dma_semaphore, #tpu.memory_space<semaphore_mem>>)
      %dma_wait3A = arith.constant 0 : i32
      %dma_wait3A_558 = tpu.memref_slice %arg5[%select_n3A, %dma_wait3A] : memref<2x2048xf32, #tpu.memory_space<hbm>> -> memref<1x2048xf32, #tpu.memory_space<hbm>>
      %dma_wait3A_559 = tpu.memref_squeeze %dma_wait3A_558 : memref<1x2048xf32, #tpu.memory_space<hbm>> -> memref<2048xf32, #tpu.memory_space<hbm>>
      %dma_wait3A_560 = arith.constant 0 : i32
      %dma_wait3A_561 = tpu.memref_slice %arg5[%select_n3A, %dma_wait3A_560] : memref<2x2048xf32, #tpu.memory_space<hbm>> -> memref<1x2048xf32, #tpu.memory_space<hbm>>
      %dma_wait3A_562 = tpu.memref_squeeze %dma_wait3A_561 : memref<1x2048xf32, #tpu.memory_space<hbm>> -> memref<2048xf32, #tpu.memory_space<hbm>>
      tpu.wait_dma2 semaphore(%run_scoped3A : memref<!tpu.dma_semaphore, #tpu.memory_space<semaphore_mem>>) src(%dma_wait3A_562 : memref<2048xf32, #tpu.memory_space<hbm>>) dst(%arg9 : memref<2048xf32, #tpu.memory_space<vmem>>)
      tpu.yield
    }) : () -> ()
    "tpu.region"() ({
      %run_scoped3A = tpu.sem_alloc : memref<!tpu.dma_semaphore, #tpu.memory_space<semaphore_mem>>
      %dma_start3A = arith.constant 0 : i32
      %dma_start3A_553 = tpu.memref_slice %arg6[%select_n3A, %dma_start3A] : memref<2x2048xf32, #tpu.memory_space<hbm>> -> memref<1x2048xf32, #tpu.memory_space<hbm>>
      %dma_start3A_554 = tpu.memref_squeeze %dma_start3A_553 : memref<1x2048xf32, #tpu.memory_space<hbm>> -> memref<2048xf32, #tpu.memory_space<hbm>>
      %dma_start3A_555 = arith.constant 0 : i32
      %dma_start3A_556 = tpu.memref_slice %arg6[%select_n3A, %dma_start3A_555] : memref<2x2048xf32, #tpu.memory_space<hbm>> -> memref<1x2048xf32, #tpu.memory_space<hbm>>
      %dma_start3A_557 = tpu.memref_squeeze %dma_start3A_556 : memref<1x2048xf32, #tpu.memory_space<hbm>> -> memref<2048xf32, #tpu.memory_space<hbm>>
      tpu.enqueue_dma source(%dma_start3A_557 : memref<2048xf32, #tpu.memory_space<hbm>>) target(%arg10 : memref<2048xf32, #tpu.memory_space<vmem>>) target_semaphore(%run_scoped3A : memref<!tpu.dma_semaphore, #tpu.memory_space<semaphore_mem>>)
      %dma_wait3A = arith.constant 0 : i32
      %dma_wait3A_558 = tpu.memref_slice %arg6[%select_n3A, %dma_wait3A] : memref<2x2048xf32, #tpu.memory_space<hbm>> -> memref<1x2048xf32, #tpu.memory_space<hbm>>
      %dma_wait3A_559 = tpu.memref_squeeze %dma_wait3A_558 : memref<1x2048xf32, #tpu.memory_space<hbm>> -> memref<2048xf32, #tpu.memory_space<hbm>>
      %dma_wait3A_560 = arith.constant 0 : i32
      %dma_wait3A_561 = tpu.memref_slice %arg6[%select_n3A, %dma_wait3A_560] : memref<2x2048xf32, #tpu.memory_space<hbm>> -> memref<1x2048xf32, #tpu.memory_space<hbm>>
      %dma_wait3A_562 = tpu.memref_squeeze %dma_wait3A_561 : memref<1x2048xf32, #tpu.memory_space<hbm>> -> memref<2048xf32, #tpu.memory_space<hbm>>
      tpu.wait_dma2 semaphore(%run_scoped3A : memref<!tpu.dma_semaphore, #tpu.memory_space<semaphore_mem>>) src(%dma_wait3A_562 : memref<2048xf32, #tpu.memory_space<hbm>>) dst(%arg10 : memref<2048xf32, #tpu.memory_space<vmem>>)
      tpu.yield
    }) : () -> ()
    "tpu.region"() ({
      %run_scoped3A = tpu.sem_alloc : memref<!tpu.dma_semaphore, #tpu.memory_space<semaphore_mem>>
      %dma_start3A = tpu.memref_slice %arg2[%select_n3A, %mul3A_32] : memref<2x512xf32, #tpu.memory_space<hbm>> -> memref<1x32xf32, #tpu.memory_space<hbm>>
      %dma_start3A_553 = tpu.memref_squeeze %dma_start3A : memref<1x32xf32, #tpu.memory_space<hbm>> -> memref<32xf32, #tpu.memory_space<hbm>>
      %dma_start3A_554 = tpu.memref_slice %arg2[%select_n3A, %mul3A_32] : memref<2x512xf32, #tpu.memory_space<hbm>> -> memref<1x32xf32, #tpu.memory_space<hbm>>
      %dma_start3A_555 = tpu.memref_squeeze %dma_start3A_554 : memref<1x32xf32, #tpu.memory_space<hbm>> -> memref<32xf32, #tpu.memory_space<hbm>>
      tpu.enqueue_dma source(%dma_start3A_555 : memref<32xf32, #tpu.memory_space<hbm>>) target(%arg11 : memref<32xf32, #tpu.memory_space<vmem>>) target_semaphore(%run_scoped3A : memref<!tpu.dma_semaphore, #tpu.memory_space<semaphore_mem>>)
      %dma_wait3A = tpu.memref_slice %arg2[%select_n3A, %mul3A_32] : memref<2x512xf32, #tpu.memory_space<hbm>> -> memref<1x32xf32, #tpu.memory_space<hbm>>
      %dma_wait3A_556 = tpu.memref_squeeze %dma_wait3A : memref<1x32xf32, #tpu.memory_space<hbm>> -> memref<32xf32, #tpu.memory_space<hbm>>
      %dma_wait3A_557 = tpu.memref_slice %arg2[%select_n3A, %mul3A_32] : memref<2x512xf32, #tpu.memory_space<hbm>> -> memref<1x32xf32, #tpu.memory_space<hbm>>
      %dma_wait3A_558 = tpu.memref_squeeze %dma_wait3A_557 : memref<1x32xf32, #tpu.memory_space<hbm>> -> memref<32xf32, #tpu.memory_space<hbm>>
      tpu.wait_dma2 semaphore(%run_scoped3A : memref<!tpu.dma_semaphore, #tpu.memory_space<semaphore_mem>>) src(%dma_wait3A_558 : memref<32xf32, #tpu.memory_space<hbm>>) dst(%arg11 : memref<32xf32, #tpu.memory_space<vmem>>)
      tpu.yield
    }) : () -> ()
    "tpu.region"() ({
      %run_scoped3A = tpu.sem_alloc : memref<!tpu.dma_semaphore, #tpu.memory_space<semaphore_mem>>
      %dma_start3A = tpu.memref_slice %arg3[%select_n3A, %mul3A_32] : memref<2x512xf32, #tpu.memory_space<hbm>> -> memref<1x32xf32, #tpu.memory_space<hbm>>
      %dma_start3A_553 = tpu.memref_squeeze %dma_start3A : memref<1x32xf32, #tpu.memory_space<hbm>> -> memref<32xf32, #tpu.memory_space<hbm>>
      %dma_start3A_554 = tpu.memref_slice %arg3[%select_n3A, %mul3A_32] : memref<2x512xf32, #tpu.memory_space<hbm>> -> memref<1x32xf32, #tpu.memory_space<hbm>>
      %dma_start3A_555 = tpu.memref_squeeze %dma_start3A_554 : memref<1x32xf32, #tpu.memory_space<hbm>> -> memref<32xf32, #tpu.memory_space<hbm>>
      tpu.enqueue_dma source(%dma_start3A_555 : memref<32xf32, #tpu.memory_space<hbm>>) target(%arg12 : memref<32xf32, #tpu.memory_space<vmem>>) target_semaphore(%run_scoped3A : memref<!tpu.dma_semaphore, #tpu.memory_space<semaphore_mem>>)
      %dma_wait3A = tpu.memref_slice %arg3[%select_n3A, %mul3A_32] : memref<2x512xf32, #tpu.memory_space<hbm>> -> memref<1x32xf32, #tpu.memory_space<hbm>>
      %dma_wait3A_556 = tpu.memref_squeeze %dma_wait3A : memref<1x32xf32, #tpu.memory_space<hbm>> -> memref<32xf32, #tpu.memory_space<hbm>>
      %dma_wait3A_557 = tpu.memref_slice %arg3[%select_n3A, %mul3A_32] : memref<2x512xf32, #tpu.memory_space<hbm>> -> memref<1x32xf32, #tpu.memory_space<hbm>>
      %dma_wait3A_558 = tpu.memref_squeeze %dma_wait3A_557 : memref<1x32xf32, #tpu.memory_space<hbm>> -> memref<32xf32, #tpu.memory_space<hbm>>
      tpu.wait_dma2 semaphore(%run_scoped3A : memref<!tpu.dma_semaphore, #tpu.memory_space<semaphore_mem>>) src(%dma_wait3A_558 : memref<32xf32, #tpu.memory_space<hbm>>) dst(%arg12 : memref<32xf32, #tpu.memory_space<vmem>>)
      tpu.yield
    }) : () -> ()
    %get3A = arith.constant 0 : index
    %get3A_33 = tpu.vector_load %arg11[%get3A] {strides = array<i32>} : memref<32xf32, #tpu.memory_space<vmem>>, vector<16xf32>,
    %get3A_34 = vector.shape_cast %get3A_33 : vector<16xf32> to vector<16xf32>
    %get3A_35 = arith.constant 0 : index
    %get3A_36 = tpu.vector_load %arg12[%get3A_35] {strides = array<i32>} : memref<32xf32, #tpu.memory_space<vmem>>, vector<16xf32>,
    %get3A_37 = vector.shape_cast %get3A_36 : vector<16xf32> to vector<16xf32>
    %slice3A = vector.extract_strided_slice %get3A_34 {offsets = [0], sizes = [1], strides = [1]} : vector<16xf32> to vector<1xf32>
    %squeeze3A = vector.extract %slice3A[0] : f32 from vector<1xf32>
    %slice3A_38 = vector.extract_strided_slice %get3A_37 {offsets = [0], sizes = [1], strides = [1]} : vector<16xf32> to vector<1xf32>
    %squeeze3A_39 = vector.extract %slice3A_38[0] : f32 from vector<1xf32>
    %broadcast_in_dim3A = arith.constant 0.000000e+00 : f32
    %broadcast_in_dim3A_40 = vector.broadcast %broadcast_in_dim3A : f32 to vector<16xf32>
    %scan3A = arith.constant 0 : i32
    %scan3A_41 = arith.constant 128 : i32
    %scan3A_42 = arith.addi %scan3A, %scan3A_41 : i32
    %scan3A_43 = arith.constant 1 : i32
    %scan3A_44 = scf.for %scan3A_553 = %scan3A to %scan3A_42 step %scan3A_43 iter_args(%scan3A_554 = %broadcast_in_dim3A_40) -> (vector<16xf32>)  : i32 {
      %mul3A_555 = arith.constant 16 : i32
      %mul3A_556 = arith.muli %scan3A_553, %mul3A_555 : i32
      %get3A_557 = arith.index_cast %mul3A_556 : i32 to index
      %get3A_558 = tpu.vector_load %arg8[%get3A_557] {strides = array<i32>} : memref<2048xf32, #tpu.memory_space<vmem>>, vector<16xf32>,
      %get3A_559 = vector.shape_cast %get3A_558 : vector<16xf32> to vector<16xf32>
      %sub3A_560 = vector.broadcast %squeeze3A : f32 to vector<16xf32>
      %sub3A_561 = arith.subf %get3A_559, %sub3A_560 : vector<16xf32>
      %get3A_562 = arith.index_cast %mul3A_556 : i32 to index
      %get3A_563 = tpu.vector_load %arg9[%get3A_562] {strides = array<i32>} : memref<2048xf32, #tpu.memory_space<vmem>>, vector<16xf32>,
      %get3A_564 = vector.shape_cast %get3A_563 : vector<16xf32> to vector<16xf32>
      %sub3A_565 = vector.broadcast %squeeze3A_39 : f32 to vector<16xf32>
      %sub3A_566 = arith.subf %get3A_564, %sub3A_565 : vector<16xf32>
      %mul3A_567 = arith.mulf %sub3A_561, %sub3A_561 : vector<16xf32>
      %mul3A_568 = arith.mulf %sub3A_566, %sub3A_566 : vector<16xf32>
      %add3A_569 = arith.addf %mul3A_567, %mul3A_568 : vector<16xf32>
      %lt3A_570 = arith.constant 0.00999999977 : f32
      %lt3A_571 = vector.broadcast %lt3A_570 : f32 to vector<16xf32>
      %lt3A_572 = arith.cmpf olt, %add3A_569, %lt3A_571 : vector<16xf32>
      %get3A_573 = arith.index_cast %mul3A_556 : i32 to index
      %get3A_574 = tpu.vector_load %arg10[%get3A_573] {strides = array<i32>} : memref<2048xf32, #tpu.memory_space<vmem>>, vector<16xf32>,
      %get3A_575 = vector.shape_cast %get3A_574 : vector<16xf32> to vector<16xf32>
      %gt3A = arith.constant 0.000000e+00 : f32
      %gt3A_576 = vector.broadcast %gt3A : f32 to vector<16xf32>
      %gt3A_577 = arith.cmpf ogt, %get3A_575, %gt3A_576 : vector<16xf32>
      %and3A_578 = arith.andi %lt3A_572, %gt3A_577 : vector<16xi1>
      %jit3A_579 = arith.constant 1.000000e+00 : f32
      %jit3A_580 = arith.constant 0.000000e+00 : f32
      %broadcast_in_dim3A_581 = vector.broadcast %jit3A_579 : f32 to vector<16xf32>
      %broadcast_in_dim3A_582 = vector.broadcast %jit3A_580 : f32 to vector<16xf32>
      %select_n3A_583 = arith.select %and3A_578, %broadcast_in_dim3A_581, %broadcast_in_dim3A_582 : vector<16xi1>, vector<16xf32>
      %add3A_584 = arith.addf %scan3A_554, %select_n3A_583 : vector<16xf32>
      scf.yield %add3A_584 : vector<16xf32>
    }
    %scan3A_45 = arith.constant 128 : i32
    %swap3A = arith.constant 0 : index
    %swap3A_46 = tpu.vector_load %arg13[%swap3A] {strides = array<i32>} : memref<512xf32, #tpu.memory_space<vmem>>, vector<16xf32>,
    %swap3A_47 = vector.shape_cast %swap3A_46 : vector<16xf32> to vector<16xf32>
    %swap3A_48 = vector.shape_cast %scan3A_44 : vector<16xf32> to vector<16xf32>
    tpu.vector_store %arg13[%swap3A], %swap3A_48 {strides = array<i32>} : memref<512xf32, #tpu.memory_space<vmem>>, vector<16xf32>,
    %slice3A_49 = vector.extract_strided_slice %get3A_34 {offsets = [1], sizes = [1], strides = [1]} : vector<16xf32> to vector<1xf32>
    %squeeze3A_50 = vector.extract %slice3A_49[0] : f32 from vector<1xf32>
    %slice3A_51 = vector.extract_strided_slice %get3A_37 {offsets = [1], sizes = [1], strides = [1]} : vector<16xf32> to vector<1xf32>
    %squeeze3A_52 = vector.extract %slice3A_51[0] : f32 from vector<1xf32>
    %broadcast_in_dim3A_53 = arith.constant 0.000000e+00 : f32
    %broadcast_in_dim3A_54 = vector.broadcast %broadcast_in_dim3A_53 : f32 to vector<16xf32>
    %scan3A_55 = arith.constant 0 : i32
    %scan3A_56 = arith.constant 128 : i32
    %scan3A_57 = arith.addi %scan3A_55, %scan3A_56 : i32
    %scan3A_58 = arith.constant 1 : i32
    %scan3A_59 = scf.for %scan3A_553 = %scan3A_55 to %scan3A_57 step %scan3A_58 iter_args(%scan3A_554 = %broadcast_in_dim3A_54) -> (vector<16xf32>)  : i32 {
      %mul3A_555 = arith.constant 16 : i32
      %mul3A_556 = arith.muli %scan3A_553, %mul3A_555 : i32
      %get3A_557 = arith.index_cast %mul3A_556 : i32 to index
      %get3A_558 = tpu.vector_load %arg8[%get3A_557] {strides = array<i32>} : memref<2048xf32, #tpu.memory_space<vmem>>, vector<16xf32>,
      %get3A_559 = vector.shape_cast %get3A_558 : vector<16xf32> to vector<16xf32>
      %sub3A_560 = vector.broadcast %squeeze3A_50 : f32 to vector<16xf32>
      %sub3A_561 = arith.subf %get3A_559, %sub3A_560 : vector<16xf32>
      %get3A_562 = arith.index_cast %mul3A_556 : i32 to index
      %get3A_563 = tpu.vector_load %arg9[%get3A_562] {strides = array<i32>} : memref<2048xf32, #tpu.memory_space<vmem>>, vector<16xf32>,
      %get3A_564 = vector.shape_cast %get3A_563 : vector<16xf32> to vector<16xf32>
      %sub3A_565 = vector.broadcast %squeeze3A_52 : f32 to vector<16xf32>
      %sub3A_566 = arith.subf %get3A_564, %sub3A_565 : vector<16xf32>
      %mul3A_567 = arith.mulf %sub3A_561, %sub3A_561 : vector<16xf32>
      %mul3A_568 = arith.mulf %sub3A_566, %sub3A_566 : vector<16xf32>
      %add3A_569 = arith.addf %mul3A_567, %mul3A_568 : vector<16xf32>
      %lt3A_570 = arith.constant 0.00999999977 : f32
      %lt3A_571 = vector.broadcast %lt3A_570 : f32 to vector<16xf32>
      %lt3A_572 = arith.cmpf olt, %add3A_569, %lt3A_571 : vector<16xf32>
      %get3A_573 = arith.index_cast %mul3A_556 : i32 to index
      %get3A_574 = tpu.vector_load %arg10[%get3A_573] {strides = array<i32>} : memref<2048xf32, #tpu.memory_space<vmem>>, vector<16xf32>,
      %get3A_575 = vector.shape_cast %get3A_574 : vector<16xf32> to vector<16xf32>
      %gt3A = arith.constant 0.000000e+00 : f32
      %gt3A_576 = vector.broadcast %gt3A : f32 to vector<16xf32>
      %gt3A_577 = arith.cmpf ogt, %get3A_575, %gt3A_576 : vector<16xf32>
      %and3A_578 = arith.andi %lt3A_572, %gt3A_577 : vector<16xi1>
      %jit3A_579 = arith.constant 1.000000e+00 : f32
      %jit3A_580 = arith.constant 0.000000e+00 : f32
      %broadcast_in_dim3A_581 = vector.broadcast %jit3A_579 : f32 to vector<16xf32>
      %broadcast_in_dim3A_582 = vector.broadcast %jit3A_580 : f32 to vector<16xf32>
      %select_n3A_583 = arith.select %and3A_578, %broadcast_in_dim3A_581, %broadcast_in_dim3A_582 : vector<16xi1>, vector<16xf32>
      %add3A_584 = arith.addf %scan3A_554, %select_n3A_583 : vector<16xf32>
      scf.yield %add3A_584 : vector<16xf32>
    }
    %scan3A_60 = arith.constant 128 : i32
    %swap3A_61 = arith.constant 16 : index
    %swap3A_62 = tpu.vector_load %arg13[%swap3A_61] {strides = array<i32>} : memref<512xf32, #tpu.memory_space<vmem>>, vector<16xf32>,
    %swap3A_63 = vector.shape_cast %swap3A_62 : vector<16xf32> to vector<16xf32>
    %swap3A_64 = vector.shape_cast %scan3A_59 : vector<16xf32> to vector<16xf32>
    tpu.vector_store %arg13[%swap3A_61], %swap3A_64 {strides = array<i32>} : memref<512xf32, #tpu.memory_space<vmem>>, vector<16xf32>,
    %slice3A_65 = vector.extract_strided_slice %get3A_34 {offsets = [2], sizes = [1], strides = [1]} : vector<16xf32> to vector<1xf32>
    %squeeze3A_66 = vector.extract %slice3A_65[0] : f32 from vector<1xf32>
    %slice3A_67 = vector.extract_strided_slice %get3A_37 {offsets = [2], sizes = [1], strides = [1]} : vector<16xf32> to vector<1xf32>
    %squeeze3A_68 = vector.extract %slice3A_67[0] : f32 from vector<1xf32>
    %broadcast_in_dim3A_69 = arith.constant 0.000000e+00 : f32
    %broadcast_in_dim3A_70 = vector.broadcast %broadcast_in_dim3A_69 : f32 to vector<16xf32>
    %scan3A_71 = arith.constant 0 : i32
    %scan3A_72 = arith.constant 128 : i32
    %scan3A_73 = arith.addi %scan3A_71, %scan3A_72 : i32
    %scan3A_74 = arith.constant 1 : i32
    %scan3A_75 = scf.for %scan3A_553 = %scan3A_71 to %scan3A_73 step %scan3A_74 iter_args(%scan3A_554 = %broadcast_in_dim3A_70) -> (vector<16xf32>)  : i32 {
      %mul3A_555 = arith.constant 16 : i32
      %mul3A_556 = arith.muli %scan3A_553, %mul3A_555 : i32
      %get3A_557 = arith.index_cast %mul3A_556 : i32 to index
      %get3A_558 = tpu.vector_load %arg8[%get3A_557] {strides = array<i32>} : memref<2048xf32, #tpu.memory_space<vmem>>, vector<16xf32>,
      %get3A_559 = vector.shape_cast %get3A_558 : vector<16xf32> to vector<16xf32>
      %sub3A_560 = vector.broadcast %squeeze3A_66 : f32 to vector<16xf32>
      %sub3A_561 = arith.subf %get3A_559, %sub3A_560 : vector<16xf32>
      %get3A_562 = arith.index_cast %mul3A_556 : i32 to index
      %get3A_563 = tpu.vector_load %arg9[%get3A_562] {strides = array<i32>} : memref<2048xf32, #tpu.memory_space<vmem>>, vector<16xf32>,
      %get3A_564 = vector.shape_cast %get3A_563 : vector<16xf32> to vector<16xf32>
      %sub3A_565 = vector.broadcast %squeeze3A_68 : f32 to vector<16xf32>
      %sub3A_566 = arith.subf %get3A_564, %sub3A_565 : vector<16xf32>
      %mul3A_567 = arith.mulf %sub3A_561, %sub3A_561 : vector<16xf32>
      %mul3A_568 = arith.mulf %sub3A_566, %sub3A_566 : vector<16xf32>
      %add3A_569 = arith.addf %mul3A_567, %mul3A_568 : vector<16xf32>
      %lt3A_570 = arith.constant 0.00999999977 : f32
      %lt3A_571 = vector.broadcast %lt3A_570 : f32 to vector<16xf32>
      %lt3A_572 = arith.cmpf olt, %add3A_569, %lt3A_571 : vector<16xf32>
      %get3A_573 = arith.index_cast %mul3A_556 : i32 to index
      %get3A_574 = tpu.vector_load %arg10[%get3A_573] {strides = array<i32>} : memref<2048xf32, #tpu.memory_space<vmem>>, vector<16xf32>,
      %get3A_575 = vector.shape_cast %get3A_574 : vector<16xf32> to vector<16xf32>
      %gt3A = arith.constant 0.000000e+00 : f32
      %gt3A_576 = vector.broadcast %gt3A : f32 to vector<16xf32>
      %gt3A_577 = arith.cmpf ogt, %get3A_575, %gt3A_576 : vector<16xf32>
      %and3A_578 = arith.andi %lt3A_572, %gt3A_577 : vector<16xi1>
      %jit3A_579 = arith.constant 1.000000e+00 : f32
      %jit3A_580 = arith.constant 0.000000e+00 : f32
      %broadcast_in_dim3A_581 = vector.broadcast %jit3A_579 : f32 to vector<16xf32>
      %broadcast_in_dim3A_582 = vector.broadcast %jit3A_580 : f32 to vector<16xf32>
      %select_n3A_583 = arith.select %and3A_578, %broadcast_in_dim3A_581, %broadcast_in_dim3A_582 : vector<16xi1>, vector<16xf32>
      %add3A_584 = arith.addf %scan3A_554, %select_n3A_583 : vector<16xf32>
      scf.yield %add3A_584 : vector<16xf32>
    }
    %scan3A_76 = arith.constant 128 : i32
    %swap3A_77 = arith.constant 32 : index
    %swap3A_78 = tpu.vector_load %arg13[%swap3A_77] {strides = array<i32>} : memref<512xf32, #tpu.memory_space<vmem>>, vector<16xf32>,
    %swap3A_79 = vector.shape_cast %swap3A_78 : vector<16xf32> to vector<16xf32>
    %swap3A_80 = vector.shape_cast %scan3A_75 : vector<16xf32> to vector<16xf32>
    tpu.vector_store %arg13[%swap3A_77], %swap3A_80 {strides = array<i32>} : memref<512xf32, #tpu.memory_space<vmem>>, vector<16xf32>,
    %slice3A_81 = vector.extract_strided_slice %get3A_34 {offsets = [3], sizes = [1], strides = [1]} : vector<16xf32> to vector<1xf32>
    %squeeze3A_82 = vector.extract %slice3A_81[0] : f32 from vector<1xf32>
    %slice3A_83 = vector.extract_strided_slice %get3A_37 {offsets = [3], sizes = [1], strides = [1]} : vector<16xf32> to vector<1xf32>
    %squeeze3A_84 = vector.extract %slice3A_83[0] : f32 from vector<1xf32>
    %broadcast_in_dim3A_85 = arith.constant 0.000000e+00 : f32
    %broadcast_in_dim3A_86 = vector.broadcast %broadcast_in_dim3A_85 : f32 to vector<16xf32>
    %scan3A_87 = arith.constant 0 : i32
    %scan3A_88 = arith.constant 128 : i32
    %scan3A_89 = arith.addi %scan3A_87, %scan3A_88 : i32
    %scan3A_90 = arith.constant 1 : i32
    %scan3A_91 = scf.for %scan3A_553 = %scan3A_87 to %scan3A_89 step %scan3A_90 iter_args(%scan3A_554 = %broadcast_in_dim3A_86) -> (vector<16xf32>)  : i32 {
      %mul3A_555 = arith.constant 16 : i32
      %mul3A_556 = arith.muli %scan3A_553, %mul3A_555 : i32
      %get3A_557 = arith.index_cast %mul3A_556 : i32 to index
      %get3A_558 = tpu.vector_load %arg8[%get3A_557] {strides = array<i32>} : memref<2048xf32, #tpu.memory_space<vmem>>, vector<16xf32>,
      %get3A_559 = vector.shape_cast %get3A_558 : vector<16xf32> to vector<16xf32>
      %sub3A_560 = vector.broadcast %squeeze3A_82 : f32 to vector<16xf32>
      %sub3A_561 = arith.subf %get3A_559, %sub3A_560 : vector<16xf32>
      %get3A_562 = arith.index_cast %mul3A_556 : i32 to index
      %get3A_563 = tpu.vector_load %arg9[%get3A_562] {strides = array<i32>} : memref<2048xf32, #tpu.memory_space<vmem>>, vector<16xf32>,
      %get3A_564 = vector.shape_cast %get3A_563 : vector<16xf32> to vector<16xf32>
      %sub3A_565 = vector.broadcast %squeeze3A_84 : f32 to vector<16xf32>
      %sub3A_566 = arith.subf %get3A_564, %sub3A_565 : vector<16xf32>
      %mul3A_567 = arith.mulf %sub3A_561, %sub3A_561 : vector<16xf32>
      %mul3A_568 = arith.mulf %sub3A_566, %sub3A_566 : vector<16xf32>
      %add3A_569 = arith.addf %mul3A_567, %mul3A_568 : vector<16xf32>
      %lt3A_570 = arith.constant 0.00999999977 : f32
      %lt3A_571 = vector.broadcast %lt3A_570 : f32 to vector<16xf32>
      %lt3A_572 = arith.cmpf olt, %add3A_569, %lt3A_571 : vector<16xf32>
      %get3A_573 = arith.index_cast %mul3A_556 : i32 to index
      %get3A_574 = tpu.vector_load %arg10[%get3A_573] {strides = array<i32>} : memref<2048xf32, #tpu.memory_space<vmem>>, vector<16xf32>,
      %get3A_575 = vector.shape_cast %get3A_574 : vector<16xf32> to vector<16xf32>
      %gt3A = arith.constant 0.000000e+00 : f32
      %gt3A_576 = vector.broadcast %gt3A : f32 to vector<16xf32>
      %gt3A_577 = arith.cmpf ogt, %get3A_575, %gt3A_576 : vector<16xf32>
      %and3A_578 = arith.andi %lt3A_572, %gt3A_577 : vector<16xi1>
      %jit3A_579 = arith.constant 1.000000e+00 : f32
      %jit3A_580 = arith.constant 0.000000e+00 : f32
      %broadcast_in_dim3A_581 = vector.broadcast %jit3A_579 : f32 to vector<16xf32>
      %broadcast_in_dim3A_582 = vector.broadcast %jit3A_580 : f32 to vector<16xf32>
      %select_n3A_583 = arith.select %and3A_578, %broadcast_in_dim3A_581, %broadcast_in_dim3A_582 : vector<16xi1>, vector<16xf32>
      %add3A_584 = arith.addf %scan3A_554, %select_n3A_583 : vector<16xf32>
      scf.yield %add3A_584 : vector<16xf32>
    }
    %scan3A_92 = arith.constant 128 : i32
    %swap3A_93 = arith.constant 48 : index
    %swap3A_94 = tpu.vector_load %arg13[%swap3A_93] {strides = array<i32>} : memref<512xf32, #tpu.memory_space<vmem>>, vector<16xf32>,
    %swap3A_95 = vector.shape_cast %swap3A_94 : vector<16xf32> to vector<16xf32>
    %swap3A_96 = vector.shape_cast %scan3A_91 : vector<16xf32> to vector<16xf32>
    tpu.vector_store %arg13[%swap3A_93], %swap3A_96 {strides = array<i32>} : memref<512xf32, #tpu.memory_space<vmem>>, vector<16xf32>,
    %slice3A_97 = vector.extract_strided_slice %get3A_34 {offsets = [4], sizes = [1], strides = [1]} : vector<16xf32> to vector<1xf32>
    %squeeze3A_98 = vector.extract %slice3A_97[0] : f32 from vector<1xf32>
    %slice3A_99 = vector.extract_strided_slice %get3A_37 {offsets = [4], sizes = [1], strides = [1]} : vector<16xf32> to vector<1xf32>
    %squeeze3A_100 = vector.extract %slice3A_99[0] : f32 from vector<1xf32>
    %broadcast_in_dim3A_101 = arith.constant 0.000000e+00 : f32
    %broadcast_in_dim3A_102 = vector.broadcast %broadcast_in_dim3A_101 : f32 to vector<16xf32>
    %scan3A_103 = arith.constant 0 : i32
    %scan3A_104 = arith.constant 128 : i32
    %scan3A_105 = arith.addi %scan3A_103, %scan3A_104 : i32
    %scan3A_106 = arith.constant 1 : i32
    %scan3A_107 = scf.for %scan3A_553 = %scan3A_103 to %scan3A_105 step %scan3A_106 iter_args(%scan3A_554 = %broadcast_in_dim3A_102) -> (vector<16xf32>)  : i32 {
      %mul3A_555 = arith.constant 16 : i32
      %mul3A_556 = arith.muli %scan3A_553, %mul3A_555 : i32
      %get3A_557 = arith.index_cast %mul3A_556 : i32 to index
      %get3A_558 = tpu.vector_load %arg8[%get3A_557] {strides = array<i32>} : memref<2048xf32, #tpu.memory_space<vmem>>, vector<16xf32>,
      %get3A_559 = vector.shape_cast %get3A_558 : vector<16xf32> to vector<16xf32>
      %sub3A_560 = vector.broadcast %squeeze3A_98 : f32 to vector<16xf32>
      %sub3A_561 = arith.subf %get3A_559, %sub3A_560 : vector<16xf32>
      %get3A_562 = arith.index_cast %mul3A_556 : i32 to index
      %get3A_563 = tpu.vector_load %arg9[%get3A_562] {strides = array<i32>} : memref<2048xf32, #tpu.memory_space<vmem>>, vector<16xf32>,
      %get3A_564 = vector.shape_cast %get3A_563 : vector<16xf32> to vector<16xf32>
      %sub3A_565 = vector.broadcast %squeeze3A_100 : f32 to vector<16xf32>
      %sub3A_566 = arith.subf %get3A_564, %sub3A_565 : vector<16xf32>
      %mul3A_567 = arith.mulf %sub3A_561, %sub3A_561 : vector<16xf32>
      %mul3A_568 = arith.mulf %sub3A_566, %sub3A_566 : vector<16xf32>
      %add3A_569 = arith.addf %mul3A_567, %mul3A_568 : vector<16xf32>
      %lt3A_570 = arith.constant 0.00999999977 : f32
      %lt3A_571 = vector.broadcast %lt3A_570 : f32 to vector<16xf32>
      %lt3A_572 = arith.cmpf olt, %add3A_569, %lt3A_571 : vector<16xf32>
      %get3A_573 = arith.index_cast %mul3A_556 : i32 to index
      %get3A_574 = tpu.vector_load %arg10[%get3A_573] {strides = array<i32>} : memref<2048xf32, #tpu.memory_space<vmem>>, vector<16xf32>,
      %get3A_575 = vector.shape_cast %get3A_574 : vector<16xf32> to vector<16xf32>
      %gt3A = arith.constant 0.000000e+00 : f32
      %gt3A_576 = vector.broadcast %gt3A : f32 to vector<16xf32>
      %gt3A_577 = arith.cmpf ogt, %get3A_575, %gt3A_576 : vector<16xf32>
      %and3A_578 = arith.andi %lt3A_572, %gt3A_577 : vector<16xi1>
      %jit3A_579 = arith.constant 1.000000e+00 : f32
      %jit3A_580 = arith.constant 0.000000e+00 : f32
      %broadcast_in_dim3A_581 = vector.broadcast %jit3A_579 : f32 to vector<16xf32>
      %broadcast_in_dim3A_582 = vector.broadcast %jit3A_580 : f32 to vector<16xf32>
      %select_n3A_583 = arith.select %and3A_578, %broadcast_in_dim3A_581, %broadcast_in_dim3A_582 : vector<16xi1>, vector<16xf32>
      %add3A_584 = arith.addf %scan3A_554, %select_n3A_583 : vector<16xf32>
      scf.yield %add3A_584 : vector<16xf32>
    }
    %scan3A_108 = arith.constant 128 : i32
    %swap3A_109 = arith.constant 64 : index
    %swap3A_110 = tpu.vector_load %arg13[%swap3A_109] {strides = array<i32>} : memref<512xf32, #tpu.memory_space<vmem>>, vector<16xf32>,
    %swap3A_111 = vector.shape_cast %swap3A_110 : vector<16xf32> to vector<16xf32>
    %swap3A_112 = vector.shape_cast %scan3A_107 : vector<16xf32> to vector<16xf32>
    tpu.vector_store %arg13[%swap3A_109], %swap3A_112 {strides = array<i32>} : memref<512xf32, #tpu.memory_space<vmem>>, vector<16xf32>,
    %slice3A_113 = vector.extract_strided_slice %get3A_34 {offsets = [5], sizes = [1], strides = [1]} : vector<16xf32> to vector<1xf32>
    %squeeze3A_114 = vector.extract %slice3A_113[0] : f32 from vector<1xf32>
    %slice3A_115 = vector.extract_strided_slice %get3A_37 {offsets = [5], sizes = [1], strides = [1]} : vector<16xf32> to vector<1xf32>
    %squeeze3A_116 = vector.extract %slice3A_115[0] : f32 from vector<1xf32>
    %broadcast_in_dim3A_117 = arith.constant 0.000000e+00 : f32
    %broadcast_in_dim3A_118 = vector.broadcast %broadcast_in_dim3A_117 : f32 to vector<16xf32>
    %scan3A_119 = arith.constant 0 : i32
    %scan3A_120 = arith.constant 128 : i32
    %scan3A_121 = arith.addi %scan3A_119, %scan3A_120 : i32
    %scan3A_122 = arith.constant 1 : i32
    %scan3A_123 = scf.for %scan3A_553 = %scan3A_119 to %scan3A_121 step %scan3A_122 iter_args(%scan3A_554 = %broadcast_in_dim3A_118) -> (vector<16xf32>)  : i32 {
      %mul3A_555 = arith.constant 16 : i32
      %mul3A_556 = arith.muli %scan3A_553, %mul3A_555 : i32
      %get3A_557 = arith.index_cast %mul3A_556 : i32 to index
      %get3A_558 = tpu.vector_load %arg8[%get3A_557] {strides = array<i32>} : memref<2048xf32, #tpu.memory_space<vmem>>, vector<16xf32>,
      %get3A_559 = vector.shape_cast %get3A_558 : vector<16xf32> to vector<16xf32>
      %sub3A_560 = vector.broadcast %squeeze3A_114 : f32 to vector<16xf32>
      %sub3A_561 = arith.subf %get3A_559, %sub3A_560 : vector<16xf32>
      %get3A_562 = arith.index_cast %mul3A_556 : i32 to index
      %get3A_563 = tpu.vector_load %arg9[%get3A_562] {strides = array<i32>} : memref<2048xf32, #tpu.memory_space<vmem>>, vector<16xf32>,
      %get3A_564 = vector.shape_cast %get3A_563 : vector<16xf32> to vector<16xf32>
      %sub3A_565 = vector.broadcast %squeeze3A_116 : f32 to vector<16xf32>
      %sub3A_566 = arith.subf %get3A_564, %sub3A_565 : vector<16xf32>
      %mul3A_567 = arith.mulf %sub3A_561, %sub3A_561 : vector<16xf32>
      %mul3A_568 = arith.mulf %sub3A_566, %sub3A_566 : vector<16xf32>
      %add3A_569 = arith.addf %mul3A_567, %mul3A_568 : vector<16xf32>
      %lt3A_570 = arith.constant 0.00999999977 : f32
      %lt3A_571 = vector.broadcast %lt3A_570 : f32 to vector<16xf32>
      %lt3A_572 = arith.cmpf olt, %add3A_569, %lt3A_571 : vector<16xf32>
      %get3A_573 = arith.index_cast %mul3A_556 : i32 to index
      %get3A_574 = tpu.vector_load %arg10[%get3A_573] {strides = array<i32>} : memref<2048xf32, #tpu.memory_space<vmem>>, vector<16xf32>,
      %get3A_575 = vector.shape_cast %get3A_574 : vector<16xf32> to vector<16xf32>
      %gt3A = arith.constant 0.000000e+00 : f32
      %gt3A_576 = vector.broadcast %gt3A : f32 to vector<16xf32>
      %gt3A_577 = arith.cmpf ogt, %get3A_575, %gt3A_576 : vector<16xf32>
      %and3A_578 = arith.andi %lt3A_572, %gt3A_577 : vector<16xi1>
      %jit3A_579 = arith.constant 1.000000e+00 : f32
      %jit3A_580 = arith.constant 0.000000e+00 : f32
      %broadcast_in_dim3A_581 = vector.broadcast %jit3A_579 : f32 to vector<16xf32>
      %broadcast_in_dim3A_582 = vector.broadcast %jit3A_580 : f32 to vector<16xf32>
      %select_n3A_583 = arith.select %and3A_578, %broadcast_in_dim3A_581, %broadcast_in_dim3A_582 : vector<16xi1>, vector<16xf32>
      %add3A_584 = arith.addf %scan3A_554, %select_n3A_583 : vector<16xf32>
      scf.yield %add3A_584 : vector<16xf32>
    }
    %scan3A_124 = arith.constant 128 : i32
    %swap3A_125 = arith.constant 80 : index
    %swap3A_126 = tpu.vector_load %arg13[%swap3A_125] {strides = array<i32>} : memref<512xf32, #tpu.memory_space<vmem>>, vector<16xf32>,
    %swap3A_127 = vector.shape_cast %swap3A_126 : vector<16xf32> to vector<16xf32>
    %swap3A_128 = vector.shape_cast %scan3A_123 : vector<16xf32> to vector<16xf32>
    tpu.vector_store %arg13[%swap3A_125], %swap3A_128 {strides = array<i32>} : memref<512xf32, #tpu.memory_space<vmem>>, vector<16xf32>,
    %slice3A_129 = vector.extract_strided_slice %get3A_34 {offsets = [6], sizes = [1], strides = [1]} : vector<16xf32> to vector<1xf32>
    %squeeze3A_130 = vector.extract %slice3A_129[0] : f32 from vector<1xf32>
    %slice3A_131 = vector.extract_strided_slice %get3A_37 {offsets = [6], sizes = [1], strides = [1]} : vector<16xf32> to vector<1xf32>
    %squeeze3A_132 = vector.extract %slice3A_131[0] : f32 from vector<1xf32>
    %broadcast_in_dim3A_133 = arith.constant 0.000000e+00 : f32
    %broadcast_in_dim3A_134 = vector.broadcast %broadcast_in_dim3A_133 : f32 to vector<16xf32>
    %scan3A_135 = arith.constant 0 : i32
    %scan3A_136 = arith.constant 128 : i32
    %scan3A_137 = arith.addi %scan3A_135, %scan3A_136 : i32
    %scan3A_138 = arith.constant 1 : i32
    %scan3A_139 = scf.for %scan3A_553 = %scan3A_135 to %scan3A_137 step %scan3A_138 iter_args(%scan3A_554 = %broadcast_in_dim3A_134) -> (vector<16xf32>)  : i32 {
      %mul3A_555 = arith.constant 16 : i32
      %mul3A_556 = arith.muli %scan3A_553, %mul3A_555 : i32
      %get3A_557 = arith.index_cast %mul3A_556 : i32 to index
      %get3A_558 = tpu.vector_load %arg8[%get3A_557] {strides = array<i32>} : memref<2048xf32, #tpu.memory_space<vmem>>, vector<16xf32>,
      %get3A_559 = vector.shape_cast %get3A_558 : vector<16xf32> to vector<16xf32>
      %sub3A_560 = vector.broadcast %squeeze3A_130 : f32 to vector<16xf32>
      %sub3A_561 = arith.subf %get3A_559, %sub3A_560 : vector<16xf32>
      %get3A_562 = arith.index_cast %mul3A_556 : i32 to index
      %get3A_563 = tpu.vector_load %arg9[%get3A_562] {strides = array<i32>} : memref<2048xf32, #tpu.memory_space<vmem>>, vector<16xf32>,
      %get3A_564 = vector.shape_cast %get3A_563 : vector<16xf32> to vector<16xf32>
      %sub3A_565 = vector.broadcast %squeeze3A_132 : f32 to vector<16xf32>
      %sub3A_566 = arith.subf %get3A_564, %sub3A_565 : vector<16xf32>
      %mul3A_567 = arith.mulf %sub3A_561, %sub3A_561 : vector<16xf32>
      %mul3A_568 = arith.mulf %sub3A_566, %sub3A_566 : vector<16xf32>
      %add3A_569 = arith.addf %mul3A_567, %mul3A_568 : vector<16xf32>
      %lt3A_570 = arith.constant 0.00999999977 : f32
      %lt3A_571 = vector.broadcast %lt3A_570 : f32 to vector<16xf32>
      %lt3A_572 = arith.cmpf olt, %add3A_569, %lt3A_571 : vector<16xf32>
      %get3A_573 = arith.index_cast %mul3A_556 : i32 to index
      %get3A_574 = tpu.vector_load %arg10[%get3A_573] {strides = array<i32>} : memref<2048xf32, #tpu.memory_space<vmem>>, vector<16xf32>,
      %get3A_575 = vector.shape_cast %get3A_574 : vector<16xf32> to vector<16xf32>
      %gt3A = arith.constant 0.000000e+00 : f32
      %gt3A_576 = vector.broadcast %gt3A : f32 to vector<16xf32>
      %gt3A_577 = arith.cmpf ogt, %get3A_575, %gt3A_576 : vector<16xf32>
      %and3A_578 = arith.andi %lt3A_572, %gt3A_577 : vector<16xi1>
      %jit3A_579 = arith.constant 1.000000e+00 : f32
      %jit3A_580 = arith.constant 0.000000e+00 : f32
      %broadcast_in_dim3A_581 = vector.broadcast %jit3A_579 : f32 to vector<16xf32>
      %broadcast_in_dim3A_582 = vector.broadcast %jit3A_580 : f32 to vector<16xf32>
      %select_n3A_583 = arith.select %and3A_578, %broadcast_in_dim3A_581, %broadcast_in_dim3A_582 : vector<16xi1>, vector<16xf32>
      %add3A_584 = arith.addf %scan3A_554, %select_n3A_583 : vector<16xf32>
      scf.yield %add3A_584 : vector<16xf32>
    }
    %scan3A_140 = arith.constant 128 : i32
    %swap3A_141 = arith.constant 96 : index
    %swap3A_142 = tpu.vector_load %arg13[%swap3A_141] {strides = array<i32>} : memref<512xf32, #tpu.memory_space<vmem>>, vector<16xf32>,
    %swap3A_143 = vector.shape_cast %swap3A_142 : vector<16xf32> to vector<16xf32>
    %swap3A_144 = vector.shape_cast %scan3A_139 : vector<16xf32> to vector<16xf32>
    tpu.vector_store %arg13[%swap3A_141], %swap3A_144 {strides = array<i32>} : memref<512xf32, #tpu.memory_space<vmem>>, vector<16xf32>,
    %slice3A_145 = vector.extract_strided_slice %get3A_34 {offsets = [7], sizes = [1], strides = [1]} : vector<16xf32> to vector<1xf32>
    %squeeze3A_146 = vector.extract %slice3A_145[0] : f32 from vector<1xf32>
    %slice3A_147 = vector.extract_strided_slice %get3A_37 {offsets = [7], sizes = [1], strides = [1]} : vector<16xf32> to vector<1xf32>
    %squeeze3A_148 = vector.extract %slice3A_147[0] : f32 from vector<1xf32>
    %broadcast_in_dim3A_149 = arith.constant 0.000000e+00 : f32
    %broadcast_in_dim3A_150 = vector.broadcast %broadcast_in_dim3A_149 : f32 to vector<16xf32>
    %scan3A_151 = arith.constant 0 : i32
    %scan3A_152 = arith.constant 128 : i32
    %scan3A_153 = arith.addi %scan3A_151, %scan3A_152 : i32
    %scan3A_154 = arith.constant 1 : i32
    %scan3A_155 = scf.for %scan3A_553 = %scan3A_151 to %scan3A_153 step %scan3A_154 iter_args(%scan3A_554 = %broadcast_in_dim3A_150) -> (vector<16xf32>)  : i32 {
      %mul3A_555 = arith.constant 16 : i32
      %mul3A_556 = arith.muli %scan3A_553, %mul3A_555 : i32
      %get3A_557 = arith.index_cast %mul3A_556 : i32 to index
      %get3A_558 = tpu.vector_load %arg8[%get3A_557] {strides = array<i32>} : memref<2048xf32, #tpu.memory_space<vmem>>, vector<16xf32>,
      %get3A_559 = vector.shape_cast %get3A_558 : vector<16xf32> to vector<16xf32>
      %sub3A_560 = vector.broadcast %squeeze3A_146 : f32 to vector<16xf32>
      %sub3A_561 = arith.subf %get3A_559, %sub3A_560 : vector<16xf32>
      %get3A_562 = arith.index_cast %mul3A_556 : i32 to index
      %get3A_563 = tpu.vector_load %arg9[%get3A_562] {strides = array<i32>} : memref<2048xf32, #tpu.memory_space<vmem>>, vector<16xf32>,
      %get3A_564 = vector.shape_cast %get3A_563 : vector<16xf32> to vector<16xf32>
      %sub3A_565 = vector.broadcast %squeeze3A_148 : f32 to vector<16xf32>
      %sub3A_566 = arith.subf %get3A_564, %sub3A_565 : vector<16xf32>
      %mul3A_567 = arith.mulf %sub3A_561, %sub3A_561 : vector<16xf32>
      %mul3A_568 = arith.mulf %sub3A_566, %sub3A_566 : vector<16xf32>
      %add3A_569 = arith.addf %mul3A_567, %mul3A_568 : vector<16xf32>
      %lt3A_570 = arith.constant 0.00999999977 : f32
      %lt3A_571 = vector.broadcast %lt3A_570 : f32 to vector<16xf32>
      %lt3A_572 = arith.cmpf olt, %add3A_569, %lt3A_571 : vector<16xf32>
      %get3A_573 = arith.index_cast %mul3A_556 : i32 to index
      %get3A_574 = tpu.vector_load %arg10[%get3A_573] {strides = array<i32>} : memref<2048xf32, #tpu.memory_space<vmem>>, vector<16xf32>,
      %get3A_575 = vector.shape_cast %get3A_574 : vector<16xf32> to vector<16xf32>
      %gt3A = arith.constant 0.000000e+00 : f32
      %gt3A_576 = vector.broadcast %gt3A : f32 to vector<16xf32>
      %gt3A_577 = arith.cmpf ogt, %get3A_575, %gt3A_576 : vector<16xf32>
      %and3A_578 = arith.andi %lt3A_572, %gt3A_577 : vector<16xi1>
      %jit3A_579 = arith.constant 1.000000e+00 : f32
      %jit3A_580 = arith.constant 0.000000e+00 : f32
      %broadcast_in_dim3A_581 = vector.broadcast %jit3A_579 : f32 to vector<16xf32>
      %broadcast_in_dim3A_582 = vector.broadcast %jit3A_580 : f32 to vector<16xf32>
      %select_n3A_583 = arith.select %and3A_578, %broadcast_in_dim3A_581, %broadcast_in_dim3A_582 : vector<16xi1>, vector<16xf32>
      %add3A_584 = arith.addf %scan3A_554, %select_n3A_583 : vector<16xf32>
      scf.yield %add3A_584 : vector<16xf32>
    }
    %scan3A_156 = arith.constant 128 : i32
    %swap3A_157 = arith.constant 112 : index
    %swap3A_158 = tpu.vector_load %arg13[%swap3A_157] {strides = array<i32>} : memref<512xf32, #tpu.memory_space<vmem>>, vector<16xf32>,
    %swap3A_159 = vector.shape_cast %swap3A_158 : vector<16xf32> to vector<16xf32>
    %swap3A_160 = vector.shape_cast %scan3A_155 : vector<16xf32> to vector<16xf32>
    tpu.vector_store %arg13[%swap3A_157], %swap3A_160 {strides = array<i32>} : memref<512xf32, #tpu.memory_space<vmem>>, vector<16xf32>,
    %slice3A_161 = vector.extract_strided_slice %get3A_34 {offsets = [8], sizes = [1], strides = [1]} : vector<16xf32> to vector<1xf32>
    %squeeze3A_162 = vector.extract %slice3A_161[0] : f32 from vector<1xf32>
    %slice3A_163 = vector.extract_strided_slice %get3A_37 {offsets = [8], sizes = [1], strides = [1]} : vector<16xf32> to vector<1xf32>
    %squeeze3A_164 = vector.extract %slice3A_163[0] : f32 from vector<1xf32>
    %broadcast_in_dim3A_165 = arith.constant 0.000000e+00 : f32
    %broadcast_in_dim3A_166 = vector.broadcast %broadcast_in_dim3A_165 : f32 to vector<16xf32>
    %scan3A_167 = arith.constant 0 : i32
    %scan3A_168 = arith.constant 128 : i32
    %scan3A_169 = arith.addi %scan3A_167, %scan3A_168 : i32
    %scan3A_170 = arith.constant 1 : i32
    %scan3A_171 = scf.for %scan3A_553 = %scan3A_167 to %scan3A_169 step %scan3A_170 iter_args(%scan3A_554 = %broadcast_in_dim3A_166) -> (vector<16xf32>)  : i32 {
      %mul3A_555 = arith.constant 16 : i32
      %mul3A_556 = arith.muli %scan3A_553, %mul3A_555 : i32
      %get3A_557 = arith.index_cast %mul3A_556 : i32 to index
      %get3A_558 = tpu.vector_load %arg8[%get3A_557] {strides = array<i32>} : memref<2048xf32, #tpu.memory_space<vmem>>, vector<16xf32>,
      %get3A_559 = vector.shape_cast %get3A_558 : vector<16xf32> to vector<16xf32>
      %sub3A_560 = vector.broadcast %squeeze3A_162 : f32 to vector<16xf32>
      %sub3A_561 = arith.subf %get3A_559, %sub3A_560 : vector<16xf32>
      %get3A_562 = arith.index_cast %mul3A_556 : i32 to index
      %get3A_563 = tpu.vector_load %arg9[%get3A_562] {strides = array<i32>} : memref<2048xf32, #tpu.memory_space<vmem>>, vector<16xf32>,
      %get3A_564 = vector.shape_cast %get3A_563 : vector<16xf32> to vector<16xf32>
      %sub3A_565 = vector.broadcast %squeeze3A_164 : f32 to vector<16xf32>
      %sub3A_566 = arith.subf %get3A_564, %sub3A_565 : vector<16xf32>
      %mul3A_567 = arith.mulf %sub3A_561, %sub3A_561 : vector<16xf32>
      %mul3A_568 = arith.mulf %sub3A_566, %sub3A_566 : vector<16xf32>
      %add3A_569 = arith.addf %mul3A_567, %mul3A_568 : vector<16xf32>
      %lt3A_570 = arith.constant 0.00999999977 : f32
      %lt3A_571 = vector.broadcast %lt3A_570 : f32 to vector<16xf32>
      %lt3A_572 = arith.cmpf olt, %add3A_569, %lt3A_571 : vector<16xf32>
      %get3A_573 = arith.index_cast %mul3A_556 : i32 to index
      %get3A_574 = tpu.vector_load %arg10[%get3A_573] {strides = array<i32>} : memref<2048xf32, #tpu.memory_space<vmem>>, vector<16xf32>,
      %get3A_575 = vector.shape_cast %get3A_574 : vector<16xf32> to vector<16xf32>
      %gt3A = arith.constant 0.000000e+00 : f32
      %gt3A_576 = vector.broadcast %gt3A : f32 to vector<16xf32>
      %gt3A_577 = arith.cmpf ogt, %get3A_575, %gt3A_576 : vector<16xf32>
      %and3A_578 = arith.andi %lt3A_572, %gt3A_577 : vector<16xi1>
      %jit3A_579 = arith.constant 1.000000e+00 : f32
      %jit3A_580 = arith.constant 0.000000e+00 : f32
      %broadcast_in_dim3A_581 = vector.broadcast %jit3A_579 : f32 to vector<16xf32>
      %broadcast_in_dim3A_582 = vector.broadcast %jit3A_580 : f32 to vector<16xf32>
      %select_n3A_583 = arith.select %and3A_578, %broadcast_in_dim3A_581, %broadcast_in_dim3A_582 : vector<16xi1>, vector<16xf32>
      %add3A_584 = arith.addf %scan3A_554, %select_n3A_583 : vector<16xf32>
      scf.yield %add3A_584 : vector<16xf32>
    }
    %scan3A_172 = arith.constant 128 : i32
    %swap3A_173 = arith.constant 128 : index
    %swap3A_174 = tpu.vector_load %arg13[%swap3A_173] {strides = array<i32>} : memref<512xf32, #tpu.memory_space<vmem>>, vector<16xf32>,
    %swap3A_175 = vector.shape_cast %swap3A_174 : vector<16xf32> to vector<16xf32>
    %swap3A_176 = vector.shape_cast %scan3A_171 : vector<16xf32> to vector<16xf32>
    tpu.vector_store %arg13[%swap3A_173], %swap3A_176 {strides = array<i32>} : memref<512xf32, #tpu.memory_space<vmem>>, vector<16xf32>,
    %slice3A_177 = vector.extract_strided_slice %get3A_34 {offsets = [9], sizes = [1], strides = [1]} : vector<16xf32> to vector<1xf32>
    %squeeze3A_178 = vector.extract %slice3A_177[0] : f32 from vector<1xf32>
    %slice3A_179 = vector.extract_strided_slice %get3A_37 {offsets = [9], sizes = [1], strides = [1]} : vector<16xf32> to vector<1xf32>
    %squeeze3A_180 = vector.extract %slice3A_179[0] : f32 from vector<1xf32>
    %broadcast_in_dim3A_181 = arith.constant 0.000000e+00 : f32
    %broadcast_in_dim3A_182 = vector.broadcast %broadcast_in_dim3A_181 : f32 to vector<16xf32>
    %scan3A_183 = arith.constant 0 : i32
    %scan3A_184 = arith.constant 128 : i32
    %scan3A_185 = arith.addi %scan3A_183, %scan3A_184 : i32
    %scan3A_186 = arith.constant 1 : i32
    %scan3A_187 = scf.for %scan3A_553 = %scan3A_183 to %scan3A_185 step %scan3A_186 iter_args(%scan3A_554 = %broadcast_in_dim3A_182) -> (vector<16xf32>)  : i32 {
      %mul3A_555 = arith.constant 16 : i32
      %mul3A_556 = arith.muli %scan3A_553, %mul3A_555 : i32
      %get3A_557 = arith.index_cast %mul3A_556 : i32 to index
      %get3A_558 = tpu.vector_load %arg8[%get3A_557] {strides = array<i32>} : memref<2048xf32, #tpu.memory_space<vmem>>, vector<16xf32>,
      %get3A_559 = vector.shape_cast %get3A_558 : vector<16xf32> to vector<16xf32>
      %sub3A_560 = vector.broadcast %squeeze3A_178 : f32 to vector<16xf32>
      %sub3A_561 = arith.subf %get3A_559, %sub3A_560 : vector<16xf32>
      %get3A_562 = arith.index_cast %mul3A_556 : i32 to index
      %get3A_563 = tpu.vector_load %arg9[%get3A_562] {strides = array<i32>} : memref<2048xf32, #tpu.memory_space<vmem>>, vector<16xf32>,
      %get3A_564 = vector.shape_cast %get3A_563 : vector<16xf32> to vector<16xf32>
      %sub3A_565 = vector.broadcast %squeeze3A_180 : f32 to vector<16xf32>
      %sub3A_566 = arith.subf %get3A_564, %sub3A_565 : vector<16xf32>
      %mul3A_567 = arith.mulf %sub3A_561, %sub3A_561 : vector<16xf32>
      %mul3A_568 = arith.mulf %sub3A_566, %sub3A_566 : vector<16xf32>
      %add3A_569 = arith.addf %mul3A_567, %mul3A_568 : vector<16xf32>
      %lt3A_570 = arith.constant 0.00999999977 : f32
      %lt3A_571 = vector.broadcast %lt3A_570 : f32 to vector<16xf32>
      %lt3A_572 = arith.cmpf olt, %add3A_569, %lt3A_571 : vector<16xf32>
      %get3A_573 = arith.index_cast %mul3A_556 : i32 to index
      %get3A_574 = tpu.vector_load %arg10[%get3A_573] {strides = array<i32>} : memref<2048xf32, #tpu.memory_space<vmem>>, vector<16xf32>,
      %get3A_575 = vector.shape_cast %get3A_574 : vector<16xf32> to vector<16xf32>
      %gt3A = arith.constant 0.000000e+00 : f32
      %gt3A_576 = vector.broadcast %gt3A : f32 to vector<16xf32>
      %gt3A_577 = arith.cmpf ogt, %get3A_575, %gt3A_576 : vector<16xf32>
      %and3A_578 = arith.andi %lt3A_572, %gt3A_577 : vector<16xi1>
      %jit3A_579 = arith.constant 1.000000e+00 : f32
      %jit3A_580 = arith.constant 0.000000e+00 : f32
      %broadcast_in_dim3A_581 = vector.broadcast %jit3A_579 : f32 to vector<16xf32>
      %broadcast_in_dim3A_582 = vector.broadcast %jit3A_580 : f32 to vector<16xf32>
      %select_n3A_583 = arith.select %and3A_578, %broadcast_in_dim3A_581, %broadcast_in_dim3A_582 : vector<16xi1>, vector<16xf32>
      %add3A_584 = arith.addf %scan3A_554, %select_n3A_583 : vector<16xf32>
      scf.yield %add3A_584 : vector<16xf32>
    }
    %scan3A_188 = arith.constant 128 : i32
    %swap3A_189 = arith.constant 144 : index
    %swap3A_190 = tpu.vector_load %arg13[%swap3A_189] {strides = array<i32>} : memref<512xf32, #tpu.memory_space<vmem>>, vector<16xf32>,
    %swap3A_191 = vector.shape_cast %swap3A_190 : vector<16xf32> to vector<16xf32>
    %swap3A_192 = vector.shape_cast %scan3A_187 : vector<16xf32> to vector<16xf32>
    tpu.vector_store %arg13[%swap3A_189], %swap3A_192 {strides = array<i32>} : memref<512xf32, #tpu.memory_space<vmem>>, vector<16xf32>,
    %slice3A_193 = vector.extract_strided_slice %get3A_34 {offsets = [10], sizes = [1], strides = [1]} : vector<16xf32> to vector<1xf32>
    %squeeze3A_194 = vector.extract %slice3A_193[0] : f32 from vector<1xf32>
    %slice3A_195 = vector.extract_strided_slice %get3A_37 {offsets = [10], sizes = [1], strides = [1]} : vector<16xf32> to vector<1xf32>
    %squeeze3A_196 = vector.extract %slice3A_195[0] : f32 from vector<1xf32>
    %broadcast_in_dim3A_197 = arith.constant 0.000000e+00 : f32
    %broadcast_in_dim3A_198 = vector.broadcast %broadcast_in_dim3A_197 : f32 to vector<16xf32>
    %scan3A_199 = arith.constant 0 : i32
    %scan3A_200 = arith.constant 128 : i32
    %scan3A_201 = arith.addi %scan3A_199, %scan3A_200 : i32
    %scan3A_202 = arith.constant 1 : i32
    %scan3A_203 = scf.for %scan3A_553 = %scan3A_199 to %scan3A_201 step %scan3A_202 iter_args(%scan3A_554 = %broadcast_in_dim3A_198) -> (vector<16xf32>)  : i32 {
      %mul3A_555 = arith.constant 16 : i32
      %mul3A_556 = arith.muli %scan3A_553, %mul3A_555 : i32
      %get3A_557 = arith.index_cast %mul3A_556 : i32 to index
      %get3A_558 = tpu.vector_load %arg8[%get3A_557] {strides = array<i32>} : memref<2048xf32, #tpu.memory_space<vmem>>, vector<16xf32>,
      %get3A_559 = vector.shape_cast %get3A_558 : vector<16xf32> to vector<16xf32>
      %sub3A_560 = vector.broadcast %squeeze3A_194 : f32 to vector<16xf32>
      %sub3A_561 = arith.subf %get3A_559, %sub3A_560 : vector<16xf32>
      %get3A_562 = arith.index_cast %mul3A_556 : i32 to index
      %get3A_563 = tpu.vector_load %arg9[%get3A_562] {strides = array<i32>} : memref<2048xf32, #tpu.memory_space<vmem>>, vector<16xf32>,
      %get3A_564 = vector.shape_cast %get3A_563 : vector<16xf32> to vector<16xf32>
      %sub3A_565 = vector.broadcast %squeeze3A_196 : f32 to vector<16xf32>
      %sub3A_566 = arith.subf %get3A_564, %sub3A_565 : vector<16xf32>
      %mul3A_567 = arith.mulf %sub3A_561, %sub3A_561 : vector<16xf32>
      %mul3A_568 = arith.mulf %sub3A_566, %sub3A_566 : vector<16xf32>
      %add3A_569 = arith.addf %mul3A_567, %mul3A_568 : vector<16xf32>
      %lt3A_570 = arith.constant 0.00999999977 : f32
      %lt3A_571 = vector.broadcast %lt3A_570 : f32 to vector<16xf32>
      %lt3A_572 = arith.cmpf olt, %add3A_569, %lt3A_571 : vector<16xf32>
      %get3A_573 = arith.index_cast %mul3A_556 : i32 to index
      %get3A_574 = tpu.vector_load %arg10[%get3A_573] {strides = array<i32>} : memref<2048xf32, #tpu.memory_space<vmem>>, vector<16xf32>,
      %get3A_575 = vector.shape_cast %get3A_574 : vector<16xf32> to vector<16xf32>
      %gt3A = arith.constant 0.000000e+00 : f32
      %gt3A_576 = vector.broadcast %gt3A : f32 to vector<16xf32>
      %gt3A_577 = arith.cmpf ogt, %get3A_575, %gt3A_576 : vector<16xf32>
      %and3A_578 = arith.andi %lt3A_572, %gt3A_577 : vector<16xi1>
      %jit3A_579 = arith.constant 1.000000e+00 : f32
      %jit3A_580 = arith.constant 0.000000e+00 : f32
      %broadcast_in_dim3A_581 = vector.broadcast %jit3A_579 : f32 to vector<16xf32>
      %broadcast_in_dim3A_582 = vector.broadcast %jit3A_580 : f32 to vector<16xf32>
      %select_n3A_583 = arith.select %and3A_578, %broadcast_in_dim3A_581, %broadcast_in_dim3A_582 : vector<16xi1>, vector<16xf32>
      %add3A_584 = arith.addf %scan3A_554, %select_n3A_583 : vector<16xf32>
      scf.yield %add3A_584 : vector<16xf32>
    }
    %scan3A_204 = arith.constant 128 : i32
    %swap3A_205 = arith.constant 160 : index
    %swap3A_206 = tpu.vector_load %arg13[%swap3A_205] {strides = array<i32>} : memref<512xf32, #tpu.memory_space<vmem>>, vector<16xf32>,
    %swap3A_207 = vector.shape_cast %swap3A_206 : vector<16xf32> to vector<16xf32>
    %swap3A_208 = vector.shape_cast %scan3A_203 : vector<16xf32> to vector<16xf32>
    tpu.vector_store %arg13[%swap3A_205], %swap3A_208 {strides = array<i32>} : memref<512xf32, #tpu.memory_space<vmem>>, vector<16xf32>,
    %slice3A_209 = vector.extract_strided_slice %get3A_34 {offsets = [11], sizes = [1], strides = [1]} : vector<16xf32> to vector<1xf32>
    %squeeze3A_210 = vector.extract %slice3A_209[0] : f32 from vector<1xf32>
    %slice3A_211 = vector.extract_strided_slice %get3A_37 {offsets = [11], sizes = [1], strides = [1]} : vector<16xf32> to vector<1xf32>
    %squeeze3A_212 = vector.extract %slice3A_211[0] : f32 from vector<1xf32>
    %broadcast_in_dim3A_213 = arith.constant 0.000000e+00 : f32
    %broadcast_in_dim3A_214 = vector.broadcast %broadcast_in_dim3A_213 : f32 to vector<16xf32>
    %scan3A_215 = arith.constant 0 : i32
    %scan3A_216 = arith.constant 128 : i32
    %scan3A_217 = arith.addi %scan3A_215, %scan3A_216 : i32
    %scan3A_218 = arith.constant 1 : i32
    %scan3A_219 = scf.for %scan3A_553 = %scan3A_215 to %scan3A_217 step %scan3A_218 iter_args(%scan3A_554 = %broadcast_in_dim3A_214) -> (vector<16xf32>)  : i32 {
      %mul3A_555 = arith.constant 16 : i32
      %mul3A_556 = arith.muli %scan3A_553, %mul3A_555 : i32
      %get3A_557 = arith.index_cast %mul3A_556 : i32 to index
      %get3A_558 = tpu.vector_load %arg8[%get3A_557] {strides = array<i32>} : memref<2048xf32, #tpu.memory_space<vmem>>, vector<16xf32>,
      %get3A_559 = vector.shape_cast %get3A_558 : vector<16xf32> to vector<16xf32>
      %sub3A_560 = vector.broadcast %squeeze3A_210 : f32 to vector<16xf32>
      %sub3A_561 = arith.subf %get3A_559, %sub3A_560 : vector<16xf32>
      %get3A_562 = arith.index_cast %mul3A_556 : i32 to index
      %get3A_563 = tpu.vector_load %arg9[%get3A_562] {strides = array<i32>} : memref<2048xf32, #tpu.memory_space<vmem>>, vector<16xf32>,
      %get3A_564 = vector.shape_cast %get3A_563 : vector<16xf32> to vector<16xf32>
      %sub3A_565 = vector.broadcast %squeeze3A_212 : f32 to vector<16xf32>
      %sub3A_566 = arith.subf %get3A_564, %sub3A_565 : vector<16xf32>
      %mul3A_567 = arith.mulf %sub3A_561, %sub3A_561 : vector<16xf32>
      %mul3A_568 = arith.mulf %sub3A_566, %sub3A_566 : vector<16xf32>
      %add3A_569 = arith.addf %mul3A_567, %mul3A_568 : vector<16xf32>
      %lt3A_570 = arith.constant 0.00999999977 : f32
      %lt3A_571 = vector.broadcast %lt3A_570 : f32 to vector<16xf32>
      %lt3A_572 = arith.cmpf olt, %add3A_569, %lt3A_571 : vector<16xf32>
      %get3A_573 = arith.index_cast %mul3A_556 : i32 to index
      %get3A_574 = tpu.vector_load %arg10[%get3A_573] {strides = array<i32>} : memref<2048xf32, #tpu.memory_space<vmem>>, vector<16xf32>,
      %get3A_575 = vector.shape_cast %get3A_574 : vector<16xf32> to vector<16xf32>
      %gt3A = arith.constant 0.000000e+00 : f32
      %gt3A_576 = vector.broadcast %gt3A : f32 to vector<16xf32>
      %gt3A_577 = arith.cmpf ogt, %get3A_575, %gt3A_576 : vector<16xf32>
      %and3A_578 = arith.andi %lt3A_572, %gt3A_577 : vector<16xi1>
      %jit3A_579 = arith.constant 1.000000e+00 : f32
      %jit3A_580 = arith.constant 0.000000e+00 : f32
      %broadcast_in_dim3A_581 = vector.broadcast %jit3A_579 : f32 to vector<16xf32>
      %broadcast_in_dim3A_582 = vector.broadcast %jit3A_580 : f32 to vector<16xf32>
      %select_n3A_583 = arith.select %and3A_578, %broadcast_in_dim3A_581, %broadcast_in_dim3A_582 : vector<16xi1>, vector<16xf32>
      %add3A_584 = arith.addf %scan3A_554, %select_n3A_583 : vector<16xf32>
      scf.yield %add3A_584 : vector<16xf32>
    }
    %scan3A_220 = arith.constant 128 : i32
    %swap3A_221 = arith.constant 176 : index
    %swap3A_222 = tpu.vector_load %arg13[%swap3A_221] {strides = array<i32>} : memref<512xf32, #tpu.memory_space<vmem>>, vector<16xf32>,
    %swap3A_223 = vector.shape_cast %swap3A_222 : vector<16xf32> to vector<16xf32>
    %swap3A_224 = vector.shape_cast %scan3A_219 : vector<16xf32> to vector<16xf32>
    tpu.vector_store %arg13[%swap3A_221], %swap3A_224 {strides = array<i32>} : memref<512xf32, #tpu.memory_space<vmem>>, vector<16xf32>,
    %slice3A_225 = vector.extract_strided_slice %get3A_34 {offsets = [12], sizes = [1], strides = [1]} : vector<16xf32> to vector<1xf32>
    %squeeze3A_226 = vector.extract %slice3A_225[0] : f32 from vector<1xf32>
    %slice3A_227 = vector.extract_strided_slice %get3A_37 {offsets = [12], sizes = [1], strides = [1]} : vector<16xf32> to vector<1xf32>
    %squeeze3A_228 = vector.extract %slice3A_227[0] : f32 from vector<1xf32>
    %broadcast_in_dim3A_229 = arith.constant 0.000000e+00 : f32
    %broadcast_in_dim3A_230 = vector.broadcast %broadcast_in_dim3A_229 : f32 to vector<16xf32>
    %scan3A_231 = arith.constant 0 : i32
    %scan3A_232 = arith.constant 128 : i32
    %scan3A_233 = arith.addi %scan3A_231, %scan3A_232 : i32
    %scan3A_234 = arith.constant 1 : i32
    %scan3A_235 = scf.for %scan3A_553 = %scan3A_231 to %scan3A_233 step %scan3A_234 iter_args(%scan3A_554 = %broadcast_in_dim3A_230) -> (vector<16xf32>)  : i32 {
      %mul3A_555 = arith.constant 16 : i32
      %mul3A_556 = arith.muli %scan3A_553, %mul3A_555 : i32
      %get3A_557 = arith.index_cast %mul3A_556 : i32 to index
      %get3A_558 = tpu.vector_load %arg8[%get3A_557] {strides = array<i32>} : memref<2048xf32, #tpu.memory_space<vmem>>, vector<16xf32>,
      %get3A_559 = vector.shape_cast %get3A_558 : vector<16xf32> to vector<16xf32>
      %sub3A_560 = vector.broadcast %squeeze3A_226 : f32 to vector<16xf32>
      %sub3A_561 = arith.subf %get3A_559, %sub3A_560 : vector<16xf32>
      %get3A_562 = arith.index_cast %mul3A_556 : i32 to index
      %get3A_563 = tpu.vector_load %arg9[%get3A_562] {strides = array<i32>} : memref<2048xf32, #tpu.memory_space<vmem>>, vector<16xf32>,
      %get3A_564 = vector.shape_cast %get3A_563 : vector<16xf32> to vector<16xf32>
      %sub3A_565 = vector.broadcast %squeeze3A_228 : f32 to vector<16xf32>
      %sub3A_566 = arith.subf %get3A_564, %sub3A_565 : vector<16xf32>
      %mul3A_567 = arith.mulf %sub3A_561, %sub3A_561 : vector<16xf32>
      %mul3A_568 = arith.mulf %sub3A_566, %sub3A_566 : vector<16xf32>
      %add3A_569 = arith.addf %mul3A_567, %mul3A_568 : vector<16xf32>
      %lt3A_570 = arith.constant 0.00999999977 : f32
      %lt3A_571 = vector.broadcast %lt3A_570 : f32 to vector<16xf32>
      %lt3A_572 = arith.cmpf olt, %add3A_569, %lt3A_571 : vector<16xf32>
      %get3A_573 = arith.index_cast %mul3A_556 : i32 to index
      %get3A_574 = tpu.vector_load %arg10[%get3A_573] {strides = array<i32>} : memref<2048xf32, #tpu.memory_space<vmem>>, vector<16xf32>,
      %get3A_575 = vector.shape_cast %get3A_574 : vector<16xf32> to vector<16xf32>
      %gt3A = arith.constant 0.000000e+00 : f32
      %gt3A_576 = vector.broadcast %gt3A : f32 to vector<16xf32>
      %gt3A_577 = arith.cmpf ogt, %get3A_575, %gt3A_576 : vector<16xf32>
      %and3A_578 = arith.andi %lt3A_572, %gt3A_577 : vector<16xi1>
      %jit3A_579 = arith.constant 1.000000e+00 : f32
      %jit3A_580 = arith.constant 0.000000e+00 : f32
      %broadcast_in_dim3A_581 = vector.broadcast %jit3A_579 : f32 to vector<16xf32>
      %broadcast_in_dim3A_582 = vector.broadcast %jit3A_580 : f32 to vector<16xf32>
      %select_n3A_583 = arith.select %and3A_578, %broadcast_in_dim3A_581, %broadcast_in_dim3A_582 : vector<16xi1>, vector<16xf32>
      %add3A_584 = arith.addf %scan3A_554, %select_n3A_583 : vector<16xf32>
      scf.yield %add3A_584 : vector<16xf32>
    }
    %scan3A_236 = arith.constant 128 : i32
    %swap3A_237 = arith.constant 192 : index
    %swap3A_238 = tpu.vector_load %arg13[%swap3A_237] {strides = array<i32>} : memref<512xf32, #tpu.memory_space<vmem>>, vector<16xf32>,
    %swap3A_239 = vector.shape_cast %swap3A_238 : vector<16xf32> to vector<16xf32>
    %swap3A_240 = vector.shape_cast %scan3A_235 : vector<16xf32> to vector<16xf32>
    tpu.vector_store %arg13[%swap3A_237], %swap3A_240 {strides = array<i32>} : memref<512xf32, #tpu.memory_space<vmem>>, vector<16xf32>,
    %slice3A_241 = vector.extract_strided_slice %get3A_34 {offsets = [13], sizes = [1], strides = [1]} : vector<16xf32> to vector<1xf32>
    %squeeze3A_242 = vector.extract %slice3A_241[0] : f32 from vector<1xf32>
    %slice3A_243 = vector.extract_strided_slice %get3A_37 {offsets = [13], sizes = [1], strides = [1]} : vector<16xf32> to vector<1xf32>
    %squeeze3A_244 = vector.extract %slice3A_243[0] : f32 from vector<1xf32>
    %broadcast_in_dim3A_245 = arith.constant 0.000000e+00 : f32
    %broadcast_in_dim3A_246 = vector.broadcast %broadcast_in_dim3A_245 : f32 to vector<16xf32>
    %scan3A_247 = arith.constant 0 : i32
    %scan3A_248 = arith.constant 128 : i32
    %scan3A_249 = arith.addi %scan3A_247, %scan3A_248 : i32
    %scan3A_250 = arith.constant 1 : i32
    %scan3A_251 = scf.for %scan3A_553 = %scan3A_247 to %scan3A_249 step %scan3A_250 iter_args(%scan3A_554 = %broadcast_in_dim3A_246) -> (vector<16xf32>)  : i32 {
      %mul3A_555 = arith.constant 16 : i32
      %mul3A_556 = arith.muli %scan3A_553, %mul3A_555 : i32
      %get3A_557 = arith.index_cast %mul3A_556 : i32 to index
      %get3A_558 = tpu.vector_load %arg8[%get3A_557] {strides = array<i32>} : memref<2048xf32, #tpu.memory_space<vmem>>, vector<16xf32>,
      %get3A_559 = vector.shape_cast %get3A_558 : vector<16xf32> to vector<16xf32>
      %sub3A_560 = vector.broadcast %squeeze3A_242 : f32 to vector<16xf32>
      %sub3A_561 = arith.subf %get3A_559, %sub3A_560 : vector<16xf32>
      %get3A_562 = arith.index_cast %mul3A_556 : i32 to index
      %get3A_563 = tpu.vector_load %arg9[%get3A_562] {strides = array<i32>} : memref<2048xf32, #tpu.memory_space<vmem>>, vector<16xf32>,
      %get3A_564 = vector.shape_cast %get3A_563 : vector<16xf32> to vector<16xf32>
      %sub3A_565 = vector.broadcast %squeeze3A_244 : f32 to vector<16xf32>
      %sub3A_566 = arith.subf %get3A_564, %sub3A_565 : vector<16xf32>
      %mul3A_567 = arith.mulf %sub3A_561, %sub3A_561 : vector<16xf32>
      %mul3A_568 = arith.mulf %sub3A_566, %sub3A_566 : vector<16xf32>
      %add3A_569 = arith.addf %mul3A_567, %mul3A_568 : vector<16xf32>
      %lt3A_570 = arith.constant 0.00999999977 : f32
      %lt3A_571 = vector.broadcast %lt3A_570 : f32 to vector<16xf32>
      %lt3A_572 = arith.cmpf olt, %add3A_569, %lt3A_571 : vector<16xf32>
      %get3A_573 = arith.index_cast %mul3A_556 : i32 to index
      %get3A_574 = tpu.vector_load %arg10[%get3A_573] {strides = array<i32>} : memref<2048xf32, #tpu.memory_space<vmem>>, vector<16xf32>,
      %get3A_575 = vector.shape_cast %get3A_574 : vector<16xf32> to vector<16xf32>
      %gt3A = arith.constant 0.000000e+00 : f32
      %gt3A_576 = vector.broadcast %gt3A : f32 to vector<16xf32>
      %gt3A_577 = arith.cmpf ogt, %get3A_575, %gt3A_576 : vector<16xf32>
      %and3A_578 = arith.andi %lt3A_572, %gt3A_577 : vector<16xi1>
      %jit3A_579 = arith.constant 1.000000e+00 : f32
      %jit3A_580 = arith.constant 0.000000e+00 : f32
      %broadcast_in_dim3A_581 = vector.broadcast %jit3A_579 : f32 to vector<16xf32>
      %broadcast_in_dim3A_582 = vector.broadcast %jit3A_580 : f32 to vector<16xf32>
      %select_n3A_583 = arith.select %and3A_578, %broadcast_in_dim3A_581, %broadcast_in_dim3A_582 : vector<16xi1>, vector<16xf32>
      %add3A_584 = arith.addf %scan3A_554, %select_n3A_583 : vector<16xf32>
      scf.yield %add3A_584 : vector<16xf32>
    }
    %scan3A_252 = arith.constant 128 : i32
    %swap3A_253 = arith.constant 208 : index
    %swap3A_254 = tpu.vector_load %arg13[%swap3A_253] {strides = array<i32>} : memref<512xf32, #tpu.memory_space<vmem>>, vector<16xf32>,
    %swap3A_255 = vector.shape_cast %swap3A_254 : vector<16xf32> to vector<16xf32>
    %swap3A_256 = vector.shape_cast %scan3A_251 : vector<16xf32> to vector<16xf32>
    tpu.vector_store %arg13[%swap3A_253], %swap3A_256 {strides = array<i32>} : memref<512xf32, #tpu.memory_space<vmem>>, vector<16xf32>,
    %slice3A_257 = vector.extract_strided_slice %get3A_34 {offsets = [14], sizes = [1], strides = [1]} : vector<16xf32> to vector<1xf32>
    %squeeze3A_258 = vector.extract %slice3A_257[0] : f32 from vector<1xf32>
    %slice3A_259 = vector.extract_strided_slice %get3A_37 {offsets = [14], sizes = [1], strides = [1]} : vector<16xf32> to vector<1xf32>
    %squeeze3A_260 = vector.extract %slice3A_259[0] : f32 from vector<1xf32>
    %broadcast_in_dim3A_261 = arith.constant 0.000000e+00 : f32
    %broadcast_in_dim3A_262 = vector.broadcast %broadcast_in_dim3A_261 : f32 to vector<16xf32>
    %scan3A_263 = arith.constant 0 : i32
    %scan3A_264 = arith.constant 128 : i32
    %scan3A_265 = arith.addi %scan3A_263, %scan3A_264 : i32
    %scan3A_266 = arith.constant 1 : i32
    %scan3A_267 = scf.for %scan3A_553 = %scan3A_263 to %scan3A_265 step %scan3A_266 iter_args(%scan3A_554 = %broadcast_in_dim3A_262) -> (vector<16xf32>)  : i32 {
      %mul3A_555 = arith.constant 16 : i32
      %mul3A_556 = arith.muli %scan3A_553, %mul3A_555 : i32
      %get3A_557 = arith.index_cast %mul3A_556 : i32 to index
      %get3A_558 = tpu.vector_load %arg8[%get3A_557] {strides = array<i32>} : memref<2048xf32, #tpu.memory_space<vmem>>, vector<16xf32>,
      %get3A_559 = vector.shape_cast %get3A_558 : vector<16xf32> to vector<16xf32>
      %sub3A_560 = vector.broadcast %squeeze3A_258 : f32 to vector<16xf32>
      %sub3A_561 = arith.subf %get3A_559, %sub3A_560 : vector<16xf32>
      %get3A_562 = arith.index_cast %mul3A_556 : i32 to index
      %get3A_563 = tpu.vector_load %arg9[%get3A_562] {strides = array<i32>} : memref<2048xf32, #tpu.memory_space<vmem>>, vector<16xf32>,
      %get3A_564 = vector.shape_cast %get3A_563 : vector<16xf32> to vector<16xf32>
      %sub3A_565 = vector.broadcast %squeeze3A_260 : f32 to vector<16xf32>
      %sub3A_566 = arith.subf %get3A_564, %sub3A_565 : vector<16xf32>
      %mul3A_567 = arith.mulf %sub3A_561, %sub3A_561 : vector<16xf32>
      %mul3A_568 = arith.mulf %sub3A_566, %sub3A_566 : vector<16xf32>
      %add3A_569 = arith.addf %mul3A_567, %mul3A_568 : vector<16xf32>
      %lt3A_570 = arith.constant 0.00999999977 : f32
      %lt3A_571 = vector.broadcast %lt3A_570 : f32 to vector<16xf32>
      %lt3A_572 = arith.cmpf olt, %add3A_569, %lt3A_571 : vector<16xf32>
      %get3A_573 = arith.index_cast %mul3A_556 : i32 to index
      %get3A_574 = tpu.vector_load %arg10[%get3A_573] {strides = array<i32>} : memref<2048xf32, #tpu.memory_space<vmem>>, vector<16xf32>,
      %get3A_575 = vector.shape_cast %get3A_574 : vector<16xf32> to vector<16xf32>
      %gt3A = arith.constant 0.000000e+00 : f32
      %gt3A_576 = vector.broadcast %gt3A : f32 to vector<16xf32>
      %gt3A_577 = arith.cmpf ogt, %get3A_575, %gt3A_576 : vector<16xf32>
      %and3A_578 = arith.andi %lt3A_572, %gt3A_577 : vector<16xi1>
      %jit3A_579 = arith.constant 1.000000e+00 : f32
      %jit3A_580 = arith.constant 0.000000e+00 : f32
      %broadcast_in_dim3A_581 = vector.broadcast %jit3A_579 : f32 to vector<16xf32>
      %broadcast_in_dim3A_582 = vector.broadcast %jit3A_580 : f32 to vector<16xf32>
      %select_n3A_583 = arith.select %and3A_578, %broadcast_in_dim3A_581, %broadcast_in_dim3A_582 : vector<16xi1>, vector<16xf32>
      %add3A_584 = arith.addf %scan3A_554, %select_n3A_583 : vector<16xf32>
      scf.yield %add3A_584 : vector<16xf32>
    }
    %scan3A_268 = arith.constant 128 : i32
    %swap3A_269 = arith.constant 224 : index
    %swap3A_270 = tpu.vector_load %arg13[%swap3A_269] {strides = array<i32>} : memref<512xf32, #tpu.memory_space<vmem>>, vector<16xf32>,
    %swap3A_271 = vector.shape_cast %swap3A_270 : vector<16xf32> to vector<16xf32>
    %swap3A_272 = vector.shape_cast %scan3A_267 : vector<16xf32> to vector<16xf32>
    tpu.vector_store %arg13[%swap3A_269], %swap3A_272 {strides = array<i32>} : memref<512xf32, #tpu.memory_space<vmem>>, vector<16xf32>,
    %slice3A_273 = vector.extract_strided_slice %get3A_34 {offsets = [15], sizes = [1], strides = [1]} : vector<16xf32> to vector<1xf32>
    %squeeze3A_274 = vector.extract %slice3A_273[0] : f32 from vector<1xf32>
    %slice3A_275 = vector.extract_strided_slice %get3A_37 {offsets = [15], sizes = [1], strides = [1]} : vector<16xf32> to vector<1xf32>
    %squeeze3A_276 = vector.extract %slice3A_275[0] : f32 from vector<1xf32>
    %broadcast_in_dim3A_277 = arith.constant 0.000000e+00 : f32
    %broadcast_in_dim3A_278 = vector.broadcast %broadcast_in_dim3A_277 : f32 to vector<16xf32>
    %scan3A_279 = arith.constant 0 : i32
    %scan3A_280 = arith.constant 128 : i32
    %scan3A_281 = arith.addi %scan3A_279, %scan3A_280 : i32
    %scan3A_282 = arith.constant 1 : i32
    %scan3A_283 = scf.for %scan3A_553 = %scan3A_279 to %scan3A_281 step %scan3A_282 iter_args(%scan3A_554 = %broadcast_in_dim3A_278) -> (vector<16xf32>)  : i32 {
      %mul3A_555 = arith.constant 16 : i32
      %mul3A_556 = arith.muli %scan3A_553, %mul3A_555 : i32
      %get3A_557 = arith.index_cast %mul3A_556 : i32 to index
      %get3A_558 = tpu.vector_load %arg8[%get3A_557] {strides = array<i32>} : memref<2048xf32, #tpu.memory_space<vmem>>, vector<16xf32>,
      %get3A_559 = vector.shape_cast %get3A_558 : vector<16xf32> to vector<16xf32>
      %sub3A_560 = vector.broadcast %squeeze3A_274 : f32 to vector<16xf32>
      %sub3A_561 = arith.subf %get3A_559, %sub3A_560 : vector<16xf32>
      %get3A_562 = arith.index_cast %mul3A_556 : i32 to index
      %get3A_563 = tpu.vector_load %arg9[%get3A_562] {strides = array<i32>} : memref<2048xf32, #tpu.memory_space<vmem>>, vector<16xf32>,
      %get3A_564 = vector.shape_cast %get3A_563 : vector<16xf32> to vector<16xf32>
      %sub3A_565 = vector.broadcast %squeeze3A_276 : f32 to vector<16xf32>
      %sub3A_566 = arith.subf %get3A_564, %sub3A_565 : vector<16xf32>
      %mul3A_567 = arith.mulf %sub3A_561, %sub3A_561 : vector<16xf32>
      %mul3A_568 = arith.mulf %sub3A_566, %sub3A_566 : vector<16xf32>
      %add3A_569 = arith.addf %mul3A_567, %mul3A_568 : vector<16xf32>
      %lt3A_570 = arith.constant 0.00999999977 : f32
      %lt3A_571 = vector.broadcast %lt3A_570 : f32 to vector<16xf32>
      %lt3A_572 = arith.cmpf olt, %add3A_569, %lt3A_571 : vector<16xf32>
      %get3A_573 = arith.index_cast %mul3A_556 : i32 to index
      %get3A_574 = tpu.vector_load %arg10[%get3A_573] {strides = array<i32>} : memref<2048xf32, #tpu.memory_space<vmem>>, vector<16xf32>,
      %get3A_575 = vector.shape_cast %get3A_574 : vector<16xf32> to vector<16xf32>
      %gt3A = arith.constant 0.000000e+00 : f32
      %gt3A_576 = vector.broadcast %gt3A : f32 to vector<16xf32>
      %gt3A_577 = arith.cmpf ogt, %get3A_575, %gt3A_576 : vector<16xf32>
      %and3A_578 = arith.andi %lt3A_572, %gt3A_577 : vector<16xi1>
      %jit3A_579 = arith.constant 1.000000e+00 : f32
      %jit3A_580 = arith.constant 0.000000e+00 : f32
      %broadcast_in_dim3A_581 = vector.broadcast %jit3A_579 : f32 to vector<16xf32>
      %broadcast_in_dim3A_582 = vector.broadcast %jit3A_580 : f32 to vector<16xf32>
      %select_n3A_583 = arith.select %and3A_578, %broadcast_in_dim3A_581, %broadcast_in_dim3A_582 : vector<16xi1>, vector<16xf32>
      %add3A_584 = arith.addf %scan3A_554, %select_n3A_583 : vector<16xf32>
      scf.yield %add3A_584 : vector<16xf32>
    }
    %scan3A_284 = arith.constant 128 : i32
    %swap3A_285 = arith.constant 240 : index
    %swap3A_286 = tpu.vector_load %arg13[%swap3A_285] {strides = array<i32>} : memref<512xf32, #tpu.memory_space<vmem>>, vector<16xf32>,
    %swap3A_287 = vector.shape_cast %swap3A_286 : vector<16xf32> to vector<16xf32>
    %swap3A_288 = vector.shape_cast %scan3A_283 : vector<16xf32> to vector<16xf32>
    tpu.vector_store %arg13[%swap3A_285], %swap3A_288 {strides = array<i32>} : memref<512xf32, #tpu.memory_space<vmem>>, vector<16xf32>,
    %get3A_289 = arith.constant 16 : index
    %get3A_290 = tpu.vector_load %arg11[%get3A_289] {strides = array<i32>} : memref<32xf32, #tpu.memory_space<vmem>>, vector<16xf32>,
    %get3A_291 = vector.shape_cast %get3A_290 : vector<16xf32> to vector<16xf32>
    %get3A_292 = arith.constant 16 : index
    %get3A_293 = tpu.vector_load %arg12[%get3A_292] {strides = array<i32>} : memref<32xf32, #tpu.memory_space<vmem>>, vector<16xf32>,
    %get3A_294 = vector.shape_cast %get3A_293 : vector<16xf32> to vector<16xf32>
    %slice3A_295 = vector.extract_strided_slice %get3A_291 {offsets = [0], sizes = [1], strides = [1]} : vector<16xf32> to vector<1xf32>
    %squeeze3A_296 = vector.extract %slice3A_295[0] : f32 from vector<1xf32>
    %slice3A_297 = vector.extract_strided_slice %get3A_294 {offsets = [0], sizes = [1], strides = [1]} : vector<16xf32> to vector<1xf32>
    %squeeze3A_298 = vector.extract %slice3A_297[0] : f32 from vector<1xf32>
    %broadcast_in_dim3A_299 = arith.constant 0.000000e+00 : f32
    %broadcast_in_dim3A_300 = vector.broadcast %broadcast_in_dim3A_299 : f32 to vector<16xf32>
    %scan3A_301 = arith.constant 0 : i32
    %scan3A_302 = arith.constant 128 : i32
    %scan3A_303 = arith.addi %scan3A_301, %scan3A_302 : i32
    %scan3A_304 = arith.constant 1 : i32
    %scan3A_305 = scf.for %scan3A_553 = %scan3A_301 to %scan3A_303 step %scan3A_304 iter_args(%scan3A_554 = %broadcast_in_dim3A_300) -> (vector<16xf32>)  : i32 {
      %mul3A_555 = arith.constant 16 : i32
      %mul3A_556 = arith.muli %scan3A_553, %mul3A_555 : i32
      %get3A_557 = arith.index_cast %mul3A_556 : i32 to index
      %get3A_558 = tpu.vector_load %arg8[%get3A_557] {strides = array<i32>} : memref<2048xf32, #tpu.memory_space<vmem>>, vector<16xf32>,
      %get3A_559 = vector.shape_cast %get3A_558 : vector<16xf32> to vector<16xf32>
      %sub3A_560 = vector.broadcast %squeeze3A_296 : f32 to vector<16xf32>
      %sub3A_561 = arith.subf %get3A_559, %sub3A_560 : vector<16xf32>
      %get3A_562 = arith.index_cast %mul3A_556 : i32 to index
      %get3A_563 = tpu.vector_load %arg9[%get3A_562] {strides = array<i32>} : memref<2048xf32, #tpu.memory_space<vmem>>, vector<16xf32>,
      %get3A_564 = vector.shape_cast %get3A_563 : vector<16xf32> to vector<16xf32>
      %sub3A_565 = vector.broadcast %squeeze3A_298 : f32 to vector<16xf32>
      %sub3A_566 = arith.subf %get3A_564, %sub3A_565 : vector<16xf32>
      %mul3A_567 = arith.mulf %sub3A_561, %sub3A_561 : vector<16xf32>
      %mul3A_568 = arith.mulf %sub3A_566, %sub3A_566 : vector<16xf32>
      %add3A_569 = arith.addf %mul3A_567, %mul3A_568 : vector<16xf32>
      %lt3A_570 = arith.constant 0.00999999977 : f32
      %lt3A_571 = vector.broadcast %lt3A_570 : f32 to vector<16xf32>
      %lt3A_572 = arith.cmpf olt, %add3A_569, %lt3A_571 : vector<16xf32>
      %get3A_573 = arith.index_cast %mul3A_556 : i32 to index
      %get3A_574 = tpu.vector_load %arg10[%get3A_573] {strides = array<i32>} : memref<2048xf32, #tpu.memory_space<vmem>>, vector<16xf32>,
      %get3A_575 = vector.shape_cast %get3A_574 : vector<16xf32> to vector<16xf32>
      %gt3A = arith.constant 0.000000e+00 : f32
      %gt3A_576 = vector.broadcast %gt3A : f32 to vector<16xf32>
      %gt3A_577 = arith.cmpf ogt, %get3A_575, %gt3A_576 : vector<16xf32>
      %and3A_578 = arith.andi %lt3A_572, %gt3A_577 : vector<16xi1>
      %jit3A_579 = arith.constant 1.000000e+00 : f32
      %jit3A_580 = arith.constant 0.000000e+00 : f32
      %broadcast_in_dim3A_581 = vector.broadcast %jit3A_579 : f32 to vector<16xf32>
      %broadcast_in_dim3A_582 = vector.broadcast %jit3A_580 : f32 to vector<16xf32>
      %select_n3A_583 = arith.select %and3A_578, %broadcast_in_dim3A_581, %broadcast_in_dim3A_582 : vector<16xi1>, vector<16xf32>
      %add3A_584 = arith.addf %scan3A_554, %select_n3A_583 : vector<16xf32>
      scf.yield %add3A_584 : vector<16xf32>
    }
    %scan3A_306 = arith.constant 128 : i32
    %swap3A_307 = arith.constant 256 : index
    %swap3A_308 = tpu.vector_load %arg13[%swap3A_307] {strides = array<i32>} : memref<512xf32, #tpu.memory_space<vmem>>, vector<16xf32>,
    %swap3A_309 = vector.shape_cast %swap3A_308 : vector<16xf32> to vector<16xf32>
    %swap3A_310 = vector.shape_cast %scan3A_305 : vector<16xf32> to vector<16xf32>
    tpu.vector_store %arg13[%swap3A_307], %swap3A_310 {strides = array<i32>} : memref<512xf32, #tpu.memory_space<vmem>>, vector<16xf32>,
    %slice3A_311 = vector.extract_strided_slice %get3A_291 {offsets = [1], sizes = [1], strides = [1]} : vector<16xf32> to vector<1xf32>
    %squeeze3A_312 = vector.extract %slice3A_311[0] : f32 from vector<1xf32>
    %slice3A_313 = vector.extract_strided_slice %get3A_294 {offsets = [1], sizes = [1], strides = [1]} : vector<16xf32> to vector<1xf32>
    %squeeze3A_314 = vector.extract %slice3A_313[0] : f32 from vector<1xf32>
    %broadcast_in_dim3A_315 = arith.constant 0.000000e+00 : f32
    %broadcast_in_dim3A_316 = vector.broadcast %broadcast_in_dim3A_315 : f32 to vector<16xf32>
    %scan3A_317 = arith.constant 0 : i32
    %scan3A_318 = arith.constant 128 : i32
    %scan3A_319 = arith.addi %scan3A_317, %scan3A_318 : i32
    %scan3A_320 = arith.constant 1 : i32
    %scan3A_321 = scf.for %scan3A_553 = %scan3A_317 to %scan3A_319 step %scan3A_320 iter_args(%scan3A_554 = %broadcast_in_dim3A_316) -> (vector<16xf32>)  : i32 {
      %mul3A_555 = arith.constant 16 : i32
      %mul3A_556 = arith.muli %scan3A_553, %mul3A_555 : i32
      %get3A_557 = arith.index_cast %mul3A_556 : i32 to index
      %get3A_558 = tpu.vector_load %arg8[%get3A_557] {strides = array<i32>} : memref<2048xf32, #tpu.memory_space<vmem>>, vector<16xf32>,
      %get3A_559 = vector.shape_cast %get3A_558 : vector<16xf32> to vector<16xf32>
      %sub3A_560 = vector.broadcast %squeeze3A_312 : f32 to vector<16xf32>
      %sub3A_561 = arith.subf %get3A_559, %sub3A_560 : vector<16xf32>
      %get3A_562 = arith.index_cast %mul3A_556 : i32 to index
      %get3A_563 = tpu.vector_load %arg9[%get3A_562] {strides = array<i32>} : memref<2048xf32, #tpu.memory_space<vmem>>, vector<16xf32>,
      %get3A_564 = vector.shape_cast %get3A_563 : vector<16xf32> to vector<16xf32>
      %sub3A_565 = vector.broadcast %squeeze3A_314 : f32 to vector<16xf32>
      %sub3A_566 = arith.subf %get3A_564, %sub3A_565 : vector<16xf32>
      %mul3A_567 = arith.mulf %sub3A_561, %sub3A_561 : vector<16xf32>
      %mul3A_568 = arith.mulf %sub3A_566, %sub3A_566 : vector<16xf32>
      %add3A_569 = arith.addf %mul3A_567, %mul3A_568 : vector<16xf32>
      %lt3A_570 = arith.constant 0.00999999977 : f32
      %lt3A_571 = vector.broadcast %lt3A_570 : f32 to vector<16xf32>
      %lt3A_572 = arith.cmpf olt, %add3A_569, %lt3A_571 : vector<16xf32>
      %get3A_573 = arith.index_cast %mul3A_556 : i32 to index
      %get3A_574 = tpu.vector_load %arg10[%get3A_573] {strides = array<i32>} : memref<2048xf32, #tpu.memory_space<vmem>>, vector<16xf32>,
      %get3A_575 = vector.shape_cast %get3A_574 : vector<16xf32> to vector<16xf32>
      %gt3A = arith.constant 0.000000e+00 : f32
      %gt3A_576 = vector.broadcast %gt3A : f32 to vector<16xf32>
      %gt3A_577 = arith.cmpf ogt, %get3A_575, %gt3A_576 : vector<16xf32>
      %and3A_578 = arith.andi %lt3A_572, %gt3A_577 : vector<16xi1>
      %jit3A_579 = arith.constant 1.000000e+00 : f32
      %jit3A_580 = arith.constant 0.000000e+00 : f32
      %broadcast_in_dim3A_581 = vector.broadcast %jit3A_579 : f32 to vector<16xf32>
      %broadcast_in_dim3A_582 = vector.broadcast %jit3A_580 : f32 to vector<16xf32>
      %select_n3A_583 = arith.select %and3A_578, %broadcast_in_dim3A_581, %broadcast_in_dim3A_582 : vector<16xi1>, vector<16xf32>
      %add3A_584 = arith.addf %scan3A_554, %select_n3A_583 : vector<16xf32>
      scf.yield %add3A_584 : vector<16xf32>
    }
    %scan3A_322 = arith.constant 128 : i32
    %swap3A_323 = arith.constant 272 : index
    %swap3A_324 = tpu.vector_load %arg13[%swap3A_323] {strides = array<i32>} : memref<512xf32, #tpu.memory_space<vmem>>, vector<16xf32>,
    %swap3A_325 = vector.shape_cast %swap3A_324 : vector<16xf32> to vector<16xf32>
    %swap3A_326 = vector.shape_cast %scan3A_321 : vector<16xf32> to vector<16xf32>
    tpu.vector_store %arg13[%swap3A_323], %swap3A_326 {strides = array<i32>} : memref<512xf32, #tpu.memory_space<vmem>>, vector<16xf32>,
    %slice3A_327 = vector.extract_strided_slice %get3A_291 {offsets = [2], sizes = [1], strides = [1]} : vector<16xf32> to vector<1xf32>
    %squeeze3A_328 = vector.extract %slice3A_327[0] : f32 from vector<1xf32>
    %slice3A_329 = vector.extract_strided_slice %get3A_294 {offsets = [2], sizes = [1], strides = [1]} : vector<16xf32> to vector<1xf32>
    %squeeze3A_330 = vector.extract %slice3A_329[0] : f32 from vector<1xf32>
    %broadcast_in_dim3A_331 = arith.constant 0.000000e+00 : f32
    %broadcast_in_dim3A_332 = vector.broadcast %broadcast_in_dim3A_331 : f32 to vector<16xf32>
    %scan3A_333 = arith.constant 0 : i32
    %scan3A_334 = arith.constant 128 : i32
    %scan3A_335 = arith.addi %scan3A_333, %scan3A_334 : i32
    %scan3A_336 = arith.constant 1 : i32
    %scan3A_337 = scf.for %scan3A_553 = %scan3A_333 to %scan3A_335 step %scan3A_336 iter_args(%scan3A_554 = %broadcast_in_dim3A_332) -> (vector<16xf32>)  : i32 {
      %mul3A_555 = arith.constant 16 : i32
      %mul3A_556 = arith.muli %scan3A_553, %mul3A_555 : i32
      %get3A_557 = arith.index_cast %mul3A_556 : i32 to index
      %get3A_558 = tpu.vector_load %arg8[%get3A_557] {strides = array<i32>} : memref<2048xf32, #tpu.memory_space<vmem>>, vector<16xf32>,
      %get3A_559 = vector.shape_cast %get3A_558 : vector<16xf32> to vector<16xf32>
      %sub3A_560 = vector.broadcast %squeeze3A_328 : f32 to vector<16xf32>
      %sub3A_561 = arith.subf %get3A_559, %sub3A_560 : vector<16xf32>
      %get3A_562 = arith.index_cast %mul3A_556 : i32 to index
      %get3A_563 = tpu.vector_load %arg9[%get3A_562] {strides = array<i32>} : memref<2048xf32, #tpu.memory_space<vmem>>, vector<16xf32>,
      %get3A_564 = vector.shape_cast %get3A_563 : vector<16xf32> to vector<16xf32>
      %sub3A_565 = vector.broadcast %squeeze3A_330 : f32 to vector<16xf32>
      %sub3A_566 = arith.subf %get3A_564, %sub3A_565 : vector<16xf32>
      %mul3A_567 = arith.mulf %sub3A_561, %sub3A_561 : vector<16xf32>
      %mul3A_568 = arith.mulf %sub3A_566, %sub3A_566 : vector<16xf32>
      %add3A_569 = arith.addf %mul3A_567, %mul3A_568 : vector<16xf32>
      %lt3A_570 = arith.constant 0.00999999977 : f32
      %lt3A_571 = vector.broadcast %lt3A_570 : f32 to vector<16xf32>
      %lt3A_572 = arith.cmpf olt, %add3A_569, %lt3A_571 : vector<16xf32>
      %get3A_573 = arith.index_cast %mul3A_556 : i32 to index
      %get3A_574 = tpu.vector_load %arg10[%get3A_573] {strides = array<i32>} : memref<2048xf32, #tpu.memory_space<vmem>>, vector<16xf32>,
      %get3A_575 = vector.shape_cast %get3A_574 : vector<16xf32> to vector<16xf32>
      %gt3A = arith.constant 0.000000e+00 : f32
      %gt3A_576 = vector.broadcast %gt3A : f32 to vector<16xf32>
      %gt3A_577 = arith.cmpf ogt, %get3A_575, %gt3A_576 : vector<16xf32>
      %and3A_578 = arith.andi %lt3A_572, %gt3A_577 : vector<16xi1>
      %jit3A_579 = arith.constant 1.000000e+00 : f32
      %jit3A_580 = arith.constant 0.000000e+00 : f32
      %broadcast_in_dim3A_581 = vector.broadcast %jit3A_579 : f32 to vector<16xf32>
      %broadcast_in_dim3A_582 = vector.broadcast %jit3A_580 : f32 to vector<16xf32>
      %select_n3A_583 = arith.select %and3A_578, %broadcast_in_dim3A_581, %broadcast_in_dim3A_582 : vector<16xi1>, vector<16xf32>
      %add3A_584 = arith.addf %scan3A_554, %select_n3A_583 : vector<16xf32>
      scf.yield %add3A_584 : vector<16xf32>
    }
    %scan3A_338 = arith.constant 128 : i32
    %swap3A_339 = arith.constant 288 : index
    %swap3A_340 = tpu.vector_load %arg13[%swap3A_339] {strides = array<i32>} : memref<512xf32, #tpu.memory_space<vmem>>, vector<16xf32>,
    %swap3A_341 = vector.shape_cast %swap3A_340 : vector<16xf32> to vector<16xf32>
    %swap3A_342 = vector.shape_cast %scan3A_337 : vector<16xf32> to vector<16xf32>
    tpu.vector_store %arg13[%swap3A_339], %swap3A_342 {strides = array<i32>} : memref<512xf32, #tpu.memory_space<vmem>>, vector<16xf32>,
    %slice3A_343 = vector.extract_strided_slice %get3A_291 {offsets = [3], sizes = [1], strides = [1]} : vector<16xf32> to vector<1xf32>
    %squeeze3A_344 = vector.extract %slice3A_343[0] : f32 from vector<1xf32>
    %slice3A_345 = vector.extract_strided_slice %get3A_294 {offsets = [3], sizes = [1], strides = [1]} : vector<16xf32> to vector<1xf32>
    %squeeze3A_346 = vector.extract %slice3A_345[0] : f32 from vector<1xf32>
    %broadcast_in_dim3A_347 = arith.constant 0.000000e+00 : f32
    %broadcast_in_dim3A_348 = vector.broadcast %broadcast_in_dim3A_347 : f32 to vector<16xf32>
    %scan3A_349 = arith.constant 0 : i32
    %scan3A_350 = arith.constant 128 : i32
    %scan3A_351 = arith.addi %scan3A_349, %scan3A_350 : i32
    %scan3A_352 = arith.constant 1 : i32
    %scan3A_353 = scf.for %scan3A_553 = %scan3A_349 to %scan3A_351 step %scan3A_352 iter_args(%scan3A_554 = %broadcast_in_dim3A_348) -> (vector<16xf32>)  : i32 {
      %mul3A_555 = arith.constant 16 : i32
      %mul3A_556 = arith.muli %scan3A_553, %mul3A_555 : i32
      %get3A_557 = arith.index_cast %mul3A_556 : i32 to index
      %get3A_558 = tpu.vector_load %arg8[%get3A_557] {strides = array<i32>} : memref<2048xf32, #tpu.memory_space<vmem>>, vector<16xf32>,
      %get3A_559 = vector.shape_cast %get3A_558 : vector<16xf32> to vector<16xf32>
      %sub3A_560 = vector.broadcast %squeeze3A_344 : f32 to vector<16xf32>
      %sub3A_561 = arith.subf %get3A_559, %sub3A_560 : vector<16xf32>
      %get3A_562 = arith.index_cast %mul3A_556 : i32 to index
      %get3A_563 = tpu.vector_load %arg9[%get3A_562] {strides = array<i32>} : memref<2048xf32, #tpu.memory_space<vmem>>, vector<16xf32>,
      %get3A_564 = vector.shape_cast %get3A_563 : vector<16xf32> to vector<16xf32>
      %sub3A_565 = vector.broadcast %squeeze3A_346 : f32 to vector<16xf32>
      %sub3A_566 = arith.subf %get3A_564, %sub3A_565 : vector<16xf32>
      %mul3A_567 = arith.mulf %sub3A_561, %sub3A_561 : vector<16xf32>
      %mul3A_568 = arith.mulf %sub3A_566, %sub3A_566 : vector<16xf32>
      %add3A_569 = arith.addf %mul3A_567, %mul3A_568 : vector<16xf32>
      %lt3A_570 = arith.constant 0.00999999977 : f32
      %lt3A_571 = vector.broadcast %lt3A_570 : f32 to vector<16xf32>
      %lt3A_572 = arith.cmpf olt, %add3A_569, %lt3A_571 : vector<16xf32>
      %get3A_573 = arith.index_cast %mul3A_556 : i32 to index
      %get3A_574 = tpu.vector_load %arg10[%get3A_573] {strides = array<i32>} : memref<2048xf32, #tpu.memory_space<vmem>>, vector<16xf32>,
      %get3A_575 = vector.shape_cast %get3A_574 : vector<16xf32> to vector<16xf32>
      %gt3A = arith.constant 0.000000e+00 : f32
      %gt3A_576 = vector.broadcast %gt3A : f32 to vector<16xf32>
      %gt3A_577 = arith.cmpf ogt, %get3A_575, %gt3A_576 : vector<16xf32>
      %and3A_578 = arith.andi %lt3A_572, %gt3A_577 : vector<16xi1>
      %jit3A_579 = arith.constant 1.000000e+00 : f32
      %jit3A_580 = arith.constant 0.000000e+00 : f32
      %broadcast_in_dim3A_581 = vector.broadcast %jit3A_579 : f32 to vector<16xf32>
      %broadcast_in_dim3A_582 = vector.broadcast %jit3A_580 : f32 to vector<16xf32>
      %select_n3A_583 = arith.select %and3A_578, %broadcast_in_dim3A_581, %broadcast_in_dim3A_582 : vector<16xi1>, vector<16xf32>
      %add3A_584 = arith.addf %scan3A_554, %select_n3A_583 : vector<16xf32>
      scf.yield %add3A_584 : vector<16xf32>
    }
    %scan3A_354 = arith.constant 128 : i32
    %swap3A_355 = arith.constant 304 : index
    %swap3A_356 = tpu.vector_load %arg13[%swap3A_355] {strides = array<i32>} : memref<512xf32, #tpu.memory_space<vmem>>, vector<16xf32>,
    %swap3A_357 = vector.shape_cast %swap3A_356 : vector<16xf32> to vector<16xf32>
    %swap3A_358 = vector.shape_cast %scan3A_353 : vector<16xf32> to vector<16xf32>
    tpu.vector_store %arg13[%swap3A_355], %swap3A_358 {strides = array<i32>} : memref<512xf32, #tpu.memory_space<vmem>>, vector<16xf32>,
    %slice3A_359 = vector.extract_strided_slice %get3A_291 {offsets = [4], sizes = [1], strides = [1]} : vector<16xf32> to vector<1xf32>
    %squeeze3A_360 = vector.extract %slice3A_359[0] : f32 from vector<1xf32>
    %slice3A_361 = vector.extract_strided_slice %get3A_294 {offsets = [4], sizes = [1], strides = [1]} : vector<16xf32> to vector<1xf32>
    %squeeze3A_362 = vector.extract %slice3A_361[0] : f32 from vector<1xf32>
    %broadcast_in_dim3A_363 = arith.constant 0.000000e+00 : f32
    %broadcast_in_dim3A_364 = vector.broadcast %broadcast_in_dim3A_363 : f32 to vector<16xf32>
    %scan3A_365 = arith.constant 0 : i32
    %scan3A_366 = arith.constant 128 : i32
    %scan3A_367 = arith.addi %scan3A_365, %scan3A_366 : i32
    %scan3A_368 = arith.constant 1 : i32
    %scan3A_369 = scf.for %scan3A_553 = %scan3A_365 to %scan3A_367 step %scan3A_368 iter_args(%scan3A_554 = %broadcast_in_dim3A_364) -> (vector<16xf32>)  : i32 {
      %mul3A_555 = arith.constant 16 : i32
      %mul3A_556 = arith.muli %scan3A_553, %mul3A_555 : i32
      %get3A_557 = arith.index_cast %mul3A_556 : i32 to index
      %get3A_558 = tpu.vector_load %arg8[%get3A_557] {strides = array<i32>} : memref<2048xf32, #tpu.memory_space<vmem>>, vector<16xf32>,
      %get3A_559 = vector.shape_cast %get3A_558 : vector<16xf32> to vector<16xf32>
      %sub3A_560 = vector.broadcast %squeeze3A_360 : f32 to vector<16xf32>
      %sub3A_561 = arith.subf %get3A_559, %sub3A_560 : vector<16xf32>
      %get3A_562 = arith.index_cast %mul3A_556 : i32 to index
      %get3A_563 = tpu.vector_load %arg9[%get3A_562] {strides = array<i32>} : memref<2048xf32, #tpu.memory_space<vmem>>, vector<16xf32>,
      %get3A_564 = vector.shape_cast %get3A_563 : vector<16xf32> to vector<16xf32>
      %sub3A_565 = vector.broadcast %squeeze3A_362 : f32 to vector<16xf32>
      %sub3A_566 = arith.subf %get3A_564, %sub3A_565 : vector<16xf32>
      %mul3A_567 = arith.mulf %sub3A_561, %sub3A_561 : vector<16xf32>
      %mul3A_568 = arith.mulf %sub3A_566, %sub3A_566 : vector<16xf32>
      %add3A_569 = arith.addf %mul3A_567, %mul3A_568 : vector<16xf32>
      %lt3A_570 = arith.constant 0.00999999977 : f32
      %lt3A_571 = vector.broadcast %lt3A_570 : f32 to vector<16xf32>
      %lt3A_572 = arith.cmpf olt, %add3A_569, %lt3A_571 : vector<16xf32>
      %get3A_573 = arith.index_cast %mul3A_556 : i32 to index
      %get3A_574 = tpu.vector_load %arg10[%get3A_573] {strides = array<i32>} : memref<2048xf32, #tpu.memory_space<vmem>>, vector<16xf32>,
      %get3A_575 = vector.shape_cast %get3A_574 : vector<16xf32> to vector<16xf32>
      %gt3A = arith.constant 0.000000e+00 : f32
      %gt3A_576 = vector.broadcast %gt3A : f32 to vector<16xf32>
      %gt3A_577 = arith.cmpf ogt, %get3A_575, %gt3A_576 : vector<16xf32>
      %and3A_578 = arith.andi %lt3A_572, %gt3A_577 : vector<16xi1>
      %jit3A_579 = arith.constant 1.000000e+00 : f32
      %jit3A_580 = arith.constant 0.000000e+00 : f32
      %broadcast_in_dim3A_581 = vector.broadcast %jit3A_579 : f32 to vector<16xf32>
      %broadcast_in_dim3A_582 = vector.broadcast %jit3A_580 : f32 to vector<16xf32>
      %select_n3A_583 = arith.select %and3A_578, %broadcast_in_dim3A_581, %broadcast_in_dim3A_582 : vector<16xi1>, vector<16xf32>
      %add3A_584 = arith.addf %scan3A_554, %select_n3A_583 : vector<16xf32>
      scf.yield %add3A_584 : vector<16xf32>
    }
    %scan3A_370 = arith.constant 128 : i32
    %swap3A_371 = arith.constant 320 : index
    %swap3A_372 = tpu.vector_load %arg13[%swap3A_371] {strides = array<i32>} : memref<512xf32, #tpu.memory_space<vmem>>, vector<16xf32>,
    %swap3A_373 = vector.shape_cast %swap3A_372 : vector<16xf32> to vector<16xf32>
    %swap3A_374 = vector.shape_cast %scan3A_369 : vector<16xf32> to vector<16xf32>
    tpu.vector_store %arg13[%swap3A_371], %swap3A_374 {strides = array<i32>} : memref<512xf32, #tpu.memory_space<vmem>>, vector<16xf32>,
    %slice3A_375 = vector.extract_strided_slice %get3A_291 {offsets = [5], sizes = [1], strides = [1]} : vector<16xf32> to vector<1xf32>
    %squeeze3A_376 = vector.extract %slice3A_375[0] : f32 from vector<1xf32>
    %slice3A_377 = vector.extract_strided_slice %get3A_294 {offsets = [5], sizes = [1], strides = [1]} : vector<16xf32> to vector<1xf32>
    %squeeze3A_378 = vector.extract %slice3A_377[0] : f32 from vector<1xf32>
    %broadcast_in_dim3A_379 = arith.constant 0.000000e+00 : f32
    %broadcast_in_dim3A_380 = vector.broadcast %broadcast_in_dim3A_379 : f32 to vector<16xf32>
    %scan3A_381 = arith.constant 0 : i32
    %scan3A_382 = arith.constant 128 : i32
    %scan3A_383 = arith.addi %scan3A_381, %scan3A_382 : i32
    %scan3A_384 = arith.constant 1 : i32
    %scan3A_385 = scf.for %scan3A_553 = %scan3A_381 to %scan3A_383 step %scan3A_384 iter_args(%scan3A_554 = %broadcast_in_dim3A_380) -> (vector<16xf32>)  : i32 {
      %mul3A_555 = arith.constant 16 : i32
      %mul3A_556 = arith.muli %scan3A_553, %mul3A_555 : i32
      %get3A_557 = arith.index_cast %mul3A_556 : i32 to index
      %get3A_558 = tpu.vector_load %arg8[%get3A_557] {strides = array<i32>} : memref<2048xf32, #tpu.memory_space<vmem>>, vector<16xf32>,
      %get3A_559 = vector.shape_cast %get3A_558 : vector<16xf32> to vector<16xf32>
      %sub3A_560 = vector.broadcast %squeeze3A_376 : f32 to vector<16xf32>
      %sub3A_561 = arith.subf %get3A_559, %sub3A_560 : vector<16xf32>
      %get3A_562 = arith.index_cast %mul3A_556 : i32 to index
      %get3A_563 = tpu.vector_load %arg9[%get3A_562] {strides = array<i32>} : memref<2048xf32, #tpu.memory_space<vmem>>, vector<16xf32>,
      %get3A_564 = vector.shape_cast %get3A_563 : vector<16xf32> to vector<16xf32>
      %sub3A_565 = vector.broadcast %squeeze3A_378 : f32 to vector<16xf32>
      %sub3A_566 = arith.subf %get3A_564, %sub3A_565 : vector<16xf32>
      %mul3A_567 = arith.mulf %sub3A_561, %sub3A_561 : vector<16xf32>
      %mul3A_568 = arith.mulf %sub3A_566, %sub3A_566 : vector<16xf32>
      %add3A_569 = arith.addf %mul3A_567, %mul3A_568 : vector<16xf32>
      %lt3A_570 = arith.constant 0.00999999977 : f32
      %lt3A_571 = vector.broadcast %lt3A_570 : f32 to vector<16xf32>
      %lt3A_572 = arith.cmpf olt, %add3A_569, %lt3A_571 : vector<16xf32>
      %get3A_573 = arith.index_cast %mul3A_556 : i32 to index
      %get3A_574 = tpu.vector_load %arg10[%get3A_573] {strides = array<i32>} : memref<2048xf32, #tpu.memory_space<vmem>>, vector<16xf32>,
      %get3A_575 = vector.shape_cast %get3A_574 : vector<16xf32> to vector<16xf32>
      %gt3A = arith.constant 0.000000e+00 : f32
      %gt3A_576 = vector.broadcast %gt3A : f32 to vector<16xf32>
      %gt3A_577 = arith.cmpf ogt, %get3A_575, %gt3A_576 : vector<16xf32>
      %and3A_578 = arith.andi %lt3A_572, %gt3A_577 : vector<16xi1>
      %jit3A_579 = arith.constant 1.000000e+00 : f32
      %jit3A_580 = arith.constant 0.000000e+00 : f32
      %broadcast_in_dim3A_581 = vector.broadcast %jit3A_579 : f32 to vector<16xf32>
      %broadcast_in_dim3A_582 = vector.broadcast %jit3A_580 : f32 to vector<16xf32>
      %select_n3A_583 = arith.select %and3A_578, %broadcast_in_dim3A_581, %broadcast_in_dim3A_582 : vector<16xi1>, vector<16xf32>
      %add3A_584 = arith.addf %scan3A_554, %select_n3A_583 : vector<16xf32>
      scf.yield %add3A_584 : vector<16xf32>
    }
    %scan3A_386 = arith.constant 128 : i32
    %swap3A_387 = arith.constant 336 : index
    %swap3A_388 = tpu.vector_load %arg13[%swap3A_387] {strides = array<i32>} : memref<512xf32, #tpu.memory_space<vmem>>, vector<16xf32>,
    %swap3A_389 = vector.shape_cast %swap3A_388 : vector<16xf32> to vector<16xf32>
    %swap3A_390 = vector.shape_cast %scan3A_385 : vector<16xf32> to vector<16xf32>
    tpu.vector_store %arg13[%swap3A_387], %swap3A_390 {strides = array<i32>} : memref<512xf32, #tpu.memory_space<vmem>>, vector<16xf32>,
    %slice3A_391 = vector.extract_strided_slice %get3A_291 {offsets = [6], sizes = [1], strides = [1]} : vector<16xf32> to vector<1xf32>
    %squeeze3A_392 = vector.extract %slice3A_391[0] : f32 from vector<1xf32>
    %slice3A_393 = vector.extract_strided_slice %get3A_294 {offsets = [6], sizes = [1], strides = [1]} : vector<16xf32> to vector<1xf32>
    %squeeze3A_394 = vector.extract %slice3A_393[0] : f32 from vector<1xf32>
    %broadcast_in_dim3A_395 = arith.constant 0.000000e+00 : f32
    %broadcast_in_dim3A_396 = vector.broadcast %broadcast_in_dim3A_395 : f32 to vector<16xf32>
    %scan3A_397 = arith.constant 0 : i32
    %scan3A_398 = arith.constant 128 : i32
    %scan3A_399 = arith.addi %scan3A_397, %scan3A_398 : i32
    %scan3A_400 = arith.constant 1 : i32
    %scan3A_401 = scf.for %scan3A_553 = %scan3A_397 to %scan3A_399 step %scan3A_400 iter_args(%scan3A_554 = %broadcast_in_dim3A_396) -> (vector<16xf32>)  : i32 {
      %mul3A_555 = arith.constant 16 : i32
      %mul3A_556 = arith.muli %scan3A_553, %mul3A_555 : i32
      %get3A_557 = arith.index_cast %mul3A_556 : i32 to index
      %get3A_558 = tpu.vector_load %arg8[%get3A_557] {strides = array<i32>} : memref<2048xf32, #tpu.memory_space<vmem>>, vector<16xf32>,
      %get3A_559 = vector.shape_cast %get3A_558 : vector<16xf32> to vector<16xf32>
      %sub3A_560 = vector.broadcast %squeeze3A_392 : f32 to vector<16xf32>
      %sub3A_561 = arith.subf %get3A_559, %sub3A_560 : vector<16xf32>
      %get3A_562 = arith.index_cast %mul3A_556 : i32 to index
      %get3A_563 = tpu.vector_load %arg9[%get3A_562] {strides = array<i32>} : memref<2048xf32, #tpu.memory_space<vmem>>, vector<16xf32>,
      %get3A_564 = vector.shape_cast %get3A_563 : vector<16xf32> to vector<16xf32>
      %sub3A_565 = vector.broadcast %squeeze3A_394 : f32 to vector<16xf32>
      %sub3A_566 = arith.subf %get3A_564, %sub3A_565 : vector<16xf32>
      %mul3A_567 = arith.mulf %sub3A_561, %sub3A_561 : vector<16xf32>
      %mul3A_568 = arith.mulf %sub3A_566, %sub3A_566 : vector<16xf32>
      %add3A_569 = arith.addf %mul3A_567, %mul3A_568 : vector<16xf32>
      %lt3A_570 = arith.constant 0.00999999977 : f32
      %lt3A_571 = vector.broadcast %lt3A_570 : f32 to vector<16xf32>
      %lt3A_572 = arith.cmpf olt, %add3A_569, %lt3A_571 : vector<16xf32>
      %get3A_573 = arith.index_cast %mul3A_556 : i32 to index
      %get3A_574 = tpu.vector_load %arg10[%get3A_573] {strides = array<i32>} : memref<2048xf32, #tpu.memory_space<vmem>>, vector<16xf32>,
      %get3A_575 = vector.shape_cast %get3A_574 : vector<16xf32> to vector<16xf32>
      %gt3A = arith.constant 0.000000e+00 : f32
      %gt3A_576 = vector.broadcast %gt3A : f32 to vector<16xf32>
      %gt3A_577 = arith.cmpf ogt, %get3A_575, %gt3A_576 : vector<16xf32>
      %and3A_578 = arith.andi %lt3A_572, %gt3A_577 : vector<16xi1>
      %jit3A_579 = arith.constant 1.000000e+00 : f32
      %jit3A_580 = arith.constant 0.000000e+00 : f32
      %broadcast_in_dim3A_581 = vector.broadcast %jit3A_579 : f32 to vector<16xf32>
      %broadcast_in_dim3A_582 = vector.broadcast %jit3A_580 : f32 to vector<16xf32>
      %select_n3A_583 = arith.select %and3A_578, %broadcast_in_dim3A_581, %broadcast_in_dim3A_582 : vector<16xi1>, vector<16xf32>
      %add3A_584 = arith.addf %scan3A_554, %select_n3A_583 : vector<16xf32>
      scf.yield %add3A_584 : vector<16xf32>
    }
    %scan3A_402 = arith.constant 128 : i32
    %swap3A_403 = arith.constant 352 : index
    %swap3A_404 = tpu.vector_load %arg13[%swap3A_403] {strides = array<i32>} : memref<512xf32, #tpu.memory_space<vmem>>, vector<16xf32>,
    %swap3A_405 = vector.shape_cast %swap3A_404 : vector<16xf32> to vector<16xf32>
    %swap3A_406 = vector.shape_cast %scan3A_401 : vector<16xf32> to vector<16xf32>
    tpu.vector_store %arg13[%swap3A_403], %swap3A_406 {strides = array<i32>} : memref<512xf32, #tpu.memory_space<vmem>>, vector<16xf32>,
    %slice3A_407 = vector.extract_strided_slice %get3A_291 {offsets = [7], sizes = [1], strides = [1]} : vector<16xf32> to vector<1xf32>
    %squeeze3A_408 = vector.extract %slice3A_407[0] : f32 from vector<1xf32>
    %slice3A_409 = vector.extract_strided_slice %get3A_294 {offsets = [7], sizes = [1], strides = [1]} : vector<16xf32> to vector<1xf32>
    %squeeze3A_410 = vector.extract %slice3A_409[0] : f32 from vector<1xf32>
    %broadcast_in_dim3A_411 = arith.constant 0.000000e+00 : f32
    %broadcast_in_dim3A_412 = vector.broadcast %broadcast_in_dim3A_411 : f32 to vector<16xf32>
    %scan3A_413 = arith.constant 0 : i32
    %scan3A_414 = arith.constant 128 : i32
    %scan3A_415 = arith.addi %scan3A_413, %scan3A_414 : i32
    %scan3A_416 = arith.constant 1 : i32
    %scan3A_417 = scf.for %scan3A_553 = %scan3A_413 to %scan3A_415 step %scan3A_416 iter_args(%scan3A_554 = %broadcast_in_dim3A_412) -> (vector<16xf32>)  : i32 {
      %mul3A_555 = arith.constant 16 : i32
      %mul3A_556 = arith.muli %scan3A_553, %mul3A_555 : i32
      %get3A_557 = arith.index_cast %mul3A_556 : i32 to index
      %get3A_558 = tpu.vector_load %arg8[%get3A_557] {strides = array<i32>} : memref<2048xf32, #tpu.memory_space<vmem>>, vector<16xf32>,
      %get3A_559 = vector.shape_cast %get3A_558 : vector<16xf32> to vector<16xf32>
      %sub3A_560 = vector.broadcast %squeeze3A_408 : f32 to vector<16xf32>
      %sub3A_561 = arith.subf %get3A_559, %sub3A_560 : vector<16xf32>
      %get3A_562 = arith.index_cast %mul3A_556 : i32 to index
      %get3A_563 = tpu.vector_load %arg9[%get3A_562] {strides = array<i32>} : memref<2048xf32, #tpu.memory_space<vmem>>, vector<16xf32>,
      %get3A_564 = vector.shape_cast %get3A_563 : vector<16xf32> to vector<16xf32>
      %sub3A_565 = vector.broadcast %squeeze3A_410 : f32 to vector<16xf32>
      %sub3A_566 = arith.subf %get3A_564, %sub3A_565 : vector<16xf32>
      %mul3A_567 = arith.mulf %sub3A_561, %sub3A_561 : vector<16xf32>
      %mul3A_568 = arith.mulf %sub3A_566, %sub3A_566 : vector<16xf32>
      %add3A_569 = arith.addf %mul3A_567, %mul3A_568 : vector<16xf32>
      %lt3A_570 = arith.constant 0.00999999977 : f32
      %lt3A_571 = vector.broadcast %lt3A_570 : f32 to vector<16xf32>
      %lt3A_572 = arith.cmpf olt, %add3A_569, %lt3A_571 : vector<16xf32>
      %get3A_573 = arith.index_cast %mul3A_556 : i32 to index
      %get3A_574 = tpu.vector_load %arg10[%get3A_573] {strides = array<i32>} : memref<2048xf32, #tpu.memory_space<vmem>>, vector<16xf32>,
      %get3A_575 = vector.shape_cast %get3A_574 : vector<16xf32> to vector<16xf32>
      %gt3A = arith.constant 0.000000e+00 : f32
      %gt3A_576 = vector.broadcast %gt3A : f32 to vector<16xf32>
      %gt3A_577 = arith.cmpf ogt, %get3A_575, %gt3A_576 : vector<16xf32>
      %and3A_578 = arith.andi %lt3A_572, %gt3A_577 : vector<16xi1>
      %jit3A_579 = arith.constant 1.000000e+00 : f32
      %jit3A_580 = arith.constant 0.000000e+00 : f32
      %broadcast_in_dim3A_581 = vector.broadcast %jit3A_579 : f32 to vector<16xf32>
      %broadcast_in_dim3A_582 = vector.broadcast %jit3A_580 : f32 to vector<16xf32>
      %select_n3A_583 = arith.select %and3A_578, %broadcast_in_dim3A_581, %broadcast_in_dim3A_582 : vector<16xi1>, vector<16xf32>
      %add3A_584 = arith.addf %scan3A_554, %select_n3A_583 : vector<16xf32>
      scf.yield %add3A_584 : vector<16xf32>
    }
    %scan3A_418 = arith.constant 128 : i32
    %swap3A_419 = arith.constant 368 : index
    %swap3A_420 = tpu.vector_load %arg13[%swap3A_419] {strides = array<i32>} : memref<512xf32, #tpu.memory_space<vmem>>, vector<16xf32>,
    %swap3A_421 = vector.shape_cast %swap3A_420 : vector<16xf32> to vector<16xf32>
    %swap3A_422 = vector.shape_cast %scan3A_417 : vector<16xf32> to vector<16xf32>
    tpu.vector_store %arg13[%swap3A_419], %swap3A_422 {strides = array<i32>} : memref<512xf32, #tpu.memory_space<vmem>>, vector<16xf32>,
    %slice3A_423 = vector.extract_strided_slice %get3A_291 {offsets = [8], sizes = [1], strides = [1]} : vector<16xf32> to vector<1xf32>
    %squeeze3A_424 = vector.extract %slice3A_423[0] : f32 from vector<1xf32>
    %slice3A_425 = vector.extract_strided_slice %get3A_294 {offsets = [8], sizes = [1], strides = [1]} : vector<16xf32> to vector<1xf32>
    %squeeze3A_426 = vector.extract %slice3A_425[0] : f32 from vector<1xf32>
    %broadcast_in_dim3A_427 = arith.constant 0.000000e+00 : f32
    %broadcast_in_dim3A_428 = vector.broadcast %broadcast_in_dim3A_427 : f32 to vector<16xf32>
    %scan3A_429 = arith.constant 0 : i32
    %scan3A_430 = arith.constant 128 : i32
    %scan3A_431 = arith.addi %scan3A_429, %scan3A_430 : i32
    %scan3A_432 = arith.constant 1 : i32
    %scan3A_433 = scf.for %scan3A_553 = %scan3A_429 to %scan3A_431 step %scan3A_432 iter_args(%scan3A_554 = %broadcast_in_dim3A_428) -> (vector<16xf32>)  : i32 {
      %mul3A_555 = arith.constant 16 : i32
      %mul3A_556 = arith.muli %scan3A_553, %mul3A_555 : i32
      %get3A_557 = arith.index_cast %mul3A_556 : i32 to index
      %get3A_558 = tpu.vector_load %arg8[%get3A_557] {strides = array<i32>} : memref<2048xf32, #tpu.memory_space<vmem>>, vector<16xf32>,
      %get3A_559 = vector.shape_cast %get3A_558 : vector<16xf32> to vector<16xf32>
      %sub3A_560 = vector.broadcast %squeeze3A_424 : f32 to vector<16xf32>
      %sub3A_561 = arith.subf %get3A_559, %sub3A_560 : vector<16xf32>
      %get3A_562 = arith.index_cast %mul3A_556 : i32 to index
      %get3A_563 = tpu.vector_load %arg9[%get3A_562] {strides = array<i32>} : memref<2048xf32, #tpu.memory_space<vmem>>, vector<16xf32>,
      %get3A_564 = vector.shape_cast %get3A_563 : vector<16xf32> to vector<16xf32>
      %sub3A_565 = vector.broadcast %squeeze3A_426 : f32 to vector<16xf32>
      %sub3A_566 = arith.subf %get3A_564, %sub3A_565 : vector<16xf32>
      %mul3A_567 = arith.mulf %sub3A_561, %sub3A_561 : vector<16xf32>
      %mul3A_568 = arith.mulf %sub3A_566, %sub3A_566 : vector<16xf32>
      %add3A_569 = arith.addf %mul3A_567, %mul3A_568 : vector<16xf32>
      %lt3A_570 = arith.constant 0.00999999977 : f32
      %lt3A_571 = vector.broadcast %lt3A_570 : f32 to vector<16xf32>
      %lt3A_572 = arith.cmpf olt, %add3A_569, %lt3A_571 : vector<16xf32>
      %get3A_573 = arith.index_cast %mul3A_556 : i32 to index
      %get3A_574 = tpu.vector_load %arg10[%get3A_573] {strides = array<i32>} : memref<2048xf32, #tpu.memory_space<vmem>>, vector<16xf32>,
      %get3A_575 = vector.shape_cast %get3A_574 : vector<16xf32> to vector<16xf32>
      %gt3A = arith.constant 0.000000e+00 : f32
      %gt3A_576 = vector.broadcast %gt3A : f32 to vector<16xf32>
      %gt3A_577 = arith.cmpf ogt, %get3A_575, %gt3A_576 : vector<16xf32>
      %and3A_578 = arith.andi %lt3A_572, %gt3A_577 : vector<16xi1>
      %jit3A_579 = arith.constant 1.000000e+00 : f32
      %jit3A_580 = arith.constant 0.000000e+00 : f32
      %broadcast_in_dim3A_581 = vector.broadcast %jit3A_579 : f32 to vector<16xf32>
      %broadcast_in_dim3A_582 = vector.broadcast %jit3A_580 : f32 to vector<16xf32>
      %select_n3A_583 = arith.select %and3A_578, %broadcast_in_dim3A_581, %broadcast_in_dim3A_582 : vector<16xi1>, vector<16xf32>
      %add3A_584 = arith.addf %scan3A_554, %select_n3A_583 : vector<16xf32>
      scf.yield %add3A_584 : vector<16xf32>
    }
    %scan3A_434 = arith.constant 128 : i32
    %swap3A_435 = arith.constant 384 : index
    %swap3A_436 = tpu.vector_load %arg13[%swap3A_435] {strides = array<i32>} : memref<512xf32, #tpu.memory_space<vmem>>, vector<16xf32>,
    %swap3A_437 = vector.shape_cast %swap3A_436 : vector<16xf32> to vector<16xf32>
    %swap3A_438 = vector.shape_cast %scan3A_433 : vector<16xf32> to vector<16xf32>
    tpu.vector_store %arg13[%swap3A_435], %swap3A_438 {strides = array<i32>} : memref<512xf32, #tpu.memory_space<vmem>>, vector<16xf32>,
    %slice3A_439 = vector.extract_strided_slice %get3A_291 {offsets = [9], sizes = [1], strides = [1]} : vector<16xf32> to vector<1xf32>
    %squeeze3A_440 = vector.extract %slice3A_439[0] : f32 from vector<1xf32>
    %slice3A_441 = vector.extract_strided_slice %get3A_294 {offsets = [9], sizes = [1], strides = [1]} : vector<16xf32> to vector<1xf32>
    %squeeze3A_442 = vector.extract %slice3A_441[0] : f32 from vector<1xf32>
    %broadcast_in_dim3A_443 = arith.constant 0.000000e+00 : f32
    %broadcast_in_dim3A_444 = vector.broadcast %broadcast_in_dim3A_443 : f32 to vector<16xf32>
    %scan3A_445 = arith.constant 0 : i32
    %scan3A_446 = arith.constant 128 : i32
    %scan3A_447 = arith.addi %scan3A_445, %scan3A_446 : i32
    %scan3A_448 = arith.constant 1 : i32
    %scan3A_449 = scf.for %scan3A_553 = %scan3A_445 to %scan3A_447 step %scan3A_448 iter_args(%scan3A_554 = %broadcast_in_dim3A_444) -> (vector<16xf32>)  : i32 {
      %mul3A_555 = arith.constant 16 : i32
      %mul3A_556 = arith.muli %scan3A_553, %mul3A_555 : i32
      %get3A_557 = arith.index_cast %mul3A_556 : i32 to index
      %get3A_558 = tpu.vector_load %arg8[%get3A_557] {strides = array<i32>} : memref<2048xf32, #tpu.memory_space<vmem>>, vector<16xf32>,
      %get3A_559 = vector.shape_cast %get3A_558 : vector<16xf32> to vector<16xf32>
      %sub3A_560 = vector.broadcast %squeeze3A_440 : f32 to vector<16xf32>
      %sub3A_561 = arith.subf %get3A_559, %sub3A_560 : vector<16xf32>
      %get3A_562 = arith.index_cast %mul3A_556 : i32 to index
      %get3A_563 = tpu.vector_load %arg9[%get3A_562] {strides = array<i32>} : memref<2048xf32, #tpu.memory_space<vmem>>, vector<16xf32>,
      %get3A_564 = vector.shape_cast %get3A_563 : vector<16xf32> to vector<16xf32>
      %sub3A_565 = vector.broadcast %squeeze3A_442 : f32 to vector<16xf32>
      %sub3A_566 = arith.subf %get3A_564, %sub3A_565 : vector<16xf32>
      %mul3A_567 = arith.mulf %sub3A_561, %sub3A_561 : vector<16xf32>
      %mul3A_568 = arith.mulf %sub3A_566, %sub3A_566 : vector<16xf32>
      %add3A_569 = arith.addf %mul3A_567, %mul3A_568 : vector<16xf32>
      %lt3A_570 = arith.constant 0.00999999977 : f32
      %lt3A_571 = vector.broadcast %lt3A_570 : f32 to vector<16xf32>
      %lt3A_572 = arith.cmpf olt, %add3A_569, %lt3A_571 : vector<16xf32>
      %get3A_573 = arith.index_cast %mul3A_556 : i32 to index
      %get3A_574 = tpu.vector_load %arg10[%get3A_573] {strides = array<i32>} : memref<2048xf32, #tpu.memory_space<vmem>>, vector<16xf32>,
      %get3A_575 = vector.shape_cast %get3A_574 : vector<16xf32> to vector<16xf32>
      %gt3A = arith.constant 0.000000e+00 : f32
      %gt3A_576 = vector.broadcast %gt3A : f32 to vector<16xf32>
      %gt3A_577 = arith.cmpf ogt, %get3A_575, %gt3A_576 : vector<16xf32>
      %and3A_578 = arith.andi %lt3A_572, %gt3A_577 : vector<16xi1>
      %jit3A_579 = arith.constant 1.000000e+00 : f32
      %jit3A_580 = arith.constant 0.000000e+00 : f32
      %broadcast_in_dim3A_581 = vector.broadcast %jit3A_579 : f32 to vector<16xf32>
      %broadcast_in_dim3A_582 = vector.broadcast %jit3A_580 : f32 to vector<16xf32>
      %select_n3A_583 = arith.select %and3A_578, %broadcast_in_dim3A_581, %broadcast_in_dim3A_582 : vector<16xi1>, vector<16xf32>
      %add3A_584 = arith.addf %scan3A_554, %select_n3A_583 : vector<16xf32>
      scf.yield %add3A_584 : vector<16xf32>
    }
    %scan3A_450 = arith.constant 128 : i32
    %swap3A_451 = arith.constant 400 : index
    %swap3A_452 = tpu.vector_load %arg13[%swap3A_451] {strides = array<i32>} : memref<512xf32, #tpu.memory_space<vmem>>, vector<16xf32>,
    %swap3A_453 = vector.shape_cast %swap3A_452 : vector<16xf32> to vector<16xf32>
    %swap3A_454 = vector.shape_cast %scan3A_449 : vector<16xf32> to vector<16xf32>
    tpu.vector_store %arg13[%swap3A_451], %swap3A_454 {strides = array<i32>} : memref<512xf32, #tpu.memory_space<vmem>>, vector<16xf32>,
    %slice3A_455 = vector.extract_strided_slice %get3A_291 {offsets = [10], sizes = [1], strides = [1]} : vector<16xf32> to vector<1xf32>
    %squeeze3A_456 = vector.extract %slice3A_455[0] : f32 from vector<1xf32>
    %slice3A_457 = vector.extract_strided_slice %get3A_294 {offsets = [10], sizes = [1], strides = [1]} : vector<16xf32> to vector<1xf32>
    %squeeze3A_458 = vector.extract %slice3A_457[0] : f32 from vector<1xf32>
    %broadcast_in_dim3A_459 = arith.constant 0.000000e+00 : f32
    %broadcast_in_dim3A_460 = vector.broadcast %broadcast_in_dim3A_459 : f32 to vector<16xf32>
    %scan3A_461 = arith.constant 0 : i32
    %scan3A_462 = arith.constant 128 : i32
    %scan3A_463 = arith.addi %scan3A_461, %scan3A_462 : i32
    %scan3A_464 = arith.constant 1 : i32
    %scan3A_465 = scf.for %scan3A_553 = %scan3A_461 to %scan3A_463 step %scan3A_464 iter_args(%scan3A_554 = %broadcast_in_dim3A_460) -> (vector<16xf32>)  : i32 {
      %mul3A_555 = arith.constant 16 : i32
      %mul3A_556 = arith.muli %scan3A_553, %mul3A_555 : i32
      %get3A_557 = arith.index_cast %mul3A_556 : i32 to index
      %get3A_558 = tpu.vector_load %arg8[%get3A_557] {strides = array<i32>} : memref<2048xf32, #tpu.memory_space<vmem>>, vector<16xf32>,
      %get3A_559 = vector.shape_cast %get3A_558 : vector<16xf32> to vector<16xf32>
      %sub3A_560 = vector.broadcast %squeeze3A_456 : f32 to vector<16xf32>
      %sub3A_561 = arith.subf %get3A_559, %sub3A_560 : vector<16xf32>
      %get3A_562 = arith.index_cast %mul3A_556 : i32 to index
      %get3A_563 = tpu.vector_load %arg9[%get3A_562] {strides = array<i32>} : memref<2048xf32, #tpu.memory_space<vmem>>, vector<16xf32>,
      %get3A_564 = vector.shape_cast %get3A_563 : vector<16xf32> to vector<16xf32>
      %sub3A_565 = vector.broadcast %squeeze3A_458 : f32 to vector<16xf32>
      %sub3A_566 = arith.subf %get3A_564, %sub3A_565 : vector<16xf32>
      %mul3A_567 = arith.mulf %sub3A_561, %sub3A_561 : vector<16xf32>
      %mul3A_568 = arith.mulf %sub3A_566, %sub3A_566 : vector<16xf32>
      %add3A_569 = arith.addf %mul3A_567, %mul3A_568 : vector<16xf32>
      %lt3A_570 = arith.constant 0.00999999977 : f32
      %lt3A_571 = vector.broadcast %lt3A_570 : f32 to vector<16xf32>
      %lt3A_572 = arith.cmpf olt, %add3A_569, %lt3A_571 : vector<16xf32>
      %get3A_573 = arith.index_cast %mul3A_556 : i32 to index
      %get3A_574 = tpu.vector_load %arg10[%get3A_573] {strides = array<i32>} : memref<2048xf32, #tpu.memory_space<vmem>>, vector<16xf32>,
      %get3A_575 = vector.shape_cast %get3A_574 : vector<16xf32> to vector<16xf32>
      %gt3A = arith.constant 0.000000e+00 : f32
      %gt3A_576 = vector.broadcast %gt3A : f32 to vector<16xf32>
      %gt3A_577 = arith.cmpf ogt, %get3A_575, %gt3A_576 : vector<16xf32>
      %and3A_578 = arith.andi %lt3A_572, %gt3A_577 : vector<16xi1>
      %jit3A_579 = arith.constant 1.000000e+00 : f32
      %jit3A_580 = arith.constant 0.000000e+00 : f32
      %broadcast_in_dim3A_581 = vector.broadcast %jit3A_579 : f32 to vector<16xf32>
      %broadcast_in_dim3A_582 = vector.broadcast %jit3A_580 : f32 to vector<16xf32>
      %select_n3A_583 = arith.select %and3A_578, %broadcast_in_dim3A_581, %broadcast_in_dim3A_582 : vector<16xi1>, vector<16xf32>
      %add3A_584 = arith.addf %scan3A_554, %select_n3A_583 : vector<16xf32>
      scf.yield %add3A_584 : vector<16xf32>
    }
    %scan3A_466 = arith.constant 128 : i32
    %swap3A_467 = arith.constant 416 : index
    %swap3A_468 = tpu.vector_load %arg13[%swap3A_467] {strides = array<i32>} : memref<512xf32, #tpu.memory_space<vmem>>, vector<16xf32>,
    %swap3A_469 = vector.shape_cast %swap3A_468 : vector<16xf32> to vector<16xf32>
    %swap3A_470 = vector.shape_cast %scan3A_465 : vector<16xf32> to vector<16xf32>
    tpu.vector_store %arg13[%swap3A_467], %swap3A_470 {strides = array<i32>} : memref<512xf32, #tpu.memory_space<vmem>>, vector<16xf32>,
    %slice3A_471 = vector.extract_strided_slice %get3A_291 {offsets = [11], sizes = [1], strides = [1]} : vector<16xf32> to vector<1xf32>
    %squeeze3A_472 = vector.extract %slice3A_471[0] : f32 from vector<1xf32>
    %slice3A_473 = vector.extract_strided_slice %get3A_294 {offsets = [11], sizes = [1], strides = [1]} : vector<16xf32> to vector<1xf32>
    %squeeze3A_474 = vector.extract %slice3A_473[0] : f32 from vector<1xf32>
    %broadcast_in_dim3A_475 = arith.constant 0.000000e+00 : f32
    %broadcast_in_dim3A_476 = vector.broadcast %broadcast_in_dim3A_475 : f32 to vector<16xf32>
    %scan3A_477 = arith.constant 0 : i32
    %scan3A_478 = arith.constant 128 : i32
    %scan3A_479 = arith.addi %scan3A_477, %scan3A_478 : i32
    %scan3A_480 = arith.constant 1 : i32
    %scan3A_481 = scf.for %scan3A_553 = %scan3A_477 to %scan3A_479 step %scan3A_480 iter_args(%scan3A_554 = %broadcast_in_dim3A_476) -> (vector<16xf32>)  : i32 {
      %mul3A_555 = arith.constant 16 : i32
      %mul3A_556 = arith.muli %scan3A_553, %mul3A_555 : i32
      %get3A_557 = arith.index_cast %mul3A_556 : i32 to index
      %get3A_558 = tpu.vector_load %arg8[%get3A_557] {strides = array<i32>} : memref<2048xf32, #tpu.memory_space<vmem>>, vector<16xf32>,
      %get3A_559 = vector.shape_cast %get3A_558 : vector<16xf32> to vector<16xf32>
      %sub3A_560 = vector.broadcast %squeeze3A_472 : f32 to vector<16xf32>
      %sub3A_561 = arith.subf %get3A_559, %sub3A_560 : vector<16xf32>
      %get3A_562 = arith.index_cast %mul3A_556 : i32 to index
      %get3A_563 = tpu.vector_load %arg9[%get3A_562] {strides = array<i32>} : memref<2048xf32, #tpu.memory_space<vmem>>, vector<16xf32>,
      %get3A_564 = vector.shape_cast %get3A_563 : vector<16xf32> to vector<16xf32>
      %sub3A_565 = vector.broadcast %squeeze3A_474 : f32 to vector<16xf32>
      %sub3A_566 = arith.subf %get3A_564, %sub3A_565 : vector<16xf32>
      %mul3A_567 = arith.mulf %sub3A_561, %sub3A_561 : vector<16xf32>
      %mul3A_568 = arith.mulf %sub3A_566, %sub3A_566 : vector<16xf32>
      %add3A_569 = arith.addf %mul3A_567, %mul3A_568 : vector<16xf32>
      %lt3A_570 = arith.constant 0.00999999977 : f32
      %lt3A_571 = vector.broadcast %lt3A_570 : f32 to vector<16xf32>
      %lt3A_572 = arith.cmpf olt, %add3A_569, %lt3A_571 : vector<16xf32>
      %get3A_573 = arith.index_cast %mul3A_556 : i32 to index
      %get3A_574 = tpu.vector_load %arg10[%get3A_573] {strides = array<i32>} : memref<2048xf32, #tpu.memory_space<vmem>>, vector<16xf32>,
      %get3A_575 = vector.shape_cast %get3A_574 : vector<16xf32> to vector<16xf32>
      %gt3A = arith.constant 0.000000e+00 : f32
      %gt3A_576 = vector.broadcast %gt3A : f32 to vector<16xf32>
      %gt3A_577 = arith.cmpf ogt, %get3A_575, %gt3A_576 : vector<16xf32>
      %and3A_578 = arith.andi %lt3A_572, %gt3A_577 : vector<16xi1>
      %jit3A_579 = arith.constant 1.000000e+00 : f32
      %jit3A_580 = arith.constant 0.000000e+00 : f32
      %broadcast_in_dim3A_581 = vector.broadcast %jit3A_579 : f32 to vector<16xf32>
      %broadcast_in_dim3A_582 = vector.broadcast %jit3A_580 : f32 to vector<16xf32>
      %select_n3A_583 = arith.select %and3A_578, %broadcast_in_dim3A_581, %broadcast_in_dim3A_582 : vector<16xi1>, vector<16xf32>
      %add3A_584 = arith.addf %scan3A_554, %select_n3A_583 : vector<16xf32>
      scf.yield %add3A_584 : vector<16xf32>
    }
    %scan3A_482 = arith.constant 128 : i32
    %swap3A_483 = arith.constant 432 : index
    %swap3A_484 = tpu.vector_load %arg13[%swap3A_483] {strides = array<i32>} : memref<512xf32, #tpu.memory_space<vmem>>, vector<16xf32>,
    %swap3A_485 = vector.shape_cast %swap3A_484 : vector<16xf32> to vector<16xf32>
    %swap3A_486 = vector.shape_cast %scan3A_481 : vector<16xf32> to vector<16xf32>
    tpu.vector_store %arg13[%swap3A_483], %swap3A_486 {strides = array<i32>} : memref<512xf32, #tpu.memory_space<vmem>>, vector<16xf32>,
    %slice3A_487 = vector.extract_strided_slice %get3A_291 {offsets = [12], sizes = [1], strides = [1]} : vector<16xf32> to vector<1xf32>
    %squeeze3A_488 = vector.extract %slice3A_487[0] : f32 from vector<1xf32>
    %slice3A_489 = vector.extract_strided_slice %get3A_294 {offsets = [12], sizes = [1], strides = [1]} : vector<16xf32> to vector<1xf32>
    %squeeze3A_490 = vector.extract %slice3A_489[0] : f32 from vector<1xf32>
    %broadcast_in_dim3A_491 = arith.constant 0.000000e+00 : f32
    %broadcast_in_dim3A_492 = vector.broadcast %broadcast_in_dim3A_491 : f32 to vector<16xf32>
    %scan3A_493 = arith.constant 0 : i32
    %scan3A_494 = arith.constant 128 : i32
    %scan3A_495 = arith.addi %scan3A_493, %scan3A_494 : i32
    %scan3A_496 = arith.constant 1 : i32
    %scan3A_497 = scf.for %scan3A_553 = %scan3A_493 to %scan3A_495 step %scan3A_496 iter_args(%scan3A_554 = %broadcast_in_dim3A_492) -> (vector<16xf32>)  : i32 {
      %mul3A_555 = arith.constant 16 : i32
      %mul3A_556 = arith.muli %scan3A_553, %mul3A_555 : i32
      %get3A_557 = arith.index_cast %mul3A_556 : i32 to index
      %get3A_558 = tpu.vector_load %arg8[%get3A_557] {strides = array<i32>} : memref<2048xf32, #tpu.memory_space<vmem>>, vector<16xf32>,
      %get3A_559 = vector.shape_cast %get3A_558 : vector<16xf32> to vector<16xf32>
      %sub3A_560 = vector.broadcast %squeeze3A_488 : f32 to vector<16xf32>
      %sub3A_561 = arith.subf %get3A_559, %sub3A_560 : vector<16xf32>
      %get3A_562 = arith.index_cast %mul3A_556 : i32 to index
      %get3A_563 = tpu.vector_load %arg9[%get3A_562] {strides = array<i32>} : memref<2048xf32, #tpu.memory_space<vmem>>, vector<16xf32>,
      %get3A_564 = vector.shape_cast %get3A_563 : vector<16xf32> to vector<16xf32>
      %sub3A_565 = vector.broadcast %squeeze3A_490 : f32 to vector<16xf32>
      %sub3A_566 = arith.subf %get3A_564, %sub3A_565 : vector<16xf32>
      %mul3A_567 = arith.mulf %sub3A_561, %sub3A_561 : vector<16xf32>
      %mul3A_568 = arith.mulf %sub3A_566, %sub3A_566 : vector<16xf32>
      %add3A_569 = arith.addf %mul3A_567, %mul3A_568 : vector<16xf32>
      %lt3A_570 = arith.constant 0.00999999977 : f32
      %lt3A_571 = vector.broadcast %lt3A_570 : f32 to vector<16xf32>
      %lt3A_572 = arith.cmpf olt, %add3A_569, %lt3A_571 : vector<16xf32>
      %get3A_573 = arith.index_cast %mul3A_556 : i32 to index
      %get3A_574 = tpu.vector_load %arg10[%get3A_573] {strides = array<i32>} : memref<2048xf32, #tpu.memory_space<vmem>>, vector<16xf32>,
      %get3A_575 = vector.shape_cast %get3A_574 : vector<16xf32> to vector<16xf32>
      %gt3A = arith.constant 0.000000e+00 : f32
      %gt3A_576 = vector.broadcast %gt3A : f32 to vector<16xf32>
      %gt3A_577 = arith.cmpf ogt, %get3A_575, %gt3A_576 : vector<16xf32>
      %and3A_578 = arith.andi %lt3A_572, %gt3A_577 : vector<16xi1>
      %jit3A_579 = arith.constant 1.000000e+00 : f32
      %jit3A_580 = arith.constant 0.000000e+00 : f32
      %broadcast_in_dim3A_581 = vector.broadcast %jit3A_579 : f32 to vector<16xf32>
      %broadcast_in_dim3A_582 = vector.broadcast %jit3A_580 : f32 to vector<16xf32>
      %select_n3A_583 = arith.select %and3A_578, %broadcast_in_dim3A_581, %broadcast_in_dim3A_582 : vector<16xi1>, vector<16xf32>
      %add3A_584 = arith.addf %scan3A_554, %select_n3A_583 : vector<16xf32>
      scf.yield %add3A_584 : vector<16xf32>
    }
    %scan3A_498 = arith.constant 128 : i32
    %swap3A_499 = arith.constant 448 : index
    %swap3A_500 = tpu.vector_load %arg13[%swap3A_499] {strides = array<i32>} : memref<512xf32, #tpu.memory_space<vmem>>, vector<16xf32>,
    %swap3A_501 = vector.shape_cast %swap3A_500 : vector<16xf32> to vector<16xf32>
    %swap3A_502 = vector.shape_cast %scan3A_497 : vector<16xf32> to vector<16xf32>
    tpu.vector_store %arg13[%swap3A_499], %swap3A_502 {strides = array<i32>} : memref<512xf32, #tpu.memory_space<vmem>>, vector<16xf32>,
    %slice3A_503 = vector.extract_strided_slice %get3A_291 {offsets = [13], sizes = [1], strides = [1]} : vector<16xf32> to vector<1xf32>
    %squeeze3A_504 = vector.extract %slice3A_503[0] : f32 from vector<1xf32>
    %slice3A_505 = vector.extract_strided_slice %get3A_294 {offsets = [13], sizes = [1], strides = [1]} : vector<16xf32> to vector<1xf32>
    %squeeze3A_506 = vector.extract %slice3A_505[0] : f32 from vector<1xf32>
    %broadcast_in_dim3A_507 = arith.constant 0.000000e+00 : f32
    %broadcast_in_dim3A_508 = vector.broadcast %broadcast_in_dim3A_507 : f32 to vector<16xf32>
    %scan3A_509 = arith.constant 0 : i32
    %scan3A_510 = arith.constant 128 : i32
    %scan3A_511 = arith.addi %scan3A_509, %scan3A_510 : i32
    %scan3A_512 = arith.constant 1 : i32
    %scan3A_513 = scf.for %scan3A_553 = %scan3A_509 to %scan3A_511 step %scan3A_512 iter_args(%scan3A_554 = %broadcast_in_dim3A_508) -> (vector<16xf32>)  : i32 {
      %mul3A_555 = arith.constant 16 : i32
      %mul3A_556 = arith.muli %scan3A_553, %mul3A_555 : i32
      %get3A_557 = arith.index_cast %mul3A_556 : i32 to index
      %get3A_558 = tpu.vector_load %arg8[%get3A_557] {strides = array<i32>} : memref<2048xf32, #tpu.memory_space<vmem>>, vector<16xf32>,
      %get3A_559 = vector.shape_cast %get3A_558 : vector<16xf32> to vector<16xf32>
      %sub3A_560 = vector.broadcast %squeeze3A_504 : f32 to vector<16xf32>
      %sub3A_561 = arith.subf %get3A_559, %sub3A_560 : vector<16xf32>
      %get3A_562 = arith.index_cast %mul3A_556 : i32 to index
      %get3A_563 = tpu.vector_load %arg9[%get3A_562] {strides = array<i32>} : memref<2048xf32, #tpu.memory_space<vmem>>, vector<16xf32>,
      %get3A_564 = vector.shape_cast %get3A_563 : vector<16xf32> to vector<16xf32>
      %sub3A_565 = vector.broadcast %squeeze3A_506 : f32 to vector<16xf32>
      %sub3A_566 = arith.subf %get3A_564, %sub3A_565 : vector<16xf32>
      %mul3A_567 = arith.mulf %sub3A_561, %sub3A_561 : vector<16xf32>
      %mul3A_568 = arith.mulf %sub3A_566, %sub3A_566 : vector<16xf32>
      %add3A_569 = arith.addf %mul3A_567, %mul3A_568 : vector<16xf32>
      %lt3A_570 = arith.constant 0.00999999977 : f32
      %lt3A_571 = vector.broadcast %lt3A_570 : f32 to vector<16xf32>
      %lt3A_572 = arith.cmpf olt, %add3A_569, %lt3A_571 : vector<16xf32>
      %get3A_573 = arith.index_cast %mul3A_556 : i32 to index
      %get3A_574 = tpu.vector_load %arg10[%get3A_573] {strides = array<i32>} : memref<2048xf32, #tpu.memory_space<vmem>>, vector<16xf32>,
      %get3A_575 = vector.shape_cast %get3A_574 : vector<16xf32> to vector<16xf32>
      %gt3A = arith.constant 0.000000e+00 : f32
      %gt3A_576 = vector.broadcast %gt3A : f32 to vector<16xf32>
      %gt3A_577 = arith.cmpf ogt, %get3A_575, %gt3A_576 : vector<16xf32>
      %and3A_578 = arith.andi %lt3A_572, %gt3A_577 : vector<16xi1>
      %jit3A_579 = arith.constant 1.000000e+00 : f32
      %jit3A_580 = arith.constant 0.000000e+00 : f32
      %broadcast_in_dim3A_581 = vector.broadcast %jit3A_579 : f32 to vector<16xf32>
      %broadcast_in_dim3A_582 = vector.broadcast %jit3A_580 : f32 to vector<16xf32>
      %select_n3A_583 = arith.select %and3A_578, %broadcast_in_dim3A_581, %broadcast_in_dim3A_582 : vector<16xi1>, vector<16xf32>
      %add3A_584 = arith.addf %scan3A_554, %select_n3A_583 : vector<16xf32>
      scf.yield %add3A_584 : vector<16xf32>
    }
    %scan3A_514 = arith.constant 128 : i32
    %swap3A_515 = arith.constant 464 : index
    %swap3A_516 = tpu.vector_load %arg13[%swap3A_515] {strides = array<i32>} : memref<512xf32, #tpu.memory_space<vmem>>, vector<16xf32>,
    %swap3A_517 = vector.shape_cast %swap3A_516 : vector<16xf32> to vector<16xf32>
    %swap3A_518 = vector.shape_cast %scan3A_513 : vector<16xf32> to vector<16xf32>
    tpu.vector_store %arg13[%swap3A_515], %swap3A_518 {strides = array<i32>} : memref<512xf32, #tpu.memory_space<vmem>>, vector<16xf32>,
    %slice3A_519 = vector.extract_strided_slice %get3A_291 {offsets = [14], sizes = [1], strides = [1]} : vector<16xf32> to vector<1xf32>
    %squeeze3A_520 = vector.extract %slice3A_519[0] : f32 from vector<1xf32>
    %slice3A_521 = vector.extract_strided_slice %get3A_294 {offsets = [14], sizes = [1], strides = [1]} : vector<16xf32> to vector<1xf32>
    %squeeze3A_522 = vector.extract %slice3A_521[0] : f32 from vector<1xf32>
    %broadcast_in_dim3A_523 = arith.constant 0.000000e+00 : f32
    %broadcast_in_dim3A_524 = vector.broadcast %broadcast_in_dim3A_523 : f32 to vector<16xf32>
    %scan3A_525 = arith.constant 0 : i32
    %scan3A_526 = arith.constant 128 : i32
    %scan3A_527 = arith.addi %scan3A_525, %scan3A_526 : i32
    %scan3A_528 = arith.constant 1 : i32
    %scan3A_529 = scf.for %scan3A_553 = %scan3A_525 to %scan3A_527 step %scan3A_528 iter_args(%scan3A_554 = %broadcast_in_dim3A_524) -> (vector<16xf32>)  : i32 {
      %mul3A_555 = arith.constant 16 : i32
      %mul3A_556 = arith.muli %scan3A_553, %mul3A_555 : i32
      %get3A_557 = arith.index_cast %mul3A_556 : i32 to index
      %get3A_558 = tpu.vector_load %arg8[%get3A_557] {strides = array<i32>} : memref<2048xf32, #tpu.memory_space<vmem>>, vector<16xf32>,
      %get3A_559 = vector.shape_cast %get3A_558 : vector<16xf32> to vector<16xf32>
      %sub3A_560 = vector.broadcast %squeeze3A_520 : f32 to vector<16xf32>
      %sub3A_561 = arith.subf %get3A_559, %sub3A_560 : vector<16xf32>
      %get3A_562 = arith.index_cast %mul3A_556 : i32 to index
      %get3A_563 = tpu.vector_load %arg9[%get3A_562] {strides = array<i32>} : memref<2048xf32, #tpu.memory_space<vmem>>, vector<16xf32>,
      %get3A_564 = vector.shape_cast %get3A_563 : vector<16xf32> to vector<16xf32>
      %sub3A_565 = vector.broadcast %squeeze3A_522 : f32 to vector<16xf32>
      %sub3A_566 = arith.subf %get3A_564, %sub3A_565 : vector<16xf32>
      %mul3A_567 = arith.mulf %sub3A_561, %sub3A_561 : vector<16xf32>
      %mul3A_568 = arith.mulf %sub3A_566, %sub3A_566 : vector<16xf32>
      %add3A_569 = arith.addf %mul3A_567, %mul3A_568 : vector<16xf32>
      %lt3A_570 = arith.constant 0.00999999977 : f32
      %lt3A_571 = vector.broadcast %lt3A_570 : f32 to vector<16xf32>
      %lt3A_572 = arith.cmpf olt, %add3A_569, %lt3A_571 : vector<16xf32>
      %get3A_573 = arith.index_cast %mul3A_556 : i32 to index
      %get3A_574 = tpu.vector_load %arg10[%get3A_573] {strides = array<i32>} : memref<2048xf32, #tpu.memory_space<vmem>>, vector<16xf32>,
      %get3A_575 = vector.shape_cast %get3A_574 : vector<16xf32> to vector<16xf32>
      %gt3A = arith.constant 0.000000e+00 : f32
      %gt3A_576 = vector.broadcast %gt3A : f32 to vector<16xf32>
      %gt3A_577 = arith.cmpf ogt, %get3A_575, %gt3A_576 : vector<16xf32>
      %and3A_578 = arith.andi %lt3A_572, %gt3A_577 : vector<16xi1>
      %jit3A_579 = arith.constant 1.000000e+00 : f32
      %jit3A_580 = arith.constant 0.000000e+00 : f32
      %broadcast_in_dim3A_581 = vector.broadcast %jit3A_579 : f32 to vector<16xf32>
      %broadcast_in_dim3A_582 = vector.broadcast %jit3A_580 : f32 to vector<16xf32>
      %select_n3A_583 = arith.select %and3A_578, %broadcast_in_dim3A_581, %broadcast_in_dim3A_582 : vector<16xi1>, vector<16xf32>
      %add3A_584 = arith.addf %scan3A_554, %select_n3A_583 : vector<16xf32>
      scf.yield %add3A_584 : vector<16xf32>
    }
    %scan3A_530 = arith.constant 128 : i32
    %swap3A_531 = arith.constant 480 : index
    %swap3A_532 = tpu.vector_load %arg13[%swap3A_531] {strides = array<i32>} : memref<512xf32, #tpu.memory_space<vmem>>, vector<16xf32>,
    %swap3A_533 = vector.shape_cast %swap3A_532 : vector<16xf32> to vector<16xf32>
    %swap3A_534 = vector.shape_cast %scan3A_529 : vector<16xf32> to vector<16xf32>
    tpu.vector_store %arg13[%swap3A_531], %swap3A_534 {strides = array<i32>} : memref<512xf32, #tpu.memory_space<vmem>>, vector<16xf32>,
    %slice3A_535 = vector.extract_strided_slice %get3A_291 {offsets = [15], sizes = [1], strides = [1]} : vector<16xf32> to vector<1xf32>
    %squeeze3A_536 = vector.extract %slice3A_535[0] : f32 from vector<1xf32>
    %slice3A_537 = vector.extract_strided_slice %get3A_294 {offsets = [15], sizes = [1], strides = [1]} : vector<16xf32> to vector<1xf32>
    %squeeze3A_538 = vector.extract %slice3A_537[0] : f32 from vector<1xf32>
    %broadcast_in_dim3A_539 = arith.constant 0.000000e+00 : f32
    %broadcast_in_dim3A_540 = vector.broadcast %broadcast_in_dim3A_539 : f32 to vector<16xf32>
    %scan3A_541 = arith.constant 0 : i32
    %scan3A_542 = arith.constant 128 : i32
    %scan3A_543 = arith.addi %scan3A_541, %scan3A_542 : i32
    %scan3A_544 = arith.constant 1 : i32
    %scan3A_545 = scf.for %scan3A_553 = %scan3A_541 to %scan3A_543 step %scan3A_544 iter_args(%scan3A_554 = %broadcast_in_dim3A_540) -> (vector<16xf32>)  : i32 {
      %mul3A_555 = arith.constant 16 : i32
      %mul3A_556 = arith.muli %scan3A_553, %mul3A_555 : i32
      %get3A_557 = arith.index_cast %mul3A_556 : i32 to index
      %get3A_558 = tpu.vector_load %arg8[%get3A_557] {strides = array<i32>} : memref<2048xf32, #tpu.memory_space<vmem>>, vector<16xf32>,
      %get3A_559 = vector.shape_cast %get3A_558 : vector<16xf32> to vector<16xf32>
      %sub3A_560 = vector.broadcast %squeeze3A_536 : f32 to vector<16xf32>
      %sub3A_561 = arith.subf %get3A_559, %sub3A_560 : vector<16xf32>
      %get3A_562 = arith.index_cast %mul3A_556 : i32 to index
      %get3A_563 = tpu.vector_load %arg9[%get3A_562] {strides = array<i32>} : memref<2048xf32, #tpu.memory_space<vmem>>, vector<16xf32>,
      %get3A_564 = vector.shape_cast %get3A_563 : vector<16xf32> to vector<16xf32>
      %sub3A_565 = vector.broadcast %squeeze3A_538 : f32 to vector<16xf32>
      %sub3A_566 = arith.subf %get3A_564, %sub3A_565 : vector<16xf32>
      %mul3A_567 = arith.mulf %sub3A_561, %sub3A_561 : vector<16xf32>
      %mul3A_568 = arith.mulf %sub3A_566, %sub3A_566 : vector<16xf32>
      %add3A_569 = arith.addf %mul3A_567, %mul3A_568 : vector<16xf32>
      %lt3A_570 = arith.constant 0.00999999977 : f32
      %lt3A_571 = vector.broadcast %lt3A_570 : f32 to vector<16xf32>
      %lt3A_572 = arith.cmpf olt, %add3A_569, %lt3A_571 : vector<16xf32>
      %get3A_573 = arith.index_cast %mul3A_556 : i32 to index
      %get3A_574 = tpu.vector_load %arg10[%get3A_573] {strides = array<i32>} : memref<2048xf32, #tpu.memory_space<vmem>>, vector<16xf32>,
      %get3A_575 = vector.shape_cast %get3A_574 : vector<16xf32> to vector<16xf32>
      %gt3A = arith.constant 0.000000e+00 : f32
      %gt3A_576 = vector.broadcast %gt3A : f32 to vector<16xf32>
      %gt3A_577 = arith.cmpf ogt, %get3A_575, %gt3A_576 : vector<16xf32>
      %and3A_578 = arith.andi %lt3A_572, %gt3A_577 : vector<16xi1>
      %jit3A_579 = arith.constant 1.000000e+00 : f32
      %jit3A_580 = arith.constant 0.000000e+00 : f32
      %broadcast_in_dim3A_581 = vector.broadcast %jit3A_579 : f32 to vector<16xf32>
      %broadcast_in_dim3A_582 = vector.broadcast %jit3A_580 : f32 to vector<16xf32>
      %select_n3A_583 = arith.select %and3A_578, %broadcast_in_dim3A_581, %broadcast_in_dim3A_582 : vector<16xi1>, vector<16xf32>
      %add3A_584 = arith.addf %scan3A_554, %select_n3A_583 : vector<16xf32>
      scf.yield %add3A_584 : vector<16xf32>
    }
    %scan3A_546 = arith.constant 128 : i32
    %swap3A_547 = arith.constant 496 : index
    %swap3A_548 = tpu.vector_load %arg13[%swap3A_547] {strides = array<i32>} : memref<512xf32, #tpu.memory_space<vmem>>, vector<16xf32>,
    %swap3A_549 = vector.shape_cast %swap3A_548 : vector<16xf32> to vector<16xf32>
    %swap3A_550 = vector.shape_cast %scan3A_545 : vector<16xf32> to vector<16xf32>
    tpu.vector_store %arg13[%swap3A_547], %swap3A_550 {strides = array<i32>} : memref<512xf32, #tpu.memory_space<vmem>>, vector<16xf32>,
    %mul3A_551 = arith.constant 16 : i32
    %mul3A_552 = arith.muli %mul3A_32, %mul3A_551 : i32
    "tpu.region"() ({
      %run_scoped3A = tpu.sem_alloc : memref<!tpu.dma_semaphore, #tpu.memory_space<semaphore_mem>>
      %dma_start3A = tpu.memref_slice %arg7[%select_n3A, %mul3A_552] : memref<2x8192xf32, #tpu.memory_space<hbm>> -> memref<1x512xf32, #tpu.memory_space<hbm>>
      %dma_start3A_553 = tpu.memref_squeeze %dma_start3A : memref<1x512xf32, #tpu.memory_space<hbm>> -> memref<512xf32, #tpu.memory_space<hbm>>
      %dma_start3A_554 = tpu.memref_slice %arg7[%select_n3A, %mul3A_552] : memref<2x8192xf32, #tpu.memory_space<hbm>> -> memref<1x512xf32, #tpu.memory_space<hbm>>
      %dma_start3A_555 = tpu.memref_squeeze %dma_start3A_554 : memref<1x512xf32, #tpu.memory_space<hbm>> -> memref<512xf32, #tpu.memory_space<hbm>>
      tpu.enqueue_dma source(%arg13 : memref<512xf32, #tpu.memory_space<vmem>>) target(%dma_start3A_555 : memref<512xf32, #tpu.memory_space<hbm>>) target_semaphore(%run_scoped3A : memref<!tpu.dma_semaphore, #tpu.memory_space<semaphore_mem>>)
      %dma_wait3A = tpu.memref_slice %arg7[%select_n3A, %mul3A_552] : memref<2x8192xf32, #tpu.memory_space<hbm>> -> memref<1x512xf32, #tpu.memory_space<hbm>>
      %dma_wait3A_556 = tpu.memref_squeeze %dma_wait3A : memref<1x512xf32, #tpu.memory_space<hbm>> -> memref<512xf32, #tpu.memory_space<hbm>>
      %dma_wait3A_557 = tpu.memref_slice %arg7[%select_n3A, %mul3A_552] : memref<2x8192xf32, #tpu.memory_space<hbm>> -> memref<1x512xf32, #tpu.memory_space<hbm>>
      %dma_wait3A_558 = tpu.memref_squeeze %dma_wait3A_557 : memref<1x512xf32, #tpu.memory_space<hbm>> -> memref<512xf32, #tpu.memory_space<hbm>>
      tpu.wait_dma2 semaphore(%run_scoped3A : memref<!tpu.dma_semaphore, #tpu.memory_space<semaphore_mem>>) src(%arg13 : memref<512xf32, #tpu.memory_space<vmem>>) dst(%dma_wait3A_558 : memref<512xf32, #tpu.memory_space<hbm>>)
      tpu.yield
    }) : () -> ()
    return
  }
}

module attributes {stable_mosaic.version = 14 : i64} {
  func.func @_attn_body(%arg0: i32, %arg1: i32, %arg2: memref<1x2048x256xf32, #tpu.memory_space<vmem>>, %arg3: memref<1x2x2048xf32, #tpu.memory_space<vmem>>, %arg4: memref<1x1x2048xf32, #tpu.memory_space<vmem>>, %arg5: memref<1x256x2xf32, #tpu.memory_space<vmem>>, %arg6: memref<2x256xf32, #tpu.memory_space<vmem>>, %arg7: memref<1x256xf32, #tpu.memory_space<vmem>>, %arg8: memref<768x256xf32, #tpu.memory_space<vmem>>, %arg9: memref<1x768xf32, #tpu.memory_space<vmem>>, %arg10: memref<256x256xf32, #tpu.memory_space<vmem>>, %arg11: memref<1x256xf32, #tpu.memory_space<vmem>>, %arg12: memref<256x256xf32, #tpu.memory_space<vmem>>, %arg13: memref<1x256xf32, #tpu.memory_space<vmem>>, %arg14: memref<1x256xf32, #tpu.memory_space<vmem>>, %arg15: memref<1x256xf32, #tpu.memory_space<vmem>>, %arg16: memref<1x256x256xf32, #tpu.memory_space<vmem>>, %arg17: memref<2048x256xbf16, #tpu.memory_space<vmem>>, %arg18: memref<2048x256xf32, #tpu.memory_space<vmem>>) attributes {dimension_semantics = [#tpu.dimension_semantics<arbitrary>, #tpu.dimension_semantics<arbitrary>], iteration_bounds = array<i64: 2, 2>, scalar_prefetch = 0 : i64, scratch_operands = 2 : i64, tpu.core_type = #tpu.core_type<tc>, window_params = [{transform_indices = @transform_0, window_bounds = array<i64: 1, 2048, 256>}, {transform_indices = @transform_1, window_bounds = array<i64: 1, 2, 2048>}, {transform_indices = @transform_2, window_bounds = array<i64: 1, 1, 2048>}, {transform_indices = @transform_3, window_bounds = array<i64: 1, 256, 2>}, {pipeline_mode = #tpu.pipeline_mode<synchronous>, transform_indices = @transform_4, window_bounds = array<i64: 2, 256>}, {pipeline_mode = #tpu.pipeline_mode<synchronous>, transform_indices = @transform_5, window_bounds = array<i64: 1, 256>}, {pipeline_mode = #tpu.pipeline_mode<synchronous>, transform_indices = @transform_6, window_bounds = array<i64: 768, 256>}, {pipeline_mode = #tpu.pipeline_mode<synchronous>, transform_indices = @transform_7, window_bounds = array<i64: 1, 768>}, {pipeline_mode = #tpu.pipeline_mode<synchronous>, transform_indices = @transform_8, window_bounds = array<i64: 256, 256>}, {pipeline_mode = #tpu.pipeline_mode<synchronous>, transform_indices = @transform_9, window_bounds = array<i64: 1, 256>}, {pipeline_mode = #tpu.pipeline_mode<synchronous>, transform_indices = @transform_10, window_bounds = array<i64: 256, 256>}, {pipeline_mode = #tpu.pipeline_mode<synchronous>, transform_indices = @transform_11, window_bounds = array<i64: 1, 256>}, {pipeline_mode = #tpu.pipeline_mode<synchronous>, transform_indices = @transform_12, window_bounds = array<i64: 1, 256>}, {pipeline_mode = #tpu.pipeline_mode<synchronous>, transform_indices = @transform_13, window_bounds = array<i64: 1, 256>}, {transform_indices = @transform_14, window_bounds = array<i64: 1, 256, 256>}]} {
    %eq3A = arith.constant 0 : i32
    %eq3A_0 = arith.cmpi eq, %arg1, %eq3A : i32
    %convert_element_type3A = arith.extui %eq3A_0 : i1 to i32
    %cond3A = arith.constant 0 : i32
    %cond3A_1 = arith.cmpi ne, %convert_element_type3A, %cond3A : i32
    scf.if %cond3A_1 {
      %get3A_292 = arith.constant 0 : index
      %get3A_293 = arith.constant 0 : index
      %get3A_294 = arith.constant 0 : index
      %get3A_295 = vector.load %arg2[%get3A_292, %get3A_293, %get3A_294] : memref<1x2048x256xf32, #tpu.memory_space<vmem>>, vector<1x2048x256xf32>
      %get3A_296 = vector.shape_cast %get3A_295 : vector<1x2048x256xf32> to vector<2048x256xf32>
      %get3A_297 = arith.constant 256 : index
      %get3A_298 = arith.constant 0 : index
      %get3A_299 = vector.load %arg8[%get3A_297, %get3A_298] : memref<768x256xf32, #tpu.memory_space<vmem>>, vector<256x256xf32>
      %dot_general3A_300 = arith.constant dense<0.000000e+00> : vector<2048x256xf32>
      %dot_general3A_301 = tpu.matmul %get3A_296, %get3A_299, %dot_general3A_300 {dimension_numbers = #tpu.dot_dimension_numbers<[1], [1], [0], [0], [0, 0, 1, 0], [], []>, transpose_lhs_hint = false} : vector<2048x256xf32>, vector<256x256xf32>, vector<2048x256xf32> -> vector<2048x256xf32>
      %get3A_302 = arith.constant 0 : index
      %get3A_303 = arith.constant 256 : index
      %get3A_304 = vector.load %arg9[%get3A_302, %get3A_303] : memref<1x768xf32, #tpu.memory_space<vmem>>, vector<1x256xf32>
      %add3A_305 = vector.broadcast %get3A_304 : vector<1x256xf32> to vector<2048x256xf32>
      %add3A_306 = arith.addf %dot_general3A_301, %add3A_305 : vector<2048x256xf32>
      %convert_element_type3A_307 = arith.truncf %add3A_306 : vector<2048x256xf32> to vector<2048x256xbf16>
      %swap3A_308 = arith.constant 0 : index
      %swap3A_309 = arith.constant 0 : index
      %swap3A_310 = vector.load %arg17[%swap3A_308, %swap3A_309] : memref<2048x256xbf16, #tpu.memory_space<vmem>>, vector<2048x256xbf16>
      tpu.vector_store %arg17[%swap3A_308, %swap3A_309], %convert_element_type3A_307 {strides = array<i32>} : memref<2048x256xbf16, #tpu.memory_space<vmem>>, vector<2048x256xbf16>,
      %get3A_311 = arith.constant 512 : index
      %get3A_312 = arith.constant 0 : index
      %get3A_313 = vector.load %arg8[%get3A_311, %get3A_312] : memref<768x256xf32, #tpu.memory_space<vmem>>, vector<256x256xf32>
      %dot_general3A_314 = arith.constant dense<0.000000e+00> : vector<2048x256xf32>
      %dot_general3A_315 = tpu.matmul %get3A_296, %get3A_313, %dot_general3A_314 {dimension_numbers = #tpu.dot_dimension_numbers<[1], [1], [0], [0], [0, 0, 1, 0], [], []>, transpose_lhs_hint = false} : vector<2048x256xf32>, vector<256x256xf32>, vector<2048x256xf32> -> vector<2048x256xf32>
      %get3A_316 = arith.constant 0 : index
      %get3A_317 = arith.constant 512 : index
      %get3A_318 = vector.load %arg9[%get3A_316, %get3A_317] : memref<1x768xf32, #tpu.memory_space<vmem>>, vector<1x256xf32>
      %add3A_319 = vector.broadcast %get3A_318 : vector<1x256xf32> to vector<2048x256xf32>
      %add3A_320 = arith.addf %dot_general3A_315, %add3A_319 : vector<2048x256xf32>
      %swap3A_321 = arith.constant 0 : index
      %swap3A_322 = arith.constant 0 : index
      %swap3A_323 = vector.load %arg18[%swap3A_321, %swap3A_322] : memref<2048x256xf32, #tpu.memory_space<vmem>>, vector<2048x256xf32>
      tpu.vector_store %arg18[%swap3A_321, %swap3A_322], %add3A_320 {strides = array<i32>} : memref<2048x256xf32, #tpu.memory_space<vmem>>, vector<2048x256xf32>,
    } else {
    }
    %get3A = arith.constant 0 : index
    %get3A_2 = arith.constant 0 : index
    %get3A_3 = arith.constant 0 : index
    %get3A_4 = vector.load %arg3[%get3A, %get3A_2, %get3A_3] : memref<1x2x2048xf32, #tpu.memory_space<vmem>>, vector<1x2x2048xf32>
    %get3A_5 = vector.shape_cast %get3A_4 : vector<1x2x2048xf32> to vector<2x2048xf32>
    %slice3A = vector.extract_strided_slice %get3A_5 {offsets = [0, 0], sizes = [1, 2048], strides = [1, 1]} : vector<2x2048xf32> to vector<1x2048xf32>
    %slice3A_6 = vector.extract_strided_slice %get3A_5 {offsets = [1, 0], sizes = [1, 2048], strides = [1, 1]} : vector<2x2048xf32> to vector<1x2048xf32>
    %get3A_7 = arith.constant 0 : index
    %get3A_8 = arith.constant 0 : index
    %get3A_9 = arith.constant 0 : index
    %get3A_10 = vector.load %arg5[%get3A_7, %get3A_8, %get3A_9] : memref<1x256x2xf32, #tpu.memory_space<vmem>>, vector<1x256x2xf32>
    %get3A_11 = vector.shape_cast %get3A_10 : vector<1x256x2xf32> to vector<256x2xf32>
    %slice3A_12 = vector.extract_strided_slice %get3A_11 {offsets = [0, 0], sizes = [256, 1], strides = [1, 1]} : vector<256x2xf32> to vector<256x1xf32>
    %slice3A_13 = vector.extract_strided_slice %get3A_11 {offsets = [0, 1], sizes = [256, 1], strides = [1, 1]} : vector<256x2xf32> to vector<256x1xf32>
    %sub3A = vector.broadcast %slice3A_12 : vector<256x1xf32> to vector<256x2048xf32>
    %sub3A_14 = vector.broadcast %slice3A : vector<1x2048xf32> to vector<256x2048xf32>
    %sub3A_15 = arith.subf %sub3A, %sub3A_14 : vector<256x2048xf32>
    %sub3A_16 = vector.broadcast %slice3A_13 : vector<256x1xf32> to vector<256x2048xf32>
    %sub3A_17 = vector.broadcast %slice3A_6 : vector<1x2048xf32> to vector<256x2048xf32>
    %sub3A_18 = arith.subf %sub3A_16, %sub3A_17 : vector<256x2048xf32>
    %mul3A = arith.mulf %sub3A_15, %sub3A_15 : vector<256x2048xf32>
    %mul3A_19 = arith.mulf %sub3A_18, %sub3A_18 : vector<256x2048xf32>
    %add3A = arith.addf %mul3A, %mul3A_19 : vector<256x2048xf32>
    %lt3A = arith.constant 0.00999999977 : f32
    %lt3A_20 = vector.broadcast %lt3A : f32 to vector<256x2048xf32>
    %lt3A_21 = arith.cmpf olt, %add3A, %lt3A_20 : vector<256x2048xf32>
    %get3A_22 = arith.constant 0 : index
    %get3A_23 = arith.constant 0 : index
    %get3A_24 = arith.constant 0 : index
    %get3A_25 = vector.load %arg4[%get3A_22, %get3A_23, %get3A_24] : memref<1x1x2048xf32, #tpu.memory_space<vmem>>, vector<1x1x2048xf32>
    %get3A_26 = vector.shape_cast %get3A_25 : vector<1x1x2048xf32> to vector<1x2048xf32>
    %gt3A = arith.constant 0.000000e+00 : f32
    %gt3A_27 = vector.broadcast %gt3A : f32 to vector<1x2048xf32>
    %gt3A_28 = arith.cmpf ogt, %get3A_26, %gt3A_27 : vector<1x2048xf32>
    %and3A = vector.broadcast %gt3A_28 : vector<1x2048xi1> to vector<256x2048xi1>
    %and3A_29 = arith.andi %lt3A_21, %and3A : vector<256x2048xi1>
    %jit3A = arith.constant 0.000000e+00 : f32
    %jit3A_30 = arith.constant 0xFF800000 : f32
    %broadcast_in_dim3A = vector.broadcast %jit3A : f32 to vector<256x2048xf32>
    %broadcast_in_dim3A_31 = vector.broadcast %jit3A_30 : f32 to vector<256x2048xf32>
    %select_n3A = arith.select %and3A_29, %broadcast_in_dim3A, %broadcast_in_dim3A_31 : vector<256x2048xi1>, vector<256x2048xf32>
    %get3A_32 = arith.constant 0 : index
    %get3A_33 = arith.constant 0 : index
    %get3A_34 = vector.load %arg6[%get3A_32, %get3A_33] : memref<2x256xf32, #tpu.memory_space<vmem>>, vector<1x256xf32>
    %mul3A_35 = vector.broadcast %slice3A_12 : vector<256x1xf32> to vector<256x256xf32>
    %mul3A_36 = vector.broadcast %get3A_34 : vector<1x256xf32> to vector<256x256xf32>
    %mul3A_37 = arith.mulf %mul3A_35, %mul3A_36 : vector<256x256xf32>
    %get3A_38 = arith.constant 1 : index
    %get3A_39 = arith.constant 0 : index
    %get3A_40 = vector.load %arg6[%get3A_38, %get3A_39] : memref<2x256xf32, #tpu.memory_space<vmem>>, vector<1x256xf32>
    %mul3A_41 = vector.broadcast %slice3A_13 : vector<256x1xf32> to vector<256x256xf32>
    %mul3A_42 = vector.broadcast %get3A_40 : vector<1x256xf32> to vector<256x256xf32>
    %mul3A_43 = arith.mulf %mul3A_41, %mul3A_42 : vector<256x256xf32>
    %add3A_44 = arith.addf %mul3A_37, %mul3A_43 : vector<256x256xf32>
    %get3A_45 = arith.constant 0 : index
    %get3A_46 = arith.constant 0 : index
    %get3A_47 = vector.load %arg7[%get3A_45, %get3A_46] : memref<1x256xf32, #tpu.memory_space<vmem>>, vector<1x256xf32>
    %add3A_48 = vector.broadcast %get3A_47 : vector<1x256xf32> to vector<256x256xf32>
    %add3A_49 = arith.addf %add3A_44, %add3A_48 : vector<256x256xf32>
    %get3A_50 = arith.constant 0 : index
    %get3A_51 = arith.constant 0 : index
    %get3A_52 = vector.load %arg8[%get3A_50, %get3A_51] : memref<768x256xf32, #tpu.memory_space<vmem>>, vector<256x256xf32>
    %dot_general3A = arith.constant dense<0.000000e+00> : vector<256x256xf32>
    %dot_general3A_53 = tpu.matmul %add3A_49, %get3A_52, %dot_general3A {dimension_numbers = #tpu.dot_dimension_numbers<[1], [1], [0], [0], [0, 0, 1, 0], [], []>, transpose_lhs_hint = false} : vector<256x256xf32>, vector<256x256xf32>, vector<256x256xf32> -> vector<256x256xf32>
    %get3A_54 = arith.constant 0 : index
    %get3A_55 = arith.constant 0 : index
    %get3A_56 = vector.load %arg9[%get3A_54, %get3A_55] : memref<1x768xf32, #tpu.memory_space<vmem>>, vector<1x256xf32>
    %add3A_57 = vector.broadcast %get3A_56 : vector<1x256xf32> to vector<256x256xf32>
    %add3A_58 = arith.addf %dot_general3A_53, %add3A_57 : vector<256x256xf32>
    %mul3A_59 = arith.constant 0.176776692 : f32
    %mul3A_60 = vector.broadcast %mul3A_59 : f32 to vector<256x256xf32>
    %mul3A_61 = arith.mulf %add3A_58, %mul3A_60 : vector<256x256xf32>
    %convert_element_type3A_62 = arith.truncf %mul3A_61 : vector<256x256xf32> to vector<256x256xbf16>
    %slice3A_63 = vector.extract_strided_slice %convert_element_type3A_62 {offsets = [0, 0], sizes = [256, 32], strides = [1, 1]} : vector<256x256xbf16> to vector<256x32xbf16>
    %get3A_64 = arith.constant 0 : index
    %get3A_65 = arith.constant 0 : index
    %get3A_66 = vector.load %arg17[%get3A_64, %get3A_65] : memref<2048x256xbf16, #tpu.memory_space<vmem>>, vector<2048x32xbf16>
    %dot_general3A_67 = arith.constant dense<0.000000e+00> : vector<256x2048xf32>
    %dot_general3A_68 = tpu.matmul %slice3A_63, %get3A_66, %dot_general3A_67 {dimension_numbers = #tpu.dot_dimension_numbers<[1], [1], [0], [0], [0, 0, 1, 0], [], []>, transpose_lhs_hint = false} : vector<256x32xbf16>, vector<2048x32xbf16>, vector<256x2048xf32> -> vector<256x2048xf32>
    %add3A_69 = arith.addf %dot_general3A_68, %select_n3A : vector<256x2048xf32>
    %exp3A = math.exp %add3A_69 : vector<256x2048xf32>
    %reduce_sum3A = arith.constant dense<0.000000e+00> : vector<256xf32>
    %reduce_sum3A_70 = vector.multi_reduction <add>, %exp3A, %reduce_sum3A [1] : vector<256x2048xf32> to vector<256xf32>
    %broadcast_in_dim3A_71 = vector.shape_cast %reduce_sum3A_70 : vector<256xf32> to vector<256x1xf32>
    %get3A_72 = arith.constant 0 : index
    %get3A_73 = arith.constant 0 : index
    %get3A_74 = vector.load %arg18[%get3A_72, %get3A_73] : memref<2048x256xf32, #tpu.memory_space<vmem>>, vector<2048x32xf32>
    %dot_general3A_75 = arith.constant dense<0.000000e+00> : vector<256x32xf32>
    %dot_general3A_76 = tpu.matmul %exp3A, %get3A_74, %dot_general3A_75 {dimension_numbers = #tpu.dot_dimension_numbers<[1], [0], [0], [1], [0, 0, 1, 1], [], []>, transpose_lhs_hint = false} : vector<256x2048xf32>, vector<2048x32xf32>, vector<256x32xf32> -> vector<256x32xf32>
    %div3A = arith.constant 1.000000e+00 : f32
    %div3A_77 = vector.broadcast %div3A : f32 to vector<256x1xf32>
    %div3A_78 = arith.divf %div3A_77, %broadcast_in_dim3A_71 : vector<256x1xf32>
    %mul3A_79 = vector.broadcast %div3A_78 : vector<256x1xf32> to vector<256x32xf32>
    %mul3A_80 = arith.mulf %dot_general3A_76, %mul3A_79 : vector<256x32xf32>
    %slice3A_81 = vector.extract_strided_slice %convert_element_type3A_62 {offsets = [0, 32], sizes = [256, 32], strides = [1, 1]} : vector<256x256xbf16> to vector<256x32xbf16>
    %get3A_82 = arith.constant 0 : index
    %get3A_83 = arith.constant 32 : index
    %get3A_84 = vector.load %arg17[%get3A_82, %get3A_83] : memref<2048x256xbf16, #tpu.memory_space<vmem>>, vector<2048x32xbf16>
    %dot_general3A_85 = arith.constant dense<0.000000e+00> : vector<256x2048xf32>
    %dot_general3A_86 = tpu.matmul %slice3A_81, %get3A_84, %dot_general3A_85 {dimension_numbers = #tpu.dot_dimension_numbers<[1], [1], [0], [0], [0, 0, 1, 0], [], []>, transpose_lhs_hint = false} : vector<256x32xbf16>, vector<2048x32xbf16>, vector<256x2048xf32> -> vector<256x2048xf32>
    %add3A_87 = arith.addf %dot_general3A_86, %select_n3A : vector<256x2048xf32>
    %exp3A_88 = math.exp %add3A_87 : vector<256x2048xf32>
    %reduce_sum3A_89 = arith.constant dense<0.000000e+00> : vector<256xf32>
    %reduce_sum3A_90 = vector.multi_reduction <add>, %exp3A_88, %reduce_sum3A_89 [1] : vector<256x2048xf32> to vector<256xf32>
    %broadcast_in_dim3A_91 = vector.shape_cast %reduce_sum3A_90 : vector<256xf32> to vector<256x1xf32>
    %get3A_92 = arith.constant 0 : index
    %get3A_93 = arith.constant 32 : index
    %get3A_94 = vector.load %arg18[%get3A_92, %get3A_93] : memref<2048x256xf32, #tpu.memory_space<vmem>>, vector<2048x32xf32>
    %dot_general3A_95 = arith.constant dense<0.000000e+00> : vector<256x32xf32>
    %dot_general3A_96 = tpu.matmul %exp3A_88, %get3A_94, %dot_general3A_95 {dimension_numbers = #tpu.dot_dimension_numbers<[1], [0], [0], [1], [0, 0, 1, 1], [], []>, transpose_lhs_hint = false} : vector<256x2048xf32>, vector<2048x32xf32>, vector<256x32xf32> -> vector<256x32xf32>
    %div3A_97 = arith.constant 1.000000e+00 : f32
    %div3A_98 = vector.broadcast %div3A_97 : f32 to vector<256x1xf32>
    %div3A_99 = arith.divf %div3A_98, %broadcast_in_dim3A_91 : vector<256x1xf32>
    %mul3A_100 = vector.broadcast %div3A_99 : vector<256x1xf32> to vector<256x32xf32>
    %mul3A_101 = arith.mulf %dot_general3A_96, %mul3A_100 : vector<256x32xf32>
    %slice3A_102 = vector.extract_strided_slice %convert_element_type3A_62 {offsets = [0, 64], sizes = [256, 32], strides = [1, 1]} : vector<256x256xbf16> to vector<256x32xbf16>
    %get3A_103 = arith.constant 0 : index
    %get3A_104 = arith.constant 64 : index
    %get3A_105 = vector.load %arg17[%get3A_103, %get3A_104] : memref<2048x256xbf16, #tpu.memory_space<vmem>>, vector<2048x32xbf16>
    %dot_general3A_106 = arith.constant dense<0.000000e+00> : vector<256x2048xf32>
    %dot_general3A_107 = tpu.matmul %slice3A_102, %get3A_105, %dot_general3A_106 {dimension_numbers = #tpu.dot_dimension_numbers<[1], [1], [0], [0], [0, 0, 1, 0], [], []>, transpose_lhs_hint = false} : vector<256x32xbf16>, vector<2048x32xbf16>, vector<256x2048xf32> -> vector<256x2048xf32>
    %add3A_108 = arith.addf %dot_general3A_107, %select_n3A : vector<256x2048xf32>
    %exp3A_109 = math.exp %add3A_108 : vector<256x2048xf32>
    %reduce_sum3A_110 = arith.constant dense<0.000000e+00> : vector<256xf32>
    %reduce_sum3A_111 = vector.multi_reduction <add>, %exp3A_109, %reduce_sum3A_110 [1] : vector<256x2048xf32> to vector<256xf32>
    %broadcast_in_dim3A_112 = vector.shape_cast %reduce_sum3A_111 : vector<256xf32> to vector<256x1xf32>
    %get3A_113 = arith.constant 0 : index
    %get3A_114 = arith.constant 64 : index
    %get3A_115 = vector.load %arg18[%get3A_113, %get3A_114] : memref<2048x256xf32, #tpu.memory_space<vmem>>, vector<2048x32xf32>
    %dot_general3A_116 = arith.constant dense<0.000000e+00> : vector<256x32xf32>
    %dot_general3A_117 = tpu.matmul %exp3A_109, %get3A_115, %dot_general3A_116 {dimension_numbers = #tpu.dot_dimension_numbers<[1], [0], [0], [1], [0, 0, 1, 1], [], []>, transpose_lhs_hint = false} : vector<256x2048xf32>, vector<2048x32xf32>, vector<256x32xf32> -> vector<256x32xf32>
    %div3A_118 = arith.constant 1.000000e+00 : f32
    %div3A_119 = vector.broadcast %div3A_118 : f32 to vector<256x1xf32>
    %div3A_120 = arith.divf %div3A_119, %broadcast_in_dim3A_112 : vector<256x1xf32>
    %mul3A_121 = vector.broadcast %div3A_120 : vector<256x1xf32> to vector<256x32xf32>
    %mul3A_122 = arith.mulf %dot_general3A_117, %mul3A_121 : vector<256x32xf32>
    %slice3A_123 = vector.extract_strided_slice %convert_element_type3A_62 {offsets = [0, 96], sizes = [256, 32], strides = [1, 1]} : vector<256x256xbf16> to vector<256x32xbf16>
    %get3A_124 = arith.constant 0 : index
    %get3A_125 = arith.constant 96 : index
    %get3A_126 = vector.load %arg17[%get3A_124, %get3A_125] : memref<2048x256xbf16, #tpu.memory_space<vmem>>, vector<2048x32xbf16>
    %dot_general3A_127 = arith.constant dense<0.000000e+00> : vector<256x2048xf32>
    %dot_general3A_128 = tpu.matmul %slice3A_123, %get3A_126, %dot_general3A_127 {dimension_numbers = #tpu.dot_dimension_numbers<[1], [1], [0], [0], [0, 0, 1, 0], [], []>, transpose_lhs_hint = false} : vector<256x32xbf16>, vector<2048x32xbf16>, vector<256x2048xf32> -> vector<256x2048xf32>
    %add3A_129 = arith.addf %dot_general3A_128, %select_n3A : vector<256x2048xf32>
    %exp3A_130 = math.exp %add3A_129 : vector<256x2048xf32>
    %reduce_sum3A_131 = arith.constant dense<0.000000e+00> : vector<256xf32>
    %reduce_sum3A_132 = vector.multi_reduction <add>, %exp3A_130, %reduce_sum3A_131 [1] : vector<256x2048xf32> to vector<256xf32>
    %broadcast_in_dim3A_133 = vector.shape_cast %reduce_sum3A_132 : vector<256xf32> to vector<256x1xf32>
    %get3A_134 = arith.constant 0 : index
    %get3A_135 = arith.constant 96 : index
    %get3A_136 = vector.load %arg18[%get3A_134, %get3A_135] : memref<2048x256xf32, #tpu.memory_space<vmem>>, vector<2048x32xf32>
    %dot_general3A_137 = arith.constant dense<0.000000e+00> : vector<256x32xf32>
    %dot_general3A_138 = tpu.matmul %exp3A_130, %get3A_136, %dot_general3A_137 {dimension_numbers = #tpu.dot_dimension_numbers<[1], [0], [0], [1], [0, 0, 1, 1], [], []>, transpose_lhs_hint = false} : vector<256x2048xf32>, vector<2048x32xf32>, vector<256x32xf32> -> vector<256x32xf32>
    %div3A_139 = arith.constant 1.000000e+00 : f32
    %div3A_140 = vector.broadcast %div3A_139 : f32 to vector<256x1xf32>
    %div3A_141 = arith.divf %div3A_140, %broadcast_in_dim3A_133 : vector<256x1xf32>
    %mul3A_142 = vector.broadcast %div3A_141 : vector<256x1xf32> to vector<256x32xf32>
    %mul3A_143 = arith.mulf %dot_general3A_138, %mul3A_142 : vector<256x32xf32>
    %slice3A_144 = vector.extract_strided_slice %convert_element_type3A_62 {offsets = [0, 128], sizes = [256, 32], strides = [1, 1]} : vector<256x256xbf16> to vector<256x32xbf16>
    %get3A_145 = arith.constant 0 : index
    %get3A_146 = arith.constant 128 : index
    %get3A_147 = vector.load %arg17[%get3A_145, %get3A_146] : memref<2048x256xbf16, #tpu.memory_space<vmem>>, vector<2048x32xbf16>
    %dot_general3A_148 = arith.constant dense<0.000000e+00> : vector<256x2048xf32>
    %dot_general3A_149 = tpu.matmul %slice3A_144, %get3A_147, %dot_general3A_148 {dimension_numbers = #tpu.dot_dimension_numbers<[1], [1], [0], [0], [0, 0, 1, 0], [], []>, transpose_lhs_hint = false} : vector<256x32xbf16>, vector<2048x32xbf16>, vector<256x2048xf32> -> vector<256x2048xf32>
    %add3A_150 = arith.addf %dot_general3A_149, %select_n3A : vector<256x2048xf32>
    %exp3A_151 = math.exp %add3A_150 : vector<256x2048xf32>
    %reduce_sum3A_152 = arith.constant dense<0.000000e+00> : vector<256xf32>
    %reduce_sum3A_153 = vector.multi_reduction <add>, %exp3A_151, %reduce_sum3A_152 [1] : vector<256x2048xf32> to vector<256xf32>
    %broadcast_in_dim3A_154 = vector.shape_cast %reduce_sum3A_153 : vector<256xf32> to vector<256x1xf32>
    %get3A_155 = arith.constant 0 : index
    %get3A_156 = arith.constant 128 : index
    %get3A_157 = vector.load %arg18[%get3A_155, %get3A_156] : memref<2048x256xf32, #tpu.memory_space<vmem>>, vector<2048x32xf32>
    %dot_general3A_158 = arith.constant dense<0.000000e+00> : vector<256x32xf32>
    %dot_general3A_159 = tpu.matmul %exp3A_151, %get3A_157, %dot_general3A_158 {dimension_numbers = #tpu.dot_dimension_numbers<[1], [0], [0], [1], [0, 0, 1, 1], [], []>, transpose_lhs_hint = false} : vector<256x2048xf32>, vector<2048x32xf32>, vector<256x32xf32> -> vector<256x32xf32>
    %div3A_160 = arith.constant 1.000000e+00 : f32
    %div3A_161 = vector.broadcast %div3A_160 : f32 to vector<256x1xf32>
    %div3A_162 = arith.divf %div3A_161, %broadcast_in_dim3A_154 : vector<256x1xf32>
    %mul3A_163 = vector.broadcast %div3A_162 : vector<256x1xf32> to vector<256x32xf32>
    %mul3A_164 = arith.mulf %dot_general3A_159, %mul3A_163 : vector<256x32xf32>
    %slice3A_165 = vector.extract_strided_slice %convert_element_type3A_62 {offsets = [0, 160], sizes = [256, 32], strides = [1, 1]} : vector<256x256xbf16> to vector<256x32xbf16>
    %get3A_166 = arith.constant 0 : index
    %get3A_167 = arith.constant 160 : index
    %get3A_168 = vector.load %arg17[%get3A_166, %get3A_167] : memref<2048x256xbf16, #tpu.memory_space<vmem>>, vector<2048x32xbf16>
    %dot_general3A_169 = arith.constant dense<0.000000e+00> : vector<256x2048xf32>
    %dot_general3A_170 = tpu.matmul %slice3A_165, %get3A_168, %dot_general3A_169 {dimension_numbers = #tpu.dot_dimension_numbers<[1], [1], [0], [0], [0, 0, 1, 0], [], []>, transpose_lhs_hint = false} : vector<256x32xbf16>, vector<2048x32xbf16>, vector<256x2048xf32> -> vector<256x2048xf32>
    %add3A_171 = arith.addf %dot_general3A_170, %select_n3A : vector<256x2048xf32>
    %exp3A_172 = math.exp %add3A_171 : vector<256x2048xf32>
    %reduce_sum3A_173 = arith.constant dense<0.000000e+00> : vector<256xf32>
    %reduce_sum3A_174 = vector.multi_reduction <add>, %exp3A_172, %reduce_sum3A_173 [1] : vector<256x2048xf32> to vector<256xf32>
    %broadcast_in_dim3A_175 = vector.shape_cast %reduce_sum3A_174 : vector<256xf32> to vector<256x1xf32>
    %get3A_176 = arith.constant 0 : index
    %get3A_177 = arith.constant 160 : index
    %get3A_178 = vector.load %arg18[%get3A_176, %get3A_177] : memref<2048x256xf32, #tpu.memory_space<vmem>>, vector<2048x32xf32>
    %dot_general3A_179 = arith.constant dense<0.000000e+00> : vector<256x32xf32>
    %dot_general3A_180 = tpu.matmul %exp3A_172, %get3A_178, %dot_general3A_179 {dimension_numbers = #tpu.dot_dimension_numbers<[1], [0], [0], [1], [0, 0, 1, 1], [], []>, transpose_lhs_hint = false} : vector<256x2048xf32>, vector<2048x32xf32>, vector<256x32xf32> -> vector<256x32xf32>
    %div3A_181 = arith.constant 1.000000e+00 : f32
    %div3A_182 = vector.broadcast %div3A_181 : f32 to vector<256x1xf32>
    %div3A_183 = arith.divf %div3A_182, %broadcast_in_dim3A_175 : vector<256x1xf32>
    %mul3A_184 = vector.broadcast %div3A_183 : vector<256x1xf32> to vector<256x32xf32>
    %mul3A_185 = arith.mulf %dot_general3A_180, %mul3A_184 : vector<256x32xf32>
    %slice3A_186 = vector.extract_strided_slice %convert_element_type3A_62 {offsets = [0, 192], sizes = [256, 32], strides = [1, 1]} : vector<256x256xbf16> to vector<256x32xbf16>
    %get3A_187 = arith.constant 0 : index
    %get3A_188 = arith.constant 192 : index
    %get3A_189 = vector.load %arg17[%get3A_187, %get3A_188] : memref<2048x256xbf16, #tpu.memory_space<vmem>>, vector<2048x32xbf16>
    %dot_general3A_190 = arith.constant dense<0.000000e+00> : vector<256x2048xf32>
    %dot_general3A_191 = tpu.matmul %slice3A_186, %get3A_189, %dot_general3A_190 {dimension_numbers = #tpu.dot_dimension_numbers<[1], [1], [0], [0], [0, 0, 1, 0], [], []>, transpose_lhs_hint = false} : vector<256x32xbf16>, vector<2048x32xbf16>, vector<256x2048xf32> -> vector<256x2048xf32>
    %add3A_192 = arith.addf %dot_general3A_191, %select_n3A : vector<256x2048xf32>
    %exp3A_193 = math.exp %add3A_192 : vector<256x2048xf32>
    %reduce_sum3A_194 = arith.constant dense<0.000000e+00> : vector<256xf32>
    %reduce_sum3A_195 = vector.multi_reduction <add>, %exp3A_193, %reduce_sum3A_194 [1] : vector<256x2048xf32> to vector<256xf32>
    %broadcast_in_dim3A_196 = vector.shape_cast %reduce_sum3A_195 : vector<256xf32> to vector<256x1xf32>
    %get3A_197 = arith.constant 0 : index
    %get3A_198 = arith.constant 192 : index
    %get3A_199 = vector.load %arg18[%get3A_197, %get3A_198] : memref<2048x256xf32, #tpu.memory_space<vmem>>, vector<2048x32xf32>
    %dot_general3A_200 = arith.constant dense<0.000000e+00> : vector<256x32xf32>
    %dot_general3A_201 = tpu.matmul %exp3A_193, %get3A_199, %dot_general3A_200 {dimension_numbers = #tpu.dot_dimension_numbers<[1], [0], [0], [1], [0, 0, 1, 1], [], []>, transpose_lhs_hint = false} : vector<256x2048xf32>, vector<2048x32xf32>, vector<256x32xf32> -> vector<256x32xf32>
    %div3A_202 = arith.constant 1.000000e+00 : f32
    %div3A_203 = vector.broadcast %div3A_202 : f32 to vector<256x1xf32>
    %div3A_204 = arith.divf %div3A_203, %broadcast_in_dim3A_196 : vector<256x1xf32>
    %mul3A_205 = vector.broadcast %div3A_204 : vector<256x1xf32> to vector<256x32xf32>
    %mul3A_206 = arith.mulf %dot_general3A_201, %mul3A_205 : vector<256x32xf32>
    %slice3A_207 = vector.extract_strided_slice %convert_element_type3A_62 {offsets = [0, 224], sizes = [256, 32], strides = [1, 1]} : vector<256x256xbf16> to vector<256x32xbf16>
    %get3A_208 = arith.constant 0 : index
    %get3A_209 = arith.constant 224 : index
    %get3A_210 = vector.load %arg17[%get3A_208, %get3A_209] : memref<2048x256xbf16, #tpu.memory_space<vmem>>, vector<2048x32xbf16>
    %dot_general3A_211 = arith.constant dense<0.000000e+00> : vector<256x2048xf32>
    %dot_general3A_212 = tpu.matmul %slice3A_207, %get3A_210, %dot_general3A_211 {dimension_numbers = #tpu.dot_dimension_numbers<[1], [1], [0], [0], [0, 0, 1, 0], [], []>, transpose_lhs_hint = false} : vector<256x32xbf16>, vector<2048x32xbf16>, vector<256x2048xf32> -> vector<256x2048xf32>
    %add3A_213 = arith.addf %dot_general3A_212, %select_n3A : vector<256x2048xf32>
    %exp3A_214 = math.exp %add3A_213 : vector<256x2048xf32>
    %reduce_sum3A_215 = arith.constant dense<0.000000e+00> : vector<256xf32>
    %reduce_sum3A_216 = vector.multi_reduction <add>, %exp3A_214, %reduce_sum3A_215 [1] : vector<256x2048xf32> to vector<256xf32>
    %broadcast_in_dim3A_217 = vector.shape_cast %reduce_sum3A_216 : vector<256xf32> to vector<256x1xf32>
    %get3A_218 = arith.constant 0 : index
    %get3A_219 = arith.constant 224 : index
    %get3A_220 = vector.load %arg18[%get3A_218, %get3A_219] : memref<2048x256xf32, #tpu.memory_space<vmem>>, vector<2048x32xf32>
    %dot_general3A_221 = arith.constant dense<0.000000e+00> : vector<256x32xf32>
    %dot_general3A_222 = tpu.matmul %exp3A_214, %get3A_220, %dot_general3A_221 {dimension_numbers = #tpu.dot_dimension_numbers<[1], [0], [0], [1], [0, 0, 1, 1], [], []>, transpose_lhs_hint = false} : vector<256x2048xf32>, vector<2048x32xf32>, vector<256x32xf32> -> vector<256x32xf32>
    %div3A_223 = arith.constant 1.000000e+00 : f32
    %div3A_224 = vector.broadcast %div3A_223 : f32 to vector<256x1xf32>
    %div3A_225 = arith.divf %div3A_224, %broadcast_in_dim3A_217 : vector<256x1xf32>
    %mul3A_226 = vector.broadcast %div3A_225 : vector<256x1xf32> to vector<256x32xf32>
    %mul3A_227 = arith.mulf %dot_general3A_222, %mul3A_226 : vector<256x32xf32>
    %concatenate3A = tpu.concatenate %mul3A_80, %mul3A_101, %mul3A_122, %mul3A_143, %mul3A_164, %mul3A_185, %mul3A_206, %mul3A_227 in 1 : vector<256x32xf32>, vector<256x32xf32>, vector<256x32xf32>, vector<256x32xf32>, vector<256x32xf32>, vector<256x32xf32>, vector<256x32xf32>, vector<256x32xf32> -> vector<256x256xf32>
    %get3A_228 = arith.constant 0 : index
    %get3A_229 = arith.constant 0 : index
    %get3A_230 = vector.load %arg10[%get3A_228, %get3A_229] : memref<256x256xf32, #tpu.memory_space<vmem>>, vector<256x256xf32>
    %dot_general3A_231 = arith.constant dense<0.000000e+00> : vector<256x256xf32>
    %dot_general3A_232 = tpu.matmul %concatenate3A, %get3A_230, %dot_general3A_231 {dimension_numbers = #tpu.dot_dimension_numbers<[1], [1], [0], [0], [0, 0, 1, 0], [], []>, transpose_lhs_hint = false} : vector<256x256xf32>, vector<256x256xf32>, vector<256x256xf32> -> vector<256x256xf32>
    %get3A_233 = arith.constant 0 : index
    %get3A_234 = arith.constant 0 : index
    %get3A_235 = vector.load %arg11[%get3A_233, %get3A_234] : memref<1x256xf32, #tpu.memory_space<vmem>>, vector<1x256xf32>
    %add3A_236 = vector.broadcast %get3A_235 : vector<1x256xf32> to vector<256x256xf32>
    %add3A_237 = arith.addf %dot_general3A_232, %add3A_236 : vector<256x256xf32>
    %get3A_238 = arith.constant 0 : index
    %get3A_239 = arith.constant 0 : index
    %get3A_240 = vector.load %arg12[%get3A_238, %get3A_239] : memref<256x256xf32, #tpu.memory_space<vmem>>, vector<256x256xf32>
    %dot_general3A_241 = arith.constant dense<0.000000e+00> : vector<256x256xf32>
    %dot_general3A_242 = tpu.matmul %add3A_237, %get3A_240, %dot_general3A_241 {dimension_numbers = #tpu.dot_dimension_numbers<[1], [1], [0], [0], [0, 0, 1, 0], [], []>, transpose_lhs_hint = false} : vector<256x256xf32>, vector<256x256xf32>, vector<256x256xf32> -> vector<256x256xf32>
    %get3A_243 = arith.constant 0 : index
    %get3A_244 = arith.constant 0 : index
    %get3A_245 = vector.load %arg13[%get3A_243, %get3A_244] : memref<1x256xf32, #tpu.memory_space<vmem>>, vector<1x256xf32>
    %add3A_246 = vector.broadcast %get3A_245 : vector<1x256xf32> to vector<256x256xf32>
    %add3A_247 = arith.addf %dot_general3A_242, %add3A_246 : vector<256x256xf32>
    %reduce_sum3A_248 = arith.constant dense<0.000000e+00> : vector<256xf32>
    %reduce_sum3A_249 = vector.multi_reduction <add>, %add3A_247, %reduce_sum3A_248 [1] : vector<256x256xf32> to vector<256xf32>
    %broadcast_in_dim3A_250 = vector.shape_cast %reduce_sum3A_249 : vector<256xf32> to vector<256x1xf32>
    %div3A_251 = arith.constant 2.560000e+02 : f32
    %div3A_252 = vector.broadcast %div3A_251 : f32 to vector<256x1xf32>
    %div3A_253 = arith.divf %broadcast_in_dim3A_250, %div3A_252 : vector<256x1xf32>
    %sub3A_254 = vector.broadcast %div3A_253 : vector<256x1xf32> to vector<256x256xf32>
    %sub3A_255 = arith.subf %add3A_247, %sub3A_254 : vector<256x256xf32>
    %mul3A_256 = arith.mulf %sub3A_255, %sub3A_255 : vector<256x256xf32>
    %reduce_sum3A_257 = arith.constant dense<0.000000e+00> : vector<256xf32>
    %reduce_sum3A_258 = vector.multi_reduction <add>, %mul3A_256, %reduce_sum3A_257 [1] : vector<256x256xf32> to vector<256xf32>
    %broadcast_in_dim3A_259 = vector.shape_cast %reduce_sum3A_258 : vector<256xf32> to vector<256x1xf32>
    %div3A_260 = arith.constant 2.560000e+02 : f32
    %div3A_261 = vector.broadcast %div3A_260 : f32 to vector<256x1xf32>
    %div3A_262 = arith.divf %broadcast_in_dim3A_259, %div3A_261 : vector<256x1xf32>
    %add3A_263 = arith.constant 9.99999974E-6 : f32
    %add3A_264 = vector.broadcast %add3A_263 : f32 to vector<256x1xf32>
    %add3A_265 = arith.addf %div3A_262, %add3A_264 : vector<256x1xf32>
    %sqrt3A = math.sqrt %add3A_265 : vector<256x1xf32>
    %div3A_266 = vector.broadcast %sqrt3A : vector<256x1xf32> to vector<256x256xf32>
    %div3A_267 = arith.divf %sub3A_255, %div3A_266 : vector<256x256xf32>
    %get3A_268 = arith.constant 0 : index
    %get3A_269 = arith.constant 0 : index
    %get3A_270 = vector.load %arg14[%get3A_268, %get3A_269] : memref<1x256xf32, #tpu.memory_space<vmem>>, vector<1x256xf32>
    %mul3A_271 = vector.broadcast %get3A_270 : vector<1x256xf32> to vector<256x256xf32>
    %mul3A_272 = arith.mulf %div3A_267, %mul3A_271 : vector<256x256xf32>
    %get3A_273 = arith.constant 0 : index
    %get3A_274 = arith.constant 0 : index
    %get3A_275 = vector.load %arg15[%get3A_273, %get3A_274] : memref<1x256xf32, #tpu.memory_space<vmem>>, vector<1x256xf32>
    %add3A_276 = vector.broadcast %get3A_275 : vector<1x256xf32> to vector<256x256xf32>
    %add3A_277 = arith.addf %mul3A_272, %add3A_276 : vector<256x256xf32>
    %mul3A_278 = arith.mulf %add3A_277, %add3A_277 : vector<256x256xf32>
    %reduce_sum3A_279 = arith.constant dense<0.000000e+00> : vector<256xf32>
    %reduce_sum3A_280 = vector.multi_reduction <add>, %mul3A_278, %reduce_sum3A_279 [1] : vector<256x256xf32> to vector<256xf32>
    %broadcast_in_dim3A_281 = vector.shape_cast %reduce_sum3A_280 : vector<256xf32> to vector<256x1xf32>
    %sqrt3A_282 = math.sqrt %broadcast_in_dim3A_281 : vector<256x1xf32>
    %max3A = arith.constant 9.99999996E-13 : f32
    %max3A_283 = vector.broadcast %max3A : f32 to vector<256x1xf32>
    %max3A_284 = arith.maximumf %sqrt3A_282, %max3A_283 : vector<256x1xf32>
    %div3A_285 = vector.broadcast %max3A_284 : vector<256x1xf32> to vector<256x256xf32>
    %div3A_286 = arith.divf %add3A_277, %div3A_285 : vector<256x256xf32>
    %swap3A = arith.constant 0 : index
    %swap3A_287 = arith.constant 0 : index
    %swap3A_288 = arith.constant 0 : index
    %swap3A_289 = vector.load %arg16[%swap3A, %swap3A_287, %swap3A_288] : memref<1x256x256xf32, #tpu.memory_space<vmem>>, vector<1x256x256xf32>
    %swap3A_290 = vector.shape_cast %swap3A_289 : vector<1x256x256xf32> to vector<256x256xf32>
    %swap3A_291 = vector.shape_cast %div3A_286 : vector<256x256xf32> to vector<1x256x256xf32>
    tpu.vector_store %arg16[%swap3A, %swap3A_287, %swap3A_288], %swap3A_291 {strides = array<i32>} : memref<1x256x256xf32, #tpu.memory_space<vmem>>, vector<1x256x256xf32>,
    return
  }
  func.func @transform_0(%arg0: i32, %arg1: i32) -> (i32, i32, i32) {
    %c0_i32 = arith.constant 0 : i32
    %c0_i32_0 = arith.constant 0 : i32
    %c0_i32_1 = arith.constant 0 : i32
    return %arg0, %c0_i32, %c0_i32_0 : i32, i32, i32
  }
  func.func @transform_1(%arg0: i32, %arg1: i32) -> (i32, i32, i32) {
    %c0_i32 = arith.constant 0 : i32
    %c0_i32_0 = arith.constant 0 : i32
    %c0_i32_1 = arith.constant 0 : i32
    return %arg0, %c0_i32, %c0_i32_0 : i32, i32, i32
  }
  func.func @transform_2(%arg0: i32, %arg1: i32) -> (i32, i32, i32) {
    %c0_i32 = arith.constant 0 : i32
    %c0_i32_0 = arith.constant 0 : i32
    %c0_i32_1 = arith.constant 0 : i32
    return %arg0, %c0_i32, %c0_i32_0 : i32, i32, i32
  }
  func.func @transform_3(%arg0: i32, %arg1: i32) -> (i32, i32, i32) {
    %c0_i32 = arith.constant 0 : i32
    %c0_i32_0 = arith.constant 0 : i32
    return %arg0, %arg1, %c0_i32 : i32, i32, i32
  }
  func.func @transform_4(%arg0: i32, %arg1: i32) -> (i32, i32) {
    %c0_i32 = arith.constant 0 : i32
    %c0_i32_0 = arith.constant 0 : i32
    %c0_i32_1 = arith.constant 0 : i32
    return %c0_i32, %c0_i32_0 : i32, i32
  }
  func.func @transform_5(%arg0: i32, %arg1: i32) -> (i32, i32) {
    %c0_i32 = arith.constant 0 : i32
    %c0_i32_0 = arith.constant 0 : i32
    %c0_i32_1 = arith.constant 0 : i32
    return %c0_i32, %c0_i32_0 : i32, i32
  }
  func.func @transform_6(%arg0: i32, %arg1: i32) -> (i32, i32) {
    %c0_i32 = arith.constant 0 : i32
    %c0_i32_0 = arith.constant 0 : i32
    %c0_i32_1 = arith.constant 0 : i32
    return %c0_i32, %c0_i32_0 : i32, i32
  }
  func.func @transform_7(%arg0: i32, %arg1: i32) -> (i32, i32) {
    %c0_i32 = arith.constant 0 : i32
    %c0_i32_0 = arith.constant 0 : i32
    %c0_i32_1 = arith.constant 0 : i32
    return %c0_i32, %c0_i32_0 : i32, i32
  }
  func.func @transform_8(%arg0: i32, %arg1: i32) -> (i32, i32) {
    %c0_i32 = arith.constant 0 : i32
    %c0_i32_0 = arith.constant 0 : i32
    %c0_i32_1 = arith.constant 0 : i32
    return %c0_i32, %c0_i32_0 : i32, i32
  }
  func.func @transform_9(%arg0: i32, %arg1: i32) -> (i32, i32) {
    %c0_i32 = arith.constant 0 : i32
    %c0_i32_0 = arith.constant 0 : i32
    %c0_i32_1 = arith.constant 0 : i32
    return %c0_i32, %c0_i32_0 : i32, i32
  }
  func.func @transform_10(%arg0: i32, %arg1: i32) -> (i32, i32) {
    %c0_i32 = arith.constant 0 : i32
    %c0_i32_0 = arith.constant 0 : i32
    %c0_i32_1 = arith.constant 0 : i32
    return %c0_i32, %c0_i32_0 : i32, i32
  }
  func.func @transform_11(%arg0: i32, %arg1: i32) -> (i32, i32) {
    %c0_i32 = arith.constant 0 : i32
    %c0_i32_0 = arith.constant 0 : i32
    %c0_i32_1 = arith.constant 0 : i32
    return %c0_i32, %c0_i32_0 : i32, i32
  }
  func.func @transform_12(%arg0: i32, %arg1: i32) -> (i32, i32) {
    %c0_i32 = arith.constant 0 : i32
    %c0_i32_0 = arith.constant 0 : i32
    %c0_i32_1 = arith.constant 0 : i32
    return %c0_i32, %c0_i32_0 : i32, i32
  }
  func.func @transform_13(%arg0: i32, %arg1: i32) -> (i32, i32) {
    %c0_i32 = arith.constant 0 : i32
    %c0_i32_0 = arith.constant 0 : i32
    %c0_i32_1 = arith.constant 0 : i32
    return %c0_i32, %c0_i32_0 : i32, i32
  }
  func.func @transform_14(%arg0: i32, %arg1: i32) -> (i32, i32, i32) {
    %c0_i32 = arith.constant 0 : i32
    %c0_i32_0 = arith.constant 0 : i32
    return %arg0, %arg1, %c0_i32 : i32, i32, i32
  }
}

</mosaic_0001>

<sc_bundles>
// kernel: kernel.4.cloned.1.call-start
scs
__scs_entry_jumppad:
0x0: {  	(pc) =	sbr.rel $0x88, $3  }
0x1: {  	(tag) =	ssettag $0x0;
	lr =	simm.s32 $0x1  }
0x2: {  	[smem:$0x3F93] =	sst lr;
	_ =	strace $0xD0000000  }
0x3: {  	_ = 	snop  }
0x4: {  	_ = 	snop  }
0x5: {  	_ = 	snop  }
0x6: {  	_ = 	snop  }
0x7: {  	_ = 	snop  }
__scs_overlays_trampoline_lowered:
0x8: {  	[smem:$0x3FA2] =	sst s0  }
0x9: {  	[smem:$0x3FA3] =	sst s1  }
0xa: {  	[smem:$0x3FA4] =	sst s2  }
0xb: {  	[smem:$0x3FA5] =	sst s3  }
0xc: {  	[smem:$0x3FA6] =	sst s4  }
0xd: {  	[smem:$0x3FA7] =	sst s5  }
0xe: {  	[smem:$0x3FA8] =	sst s6  }
0xf: {  	[smem:$0x3FA9] =	sst s7  }
0x10: {  	[smem:$0x3FAA] =	sst s8  }
0x11: {  	[smem:$0x3FAB] =	sst s9;
	s0 =	simm.s32 @!p0 $0x0  }
0x12: {  	s1 =	sld [smem:$0x3F91];
	s0 =	simm.s32 @p0 $0x1  }
0x13: {  	[smem:$0x3FAC] =	sst s0;
	s0 =	simm.s32 @!p1 $0x0  }
0x14: {  	s2 =	sld [smem:$0x3F90];
	s0 =	simm.s32 @p1 $0x1  }
0x15: {  	[smem:$0x3FAD] =	sst s0;
	s0 =	simm.s32 @!p2 $0x0  }
0x16: {  	s3 =	sld [smem:$0x3FDB];
	s0 =	simm.s32 @p2 $0x1  }
0x17: {  	s4 =	simm.s32 $0x1BF5;
	[smem:$0x3FAF] =	sst s0  }
0x18: {  	s0 =	sld [smem:$0x3F92];
	_ =	swait.ge [sflag:s4], $0x0  }
0x19: {  	s7 =	sld [smem:$0x3F93]  }
0x1a: {  	s8 =	sadd.s32 $0xFFFFE003, lr  }
0x1b: {  	s9 =	sadd.s32 $0xFFFFFEF7, lr;
	s5 =	simm.s32 $0xFFFFFFFF;
	p2 =	slt.u32 s8, $0xFFFFF086  }
0x1c: {  	p1 =	slt.u32 s9, $0xF7A;
	s5 =	simm.s32 @!p2 $0x0  }
0x1d: {  	s5 =	simm.s32 @p1 $0x1;
	p0 =	seq.s32 s7, s2  }
0x1e: {  	s7 =	smul.u32 @!p0 $0xF7A, s2;
	p2 =	seq.s32 @!p0 s5, $0x0  }
0x1f: {  	s9 =	smul.u32 $0xF7A, s1;
	s8 =	simm.s32 @!p0 $0x1BF5;
	p2 =	por !p2, p0  }
0x20: {  	[sflag:s8] =	ssyncset.s32 @!p0 $0xFFFFF086;
	s6 =	sadd.s32 @!p0 s3, s7;
	s7 =	simm.s32 @!p0 $0x108  }
0x21: {  	s3 =	sadd.s32 s3, s9;
	s6 =	sadd.s32 @!p0 $0x88, s6;
	s7 =	simm.s32 @p2 $0x1082  }
0x22: {  	[simem:s7], [sflag:s8] =	dma.local @!p0 [hbm:s6], $0xF7A  }
0x23: {  	s9 =	sor.u32 $0xD0000000, s2;
	s6 =	simm.s32 $0x108;
	_ =	swait.ge @!p0 [sflag:s8], $0x0  }
0x24: {  	s3 =	sadd.s32 $0x88, s3;
	s6 =	simm.s32 @!p1 $0x1082;
	[sflag:s4] =	ssyncset.s32 $0xFFFFF086  }
0x25: {  	[simem:s6], [sflag:s4] =	dma.local [hbm:s3], $0xF7A  }
0x26: {  	[smem:$0x3F93] =	sst s1;
	(tag) =	ssettag s2;
	_ =	strace s9  }
0x27: {  	s1 =	sld [smem:$0x3FA3]  }
0x28: {  	s2 =	sld [smem:$0x3FA4]  }
0x29: {  	s4 =	sld [smem:$0x3FA6]  }
0x2a: {  	p0 =	seq.s32 s5, $0x0;
	s5 =	sld [smem:$0x3FA7]  }
0x2b: {  	s6 =	sld [smem:$0x3FA8]  }
0x2c: {  	s7 =	sld [smem:$0x3FA9]  }
0x2d: {  	s3 =	simm.s32 $0x108;
	s8 =	sld [smem:$0x3FAA]  }
0x2e: {  	s3 =	simm.s32 @!p0 $0x1082;
	s9 =	sld [smem:$0x3FAB]  }
0x2f: {  	lr =	sadd.s32 s0, s3;
	s0 =	sld [smem:$0x3FA2]  }
0x30: {  	s3 =	sld [smem:$0x3FA5]  }
0x31: {  	[smem:$0x3FAE] =	sst s10  }
0x32: {  	s10 =	sld [smem:$0x3FAC];
	_ =	sdelay $0x3  }
0x33: {  	p0 =	seq.s32 s10, $0x1;
	s10 =	sld [smem:$0x3FAE];
	_ =	sdelay $0x3  }
0x34: {  	[smem:$0x3FAE] =	sst s10  }
0x35: {  	s10 =	sld [smem:$0x3FAD];
	_ =	sdelay $0x3  }
0x36: {  	p1 =	seq.s32 s10, $0x1;
	s10 =	sld [smem:$0x3FAE];
	_ =	sdelay $0x3  }
0x37: {  	[smem:$0x3FAE] =	sst s10  }
0x38: {  	s10 =	sld [smem:$0x3FAF]  }
0x39: {  	_ = 	snop;
	(pc) =	sbr.ind lr, $3  }
0x3a: {  	_ = 	snop  }
0x3b: {  	_ = 	snop  }
0x3c: {  	p2 =	seq.s32 s10, $0x1;
	s10 =	sld [smem:$0x3FAE]  }
0x3d: {  	_ =	shalt  }
0x3e: {  	_ =	shalt  }
0x3f: {  	_ =	shalt  }
0x40: {  	_ =	shalt  }
0x41: {  	_ =	shalt  }
0x42: {  	_ =	shalt  }
0x43: {  	_ =	shalt  }
0x44: {  	_ =	shalt  }
0x45: {  	_ =	shalt  }
0x46: {  	_ =	shalt  }
0x47: {  	_ =	shalt  }
0x48: {  	_ =	shalt  }
0x49: {  	_ =	shalt  }
0x4a: {  	_ =	shalt  }
0x4b: {  	_ =	shalt  }
0x4c: {  	_ =	shalt  }
0x4d: {  	_ =	shalt  }
0x4e: {  	_ =	shalt  }
0x4f: {  	_ =	shalt  }
0x50: {  	_ =	shalt  }
0x51: {  	_ =	shalt  }
0x52: {  	_ =	shalt  }
0x53: {  	_ =	shalt  }
0x54: {  	_ =	shalt  }
0x55: {  	_ =	shalt  }
0x56: {  	_ =	shalt  }
0x57: {  	_ =	shalt  }
0x58: {  	_ =	shalt  }
0x59: {  	_ =	shalt  }
0x5a: {  	_ =	shalt  }
0x5b: {  	_ =	shalt  }
0x5c: {  	_ =	shalt  }
0x5d: {  	_ =	shalt  }
0x5e: {  	_ =	shalt  }
0x5f: {  	_ =	shalt  }
0x60: {  	_ =	shalt  }
0x61: {  	_ =	shalt  }
0x62: {  	_ =	shalt  }
0x63: {  	_ =	shalt  }
0x64: {  	_ =	shalt  }
0x65: {  	_ =	shalt  }
0x66: {  	_ =	shalt  }
0x67: {  	_ =	shalt  }
0x68: {  	_ =	shalt  }
0x69: {  	_ =	shalt  }
0x6a: {  	_ =	shalt  }
0x6b: {  	_ =	shalt  }
0x6c: {  	_ =	shalt  }
0x6d: {  	_ =	shalt  }
0x6e: {  	_ =	shalt  }
0x6f: {  	_ =	shalt  }
0x70: {  	_ =	shalt  }
0x71: {  	_ =	shalt  }
0x72: {  	_ =	shalt  }
0x73: {  	_ =	shalt  }
0x74: {  	_ =	shalt  }
0x75: {  	_ =	shalt  }
0x76: {  	_ =	shalt  }
0x77: {  	_ =	shalt  }
0x78: {  	_ =	shalt  }
0x79: {  	_ =	shalt  }
0x7a: {  	_ =	shalt  }
0x7b: {  	_ =	shalt  }
0x7c: {  	_ =	shalt  }
0x7d: {  	_ =	shalt  }
0x7e: {  	_ =	shalt  }
0x7f: {  	_ =	shalt  }
0x80: {  	_ =	shalt  }
0x81: {  	_ =	shalt  }
0x82: {  	_ =	shalt  }
0x83: {  	_ =	shalt  }
0x84: {  	_ =	shalt  }
0x85: {  	_ =	shalt  }
0x86: {  	_ =	shalt  }
0x87: {  	_ =	shalt  }
.Lfunc_end0:
.L_simem_size_0:
called_computation_lowered:
.L_overlay_start_0:
0x88: {  	s2 =	sld [smem:$0x3FD9]  }
0x89: {  	s3 =	sld [smem:$0x3FFE];
	_ =	sdelay $0x1  }
0x8a: {  	s1 =	srdreg.scid  }
0x8b: {  	s0 =	sand.u32 $0x1, s1  }
0x8c: {  	s17 =	sshll.u32 s0, $0xA;
	s2 =	sadd.s32 s3, s2  }
0x8d: {  	s2 =	sadd.s32 s2, s17  }
0x8e: {  	[smem:$0x3FBA] =	sst s2  }
0x8f: {  	_ = 	snop  }
0x90: {  	s2 =	sld [smem:$0x3FD0];
	(tm) =	ssettm $0x1  }
0x91: {  	s18 =	sld [smem:$0x3FFB];
	_ =	sdelay $0x3  }
0x92: {  	_ =	strace s18  }
0x93: {  	s3 =	sld [smem:$0x3FFC];
	_ =	sdelay $0x3  }
0x94: {  	_ =	strace s3  }
0x95: {  	s3 =	sld [smem:$0x3FFD];
	_ =	sdelay $0x3  }
0x96: {  	_ =	strace s3  }
0x97: {  	_ =	strace $0x8FFFFFFF  }
0x98: {  	s19 =	sld [smem:$0x3FDB];
	_ =	sdelay $0x1  }
0x99: {  	s4 =	simm.s32 $_scs_section_size  }
0x9a: {  	s5 =	simm.s32 $_size__tile_overlayer_lowered;
	s6 =	simm.s32 $_tile_overlayer_lowered  }
0x9b: {  	s22 =	simm.s32 $0x1BFF;
	s21 =	sshll.u32 s6, $0x1;
	s3 =	sadd.s32 s4, s19  }
0x9c: {  	s7 =	simm.s32 $0x0;
	s20 =	sshll.u32 s5, $0x1;
	s5 =	sadd.s32 s21, s3  }
0x9d: {  	[timem:s7], [sflag:s22] =	dma.local [hbm:s5], s20  }
0x9e: {  	_ =	swait.ge [sflag:s22], s20  }
0x9f: {  	s4 =	ssub.s32 $0x0, s20;
	[sflag:s22] =	ssyncset.done $0x0  }
0xa0: {  	[sflag:s22] =	ssyncadd.s32 s4;
	_ =	sdelay $0x1  }
0xa1: {  	s23 =	simm.s32 $0x1B8B  }
0xa2: {  	_ =	swait.ge [sflag:s23], $0x1  }
0xa3: {  	[sflag:s23] =	ssyncset.done $0x0  }
0xa4: {  	s25 =	simm.s32 $0x1B8E;
	s24 =	sld [smem:$0x3FFE];
	[sflag:s23] =	ssyncadd.s32 $0xFFFFFFFF  }
0xa5: {  	s26 =	simm.s32 $execute0_lowered;
	[smem:$0x3FD2] =	sst s25  }
0xa6: {  	s5 =	sshll.u32 s26, $0x1;
	_ =	strace $0x80000046;
	[dreg:$0x1] =	wrdreg $0xFFFFFFFF  }
0xa7: {  	s28 =	simm.s32 $_size_execute0_lowered;
	s3 =	sadd.s32 s3, s5;
	[dreg:$0x0] =	wrdreg $0x0  }
0xa8: {  	s5 =	sshll.u32 s28, $0x1;
	[dreg:$0x2] =	wrdreg s3  }
0xa9: {  	[dreg:$0x3] =	wrdreg s5  }
0xaa: {  	[dreg:$0x4] =	wrdreg $0xC0  }
0xab: {  	_ =	task [dreg:s7], $0x5FFFF  }
0xac: {  	[dreg:$0x1] =	wrdreg $0xFFFFFFFF  }
0xad: {  	[dreg:$0x0] =	wrdreg $0x60  }
0xae: {  	[dreg:$0x2] =	wrdreg s24  }
0xaf: {  	[dreg:$0x3] =	wrdreg s2  }
0xb0: {  	[dreg:$0x4] =	wrdreg $0x9  }
0xb1: {  	_ =	task.clear_ibuf [dreg:s7], $0x5FFFF;
	_ =	strace $0x90000046  }
0xb2: {  	s29 =	simm.s32 $0x9;
	_ =	strace $0x80000048  }
0xb3: {  	_ =	swait.ge [sflag:s29], $0x1  }
0xb4: {  	[sflag:s29] =	ssyncadd.s32 $0xFFFFFFFF  }
0xb5: {  	_ =	strace $0x90000048  }
0xb6: {  	_ =	sfence  }
0xb7: {  	s30 =	sld [smem:$0x0];
	_ =	sdelay $0x2  }
0xb8: {  	s31 =	sshll.u32 s1, $0xD;
	s1 =	sshrl.u32 s1, $0x2  }
0xb9: {  	s3 =	sand.u32 $0x4000, s31;
	s1 =	sadd.s32 s1, s30  }
0xba: {  	s0 =	sor.u32 s3, s0;
	s1 =	sshll.u32 s1, $0x11  }
0xbb: {  	s0 =	sor.u32 s1, s0  }
0xbc: {  	s0 =	sadd.s32 $0x8F2B, s0  }
0xbd: {  	[sflag:s0] =	ssyncadd.remote.s32 $0x1  }
0xbe: {  	_ =	sfence.sel $0xFFFF  }
0xbf: {  	[dreg:$0x0] =	wrdreg $0xFFFFFFFF;
	(pc) =	sbr.abs _section_cstart, $3  }
0xc0: {  	[dreg:$0x1] =	wrdreg $0xFFFFFFFF  }
0xc1: {  	_ =	task.clear_ibuf [dreg:s7], $0x2FFFF;
	_ =	strace $0x9FFFFFFF  }
0xc2: {  	(tm) =	ssettm $0x7FFFFFFF  }
0xc3: {  	_ =	shalt  }
tec
execute0_lowered:
.L_overlay_start_1:
0x0: {  	(tag) =	ssettag $0x1  }
0x1: {  	s0 =	stileid.u32;
	s3 =	rddreg [dreg:$0x0]  }
0x2: {  	s1 =	srdreg.scid;
	s8 =	rddreg [dreg:$0x1]  }
0x3: {  	s12 =	simm.s32 $0x1;
	s13 =	simm.s32 $0x800;
	s14 =	simm.s32 $0x1000  }
0x4: {  	s15 =	simm.s32 $0x1800;
	s16 =	simm.s32 $0x1880;
	s17 =	simm.s32 $0x1900  }
0x5: {  	s18 =	simm.s32 $0x0;
	s2 =	sshll.u32 s0, $0x1;
	s4 =	sand.u32 $0x1, s1  }
0x6: {  	s1 =	rddreg [dreg:$0x2];
	s6 =	sshll.u32 s0, $0x7;
	s7 =	sshll.u32 s0, $0x4  }
0x7: {  	s28 =	sand.u32 $0xE, s2;
	s6 =	sand.u32 $0x300, s6;
	s2 =	simm.s32 $0x0  }
0x8: {  	s7 =	sand.u32 $0x80, s7;
	s5 =	sor.u32 s4, s28;
	[smem:$0x7FF] =	sst s2  }
0x9: {  	s4 =	ssub.s32 $0x2, s4;
	s31 =	sshrl.u32 s7, $0x3;
	s29 =	sshll.u32 s5, $0x5  }
0xa: {  	_ =	strace $0x80000047;
	s10 =	sshrl.u32 s4, $0x1;
	s9 =	sand.u32 $0x60, s29  }
0xb: {  	s5 =	sshll.u32 s5, $0xA;
	s10 =	ssub.s32 s4, s10;
	s6 =	sor.u32 s9, s6  }
0xc: {  	s9 =	smax.u32 s10, $0x1;
	s6 =	sor.u32 s7, s6;
	s7 =	sor.u32 s7, s5  }
0xd: {  	s10 =	simm.s32 $0x80;
	s6 =	sshrl.u32 s6, $0x3;
	s11 =	sshrl.u32 s7, $0x3  }
0xe: {  	s30 =	sadd.s32 s6, s3;
	s6 =	sadd.s32 s31, s3;
	s8 =	sadd.s32 s8, s11  }
0xf: {  	s11 =	simm.s32 $0x100;
	s3 =	sadd.s32 $0x2000, s6;
	s4 =	sadd.s32 $0x1E00, s6  }
0x10: {  	v0 =	vimm.f32 $0.0e+00;
	s5 =	sadd.s32 $0x1800, s6;
	s6 =	sadd.s32 $0x1C00, s30;
	s7 =	sadd.s32 $0x1A00, s30  }
.LBB2_1:
0x11: {  	[tilespmem:s2], [sflag:$0x1] =	stream.strided.gather [hbm4b:s3+s10], $0x800, s11, s10, $0x38;
	[tilespmem:$0x1B00] =	vst v63  }
0x12: {  	_ =	swait.ge [sflag:s12], $0x800  }
0x13: {  	[sflag:s12] =	ssyncset.done $0x0  }
0x14: {  	[sflag:s12] =	ssyncadd.s32 $0xFFFFF800  }
0x15: {  	[tilespmem:s13], [sflag:$0x1] =	stream.strided.gather [hbm4b:s4+s10], $0x800, s11, s10, $0x38;
	[tilespmem:$0x1B00] =	vst v63  }
0x16: {  	_ =	swait.ge [sflag:s12], $0x800  }
0x17: {  	[sflag:s12] =	ssyncset.done $0x0  }
0x18: {  	[sflag:s12] =	ssyncadd.s32 $0xFFFFF800  }
0x19: {  	[tilespmem:s14], [sflag:$0x1] =	stream.strided.gather [hbm4b:s5+s10], $0x800, s11, s10, $0x38;
	[tilespmem:$0x1B00] =	vst v63  }
0x1a: {  	_ =	swait.ge [sflag:s12], $0x800  }
0x1b: {  	[sflag:s12] =	ssyncset.done $0x0  }
0x1c: {  	[sflag:s12] =	ssyncadd.s32 $0xFFFFF800  }
0x1d: {  	[tilespmem:s15], [sflag:$0x1] =	stream.linear.gather [hbm4b:s6+s2], $0x20, $0x38;
	[tilespmem:$0x1B00] =	vst v63  }
0x1e: {  	_ =	swait.ge [sflag:s12], $0x20  }
0x1f: {  	[sflag:s12] =	ssyncset.done $0x0  }
0x20: {  	[sflag:s12] =	ssyncadd.s32 $0xFFFFFFE0  }
0x21: {  	[tilespmem:s16], [sflag:$0x1] =	stream.linear.gather [hbm4b:s7+s2], $0x20, $0x38;
	[tilespmem:$0x1B00] =	vst v63  }
0x22: {  	_ =	swait.ge [sflag:s12], $0x20  }
0x23: {  	[sflag:s12] =	ssyncset.done $0x0  }
0x24: {  	[sflag:s12] =	ssyncadd.s32 $0xFFFFFFE0  }
0x25: {  	v2 =	vld [tilespmem:$0x1880]  }
0x26: {  	s20 =	simm.s32 $0x0;
	v1 =	vld [tilespmem:$0x1800]  }
0x27: {  	v6 =	vld [tilespmem:s20+$0x800]  }
0x28: {  	v5 =	vld [tilespmem:s20+$0x0];
	_ =	sdelay $0x1  }
0x29: {  	v4 =	vbroadcast v2, $0x0  }
0x2a: {  	s19 =	simm.s32 $0x10;
	v3 =	vbroadcast v1, $0x0  }
0x2b: {  	v8 =	vld [tilespmem:s19+$0x800];
	v7 =	vsub.f32 v6, v4  }
0x2c: {  	v5 =	vsub.f32 v5, v3;
	v6 =	vld [tilespmem:s20+$0x1000]  }
0x2d: {  	v9 =	vmul.f32 v7, v7;
	v7 =	vld [tilespmem:s19+$0x0]  }
0x2e: {  	v5 =	vmul.f32 v5, v5;
	_ =	sdelay $0x1  }
0x2f: {  	s20 =	simm.s32 $0x80;
	v9 =	vadd.f32 v9, v5;
	v5 =	vimm.f32 $0.0e+00  }
.LBB2_2:
0x30: {  	vm0 =	vgt.f32 v6, $0.0e+00;
	v6 =	vld [tilespmem:s19+$0x1000];
	s19 =	sshra.s32 s20, $0x2;
	p0 =	sne.s32 s20, $0x1FC0  }
.Ltmp0:
0x31: {  	s20 =	sadd.s32 $0x40, s20;
	v10 =	vsub.f32 v7, v3;
	v7 =	vld [tilespmem:s19+$0x0];
	v11 =	vsub.f32 v8, v4;
	vm1 =	vlt.f32 v9, $9.999999770e-03;
	(pc) =	sbr.rel @p0 .LBB2_2-.Ltmp0, $4  }
0x32: {  	v8 =	vld [tilespmem:s19+$0x800];
	vm0 =	vmand vm0, vm1  }
0x33: {  	v9 =	vmul.f32 v10, v10;
	v10 =	vmul.f32 v11, v11;
	v11 =	vsel vm0, $0x3F800000, v0  }
0x34: {  	v5 =	vadd.f32 v11, v5  }
0x35: {  	v9 =	vadd.f32 v10, v9  }
0x36: {  	_ = 	snop  }
0x37: {  	v3 =	vsub.f32 v7, v3;
	v4 =	vsub.f32 v8, v4  }
0x38: {  	v7 =	vld [tilespmem:s19+$0x1000]  }
0x39: {  	v3 =	vmul.f32 v3, v3;
	v4 =	vmul.f32 v4, v4;
	_ =	sdelay $0x1  }
0x3a: {  	vm0 =	vgt.f32 v6, $0.0e+00;
	vm1 =	vlt.f32 v9, $9.999999770e-03;
	v3 =	vadd.f32 v4, v3  }
0x3b: {  	vm0 =	vmand vm0, vm1  }
0x3c: {  	v4 =	vsel vm0, $0x3F800000, v0;
	vm14 =	vgt.f32 v7, $0.0e+00;
	vm15 =	vlt.f32 v3, $9.999999770e-03  }
0x3d: {  	v3 =	vadd.f32 v4, v5;
	vm0 =	vmand vm14, vm15  }
0x3e: {  	v4 =	vsel vm0, $0x3F800000, v0  }
0x3f: {  	v3 =	vadd.f32 v4, v3;
	_ =	sdelay $0x1  }
0x40: {  	s20 =	simm.s32 $0x0;
	[tilespmem:$0x1900] =	vst v3  }
0x41: {  	v6 =	vld [tilespmem:s20+$0x800]  }
0x42: {  	v3 =	vld [tilespmem:s20+$0x0];
	_ =	sdelay $0x1  }
0x43: {  	v5 =	vbroadcast v2, $0x1  }
0x44: {  	s19 =	simm.s32 $0x10;
	v4 =	vbroadcast v1, $0x1  }
0x45: {  	v8 =	vld [tilespmem:s19+$0x800];
	v7 =	vsub.f32 v6, v5  }
0x46: {  	v3 =	vsub.f32 v3, v4;
	v6 =	vld [tilespmem:s20+$0x1000]  }
0x47: {  	v10 =	vmul.f32 v7, v7;
	v7 =	vld [tilespmem:s19+$0x0]  }
0x48: {  	v9 =	vmul.f32 v3, v3;
	_ =	sdelay $0x1  }
0x49: {  	s20 =	simm.s32 $0x80;
	v3 =	vimm.f32 $0.0e+00;
	v9 =	vadd.f32 v10, v9  }
.LBB2_4:
0x4a: {  	vm0 =	vgt.f32 v6, $0.0e+00;
	v6 =	vld [tilespmem:s19+$0x1000];
	s19 =	sshra.s32 s20, $0x2;
	p0 =	sne.s32 s20, $0x1FC0  }
.Ltmp1:
0x4b: {  	s20 =	sadd.s32 $0x40, s20;
	v10 =	vsub.f32 v7, v4;
	v7 =	vld [tilespmem:s19+$0x0];
	v11 =	vsub.f32 v8, v5;
	vm1 =	vlt.f32 v9, $9.999999770e-03;
	(pc) =	sbr.rel @p0 .LBB2_4-.Ltmp1, $4  }
0x4c: {  	v8 =	vld [tilespmem:s19+$0x800];
	vm0 =	vmand vm0, vm1  }
0x4d: {  	v9 =	vmul.f32 v10, v10;
	v10 =	vmul.f32 v11, v11;
	v11 =	vsel vm0, $0x3F800000, v0  }
0x4e: {  	v3 =	vadd.f32 v11, v3  }
0x4f: {  	v9 =	vadd.f32 v10, v9  }
0x50: {  	_ = 	snop  }
0x51: {  	v4 =	vsub.f32 v7, v4;
	v5 =	vsub.f32 v8, v5  }
0x52: {  	v7 =	vld [tilespmem:s19+$0x1000]  }
0x53: {  	v4 =	vmul.f32 v4, v4;
	v5 =	vmul.f32 v5, v5;
	_ =	sdelay $0x1  }
0x54: {  	vm0 =	vgt.f32 v6, $0.0e+00;
	vm1 =	vlt.f32 v9, $9.999999770e-03;
	v4 =	vadd.f32 v5, v4  }
0x55: {  	vm0 =	vmand vm0, vm1  }
0x56: {  	v5 =	vsel vm0, $0x3F800000, v0;
	vm14 =	vgt.f32 v7, $0.0e+00;
	vm15 =	vlt.f32 v4, $9.999999770e-03  }
0x57: {  	v3 =	vadd.f32 v5, v3;
	vm0 =	vmand vm14, vm15  }
0x58: {  	v4 =	vsel vm0, $0x3F800000, v0  }
0x59: {  	v3 =	vadd.f32 v4, v3;
	_ =	sdelay $0x1  }
0x5a: {  	s20 =	simm.s32 $0x0;
	[tilespmem:$0x1910] =	vst v3  }
0x5b: {  	v6 =	vld [tilespmem:s20+$0x800]  }
0x5c: {  	v3 =	vld [tilespmem:s20+$0x0];
	_ =	sdelay $0x1  }
0x5d: {  	v5 =	vbroadcast v2, $0x2  }
0x5e: {  	s19 =	simm.s32 $0x10;
	v4 =	vbroadcast v1, $0x2  }
0x5f: {  	v8 =	vld [tilespmem:s19+$0x800];
	v7 =	vsub.f32 v6, v5  }
0x60: {  	v3 =	vsub.f32 v3, v4;
	v6 =	vld [tilespmem:s20+$0x1000]  }
0x61: {  	v10 =	vmul.f32 v7, v7;
	v7 =	vld [tilespmem:s19+$0x0]  }
0x62: {  	v9 =	vmul.f32 v3, v3;
	_ =	sdelay $0x1  }
0x63: {  	s20 =	simm.s32 $0x80;
	v3 =	vimm.f32 $0.0e+00;
	v9 =	vadd.f32 v10, v9  }
.LBB2_6:
0x64: {  	vm0 =	vgt.f32 v6, $0.0e+00;
	v6 =	vld [tilespmem:s19+$0x1000];
	s19 =	sshra.s32 s20, $0x2;
	p0 =	sne.s32 s20, $0x1FC0  }
.Ltmp2:
0x65: {  	s20 =	sadd.s32 $0x40, s20;
	v10 =	vsub.f32 v7, v4;
	v7 =	vld [tilespmem:s19+$0x0];
	v11 =	vsub.f32 v8, v5;
	vm1 =	vlt.f32 v9, $9.999999770e-03;
	(pc) =	sbr.rel @p0 .LBB2_6-.Ltmp2, $4  }
0x66: {  	v8 =	vld [tilespmem:s19+$0x800];
	vm0 =	vmand vm0, vm1  }
0x67: {  	v9 =	vmul.f32 v10, v10;
	v10 =	vmul.f32 v11, v11;
	v11 =	vsel vm0, $0x3F800000, v0  }
0x68: {  	v3 =	vadd.f32 v11, v3  }
0x69: {  	v9 =	vadd.f32 v10, v9  }
0x6a: {  	_ = 	snop  }
0x6b: {  	v4 =	vsub.f32 v7, v4;
	v5 =	vsub.f32 v8, v5  }
0x6c: {  	v7 =	vld [tilespmem:s19+$0x1000]  }
0x6d: {  	v4 =	vmul.f32 v4, v4;
	v5 =	vmul.f32 v5, v5;
	_ =	sdelay $0x1  }
0x6e: {  	vm0 =	vgt.f32 v6, $0.0e+00;
	vm1 =	vlt.f32 v9, $9.999999770e-03;
	v4 =	vadd.f32 v5, v4  }
0x6f: {  	vm0 =	vmand vm0, vm1  }
0x70: {  	v5 =	vsel vm0, $0x3F800000, v0;
	vm14 =	vgt.f32 v7, $0.0e+00;
	vm15 =	vlt.f32 v4, $9.999999770e-03  }
0x71: {  	v3 =	vadd.f32 v5, v3;
	vm0 =	vmand vm14, vm15  }
0x72: {  	v4 =	vsel vm0, $0x3F800000, v0  }
0x73: {  	v3 =	vadd.f32 v4, v3;
	_ =	sdelay $0x1  }
0x74: {  	s20 =	simm.s32 $0x0;
	[tilespmem:$0x1920] =	vst v3  }
0x75: {  	v6 =	vld [tilespmem:s20+$0x800]  }
0x76: {  	v3 =	vld [tilespmem:s20+$0x0];
	_ =	sdelay $0x1  }
0x77: {  	v5 =	vbroadcast v2, $0x3  }
0x78: {  	s19 =	simm.s32 $0x10;
	v4 =	vbroadcast v1, $0x3  }
0x79: {  	v8 =	vld [tilespmem:s19+$0x800];
	v7 =	vsub.f32 v6, v5  }
0x7a: {  	v3 =	vsub.f32 v3, v4;
	v6 =	vld [tilespmem:s20+$0x1000]  }
0x7b: {  	v10 =	vmul.f32 v7, v7;
	v7 =	vld [tilespmem:s19+$0x0]  }
0x7c: {  	v9 =	vmul.f32 v3, v3;
	_ =	sdelay $0x1  }
0x7d: {  	s20 =	simm.s32 $0x80;
	v3 =	vimm.f32 $0.0e+00;
	v9 =	vadd.f32 v10, v9  }
.LBB2_8:
0x7e: {  	vm0 =	vgt.f32 v6, $0.0e+00;
	v6 =	vld [tilespmem:s19+$0x1000];
	s19 =	sshra.s32 s20, $0x2;
	p0 =	sne.s32 s20, $0x1FC0  }
.Ltmp3:
0x7f: {  	s20 =	sadd.s32 $0x40, s20;
	v10 =	vsub.f32 v7, v4;
	v7 =	vld [tilespmem:s19+$0x0];
	v11 =	vsub.f32 v8, v5;
	vm1 =	vlt.f32 v9, $9.999999770e-03;
	(pc) =	sbr.rel @p0 .LBB2_8-.Ltmp3, $4  }
0x80: {  	v8 =	vld [tilespmem:s19+$0x800];
	vm0 =	vmand vm0, vm1  }
0x81: {  	v9 =	vmul.f32 v10, v10;
	v10 =	vmul.f32 v11, v11;
	v11 =	vsel vm0, $0x3F800000, v0  }
0x82: {  	v3 =	vadd.f32 v11, v3  }
0x83: {  	v9 =	vadd.f32 v10, v9  }
0x84: {  	_ = 	snop  }
0x85: {  	v4 =	vsub.f32 v7, v4;
	v5 =	vsub.f32 v8, v5  }
0x86: {  	v7 =	vld [tilespmem:s19+$0x1000]  }
0x87: {  	v4 =	vmul.f32 v4, v4;
	v5 =	vmul.f32 v5, v5;
	_ =	sdelay $0x1  }
0x88: {  	vm0 =	vgt.f32 v6, $0.0e+00;
	vm1 =	vlt.f32 v9, $9.999999770e-03;
	v4 =	vadd.f32 v5, v4  }
0x89: {  	vm0 =	vmand vm0, vm1  }
0x8a: {  	v5 =	vsel vm0, $0x3F800000, v0;
	vm14 =	vgt.f32 v7, $0.0e+00;
	vm15 =	vlt.f32 v4, $9.999999770e-03  }
0x8b: {  	v3 =	vadd.f32 v5, v3;
	vm0 =	vmand vm14, vm15  }
0x8c: {  	v4 =	vsel vm0, $0x3F800000, v0  }
0x8d: {  	v3 =	vadd.f32 v4, v3;
	_ =	sdelay $0x1  }
0x8e: {  	s20 =	simm.s32 $0x0;
	[tilespmem:$0x1930] =	vst v3  }
0x8f: {  	v6 =	vld [tilespmem:s20+$0x800]  }
0x90: {  	v3 =	vld [tilespmem:s20+$0x0];
	_ =	sdelay $0x1  }
0x91: {  	v5 =	vbroadcast v2, $0x4  }
0x92: {  	s19 =	simm.s32 $0x10;
	v4 =	vbroadcast v1, $0x4  }
0x93: {  	v8 =	vld [tilespmem:s19+$0x800];
	v7 =	vsub.f32 v6, v5  }
0x94: {  	v3 =	vsub.f32 v3, v4;
	v6 =	vld [tilespmem:s20+$0x1000]  }
0x95: {  	v10 =	vmul.f32 v7, v7;
	v7 =	vld [tilespmem:s19+$0x0]  }
0x96: {  	v9 =	vmul.f32 v3, v3;
	_ =	sdelay $0x1  }
0x97: {  	s20 =	simm.s32 $0x80;
	v3 =	vimm.f32 $0.0e+00;
	v9 =	vadd.f32 v10, v9  }
.LBB2_10:
0x98: {  	vm0 =	vgt.f32 v6, $0.0e+00;
	v6 =	vld [tilespmem:s19+$0x1000];
	s19 =	sshra.s32 s20, $0x2;
	p0 =	sne.s32 s20, $0x1FC0  }
.Ltmp4:
0x99: {  	s20 =	sadd.s32 $0x40, s20;
	v10 =	vsub.f32 v7, v4;
	v7 =	vld [tilespmem:s19+$0x0];
	v11 =	vsub.f32 v8, v5;
	vm1 =	vlt.f32 v9, $9.999999770e-03;
	(pc) =	sbr.rel @p0 .LBB2_10-.Ltmp4, $4  }
0x9a: {  	v8 =	vld [tilespmem:s19+$0x800];
	vm0 =	vmand vm0, vm1  }
0x9b: {  	v9 =	vmul.f32 v10, v10;
	v10 =	vmul.f32 v11, v11;
	v11 =	vsel vm0, $0x3F800000, v0  }
0x9c: {  	v3 =	vadd.f32 v11, v3  }
0x9d: {  	v9 =	vadd.f32 v10, v9  }
0x9e: {  	_ = 	snop  }
0x9f: {  	v4 =	vsub.f32 v7, v4;
	v5 =	vsub.f32 v8, v5  }
0xa0: {  	v7 =	vld [tilespmem:s19+$0x1000]  }
0xa1: {  	v4 =	vmul.f32 v4, v4;
	v5 =	vmul.f32 v5, v5;
	_ =	sdelay $0x1  }
0xa2: {  	vm0 =	vgt.f32 v6, $0.0e+00;
	vm1 =	vlt.f32 v9, $9.999999770e-03;
	v4 =	vadd.f32 v5, v4  }
0xa3: {  	vm0 =	vmand vm0, vm1  }
0xa4: {  	v5 =	vsel vm0, $0x3F800000, v0;
	vm14 =	vgt.f32 v7, $0.0e+00;
	vm15 =	vlt.f32 v4, $9.999999770e-03  }
0xa5: {  	v3 =	vadd.f32 v5, v3;
	vm0 =	vmand vm14, vm15  }
0xa6: {  	v4 =	vsel vm0, $0x3F800000, v0  }
0xa7: {  	v3 =	vadd.f32 v4, v3;
	_ =	sdelay $0x1  }
0xa8: {  	s20 =	simm.s32 $0x0;
	[tilespmem:$0x1940] =	vst v3  }
0xa9: {  	v6 =	vld [tilespmem:s20+$0x800]  }
0xaa: {  	v3 =	vld [tilespmem:s20+$0x0];
	_ =	sdelay $0x1  }
0xab: {  	v5 =	vbroadcast v2, $0x5  }
0xac: {  	s19 =	simm.s32 $0x10;
	v4 =	vbroadcast v1, $0x5  }
0xad: {  	v8 =	vld [tilespmem:s19+$0x800];
	v7 =	vsub.f32 v6, v5  }
0xae: {  	v3 =	vsub.f32 v3, v4;
	v6 =	vld [tilespmem:s20+$0x1000]  }
0xaf: {  	v10 =	vmul.f32 v7, v7;
	v7 =	vld [tilespmem:s19+$0x0]  }
0xb0: {  	v9 =	vmul.f32 v3, v3;
	_ =	sdelay $0x1  }
0xb1: {  	s20 =	simm.s32 $0x80;
	v3 =	vimm.f32 $0.0e+00;
	v9 =	vadd.f32 v10, v9  }
.LBB2_12:
0xb2: {  	vm0 =	vgt.f32 v6, $0.0e+00;
	v6 =	vld [tilespmem:s19+$0x1000];
	s19 =	sshra.s32 s20, $0x2;
	p0 =	sne.s32 s20, $0x1FC0  }
.Ltmp5:
0xb3: {  	s20 =	sadd.s32 $0x40, s20;
	v10 =	vsub.f32 v7, v4;
	v7 =	vld [tilespmem:s19+$0x0];
	v11 =	vsub.f32 v8, v5;
	vm1 =	vlt.f32 v9, $9.999999770e-03;
	(pc) =	sbr.rel @p0 .LBB2_12-.Ltmp5, $4  }
0xb4: {  	v8 =	vld [tilespmem:s19+$0x800];
	vm0 =	vmand vm0, vm1  }
0xb5: {  	v9 =	vmul.f32 v10, v10;
	v10 =	vmul.f32 v11, v11;
	v11 =	vsel vm0, $0x3F800000, v0  }
0xb6: {  	v3 =	vadd.f32 v11, v3  }
0xb7: {  	v9 =	vadd.f32 v10, v9  }
0xb8: {  	_ = 	snop  }
0xb9: {  	v4 =	vsub.f32 v7, v4;
	v5 =	vsub.f32 v8, v5  }
0xba: {  	v7 =	vld [tilespmem:s19+$0x1000]  }
0xbb: {  	v4 =	vmul.f32 v4, v4;
	v5 =	vmul.f32 v5, v5;
	_ =	sdelay $0x1  }
0xbc: {  	vm0 =	vgt.f32 v6, $0.0e+00;
	vm1 =	vlt.f32 v9, $9.999999770e-03;
	v4 =	vadd.f32 v5, v4  }
0xbd: {  	vm0 =	vmand vm0, vm1  }
0xbe: {  	v5 =	vsel vm0, $0x3F800000, v0;
	vm14 =	vgt.f32 v7, $0.0e+00;
	vm15 =	vlt.f32 v4, $9.999999770e-03  }
0xbf: {  	v3 =	vadd.f32 v5, v3;
	vm0 =	vmand vm14, vm15  }
0xc0: {  	v4 =	vsel vm0, $0x3F800000, v0  }
0xc1: {  	v3 =	vadd.f32 v4, v3;
	_ =	sdelay $0x1  }
0xc2: {  	s20 =	simm.s32 $0x0;
	[tilespmem:$0x1950] =	vst v3  }
0xc3: {  	v6 =	vld [tilespmem:s20+$0x800]  }
0xc4: {  	v3 =	vld [tilespmem:s20+$0x0];
	_ =	sdelay $0x1  }
0xc5: {  	v5 =	vbroadcast v2, $0x6  }
0xc6: {  	s19 =	simm.s32 $0x10;
	v4 =	vbroadcast v1, $0x6  }
0xc7: {  	v8 =	vld [tilespmem:s19+$0x800];
	v7 =	vsub.f32 v6, v5  }
0xc8: {  	v3 =	vsub.f32 v3, v4;
	v6 =	vld [tilespmem:s20+$0x1000]  }
0xc9: {  	v10 =	vmul.f32 v7, v7;
	v7 =	vld [tilespmem:s19+$0x0]  }
0xca: {  	v9 =	vmul.f32 v3, v3;
	_ =	sdelay $0x1  }
0xcb: {  	s20 =	simm.s32 $0x80;
	v3 =	vimm.f32 $0.0e+00;
	v9 =	vadd.f32 v10, v9  }
.LBB2_14:
0xcc: {  	vm0 =	vgt.f32 v6, $0.0e+00;
	v6 =	vld [tilespmem:s19+$0x1000];
	s19 =	sshra.s32 s20, $0x2;
	p0 =	sne.s32 s20, $0x1FC0  }
.Ltmp6:
0xcd: {  	s20 =	sadd.s32 $0x40, s20;
	v10 =	vsub.f32 v7, v4;
	v7 =	vld [tilespmem:s19+$0x0];
	v11 =	vsub.f32 v8, v5;
	vm1 =	vlt.f32 v9, $9.999999770e-03;
	(pc) =	sbr.rel @p0 .LBB2_14-.Ltmp6, $4  }
0xce: {  	v8 =	vld [tilespmem:s19+$0x800];
	vm0 =	vmand vm0, vm1  }
0xcf: {  	v9 =	vmul.f32 v10, v10;
	v10 =	vmul.f32 v11, v11;
	v11 =	vsel vm0, $0x3F800000, v0  }
0xd0: {  	v3 =	vadd.f32 v11, v3  }
0xd1: {  	v9 =	vadd.f32 v10, v9  }
0xd2: {  	_ = 	snop  }
0xd3: {  	v4 =	vsub.f32 v7, v4;
	v5 =	vsub.f32 v8, v5  }
0xd4: {  	v7 =	vld [tilespmem:s19+$0x1000]  }
0xd5: {  	v4 =	vmul.f32 v4, v4;
	v5 =	vmul.f32 v5, v5;
	_ =	sdelay $0x1  }
0xd6: {  	vm0 =	vgt.f32 v6, $0.0e+00;
	vm1 =	vlt.f32 v9, $9.999999770e-03;
	v4 =	vadd.f32 v5, v4  }
0xd7: {  	vm0 =	vmand vm0, vm1  }
0xd8: {  	v5 =	vsel vm0, $0x3F800000, v0;
	vm14 =	vgt.f32 v7, $0.0e+00;
	vm15 =	vlt.f32 v4, $9.999999770e-03  }
0xd9: {  	v3 =	vadd.f32 v5, v3;
	vm0 =	vmand vm14, vm15  }
0xda: {  	v4 =	vsel vm0, $0x3F800000, v0  }
0xdb: {  	v3 =	vadd.f32 v4, v3;
	_ =	sdelay $0x1  }
0xdc: {  	s20 =	simm.s32 $0x0;
	[tilespmem:$0x1960] =	vst v3  }
0xdd: {  	v6 =	vld [tilespmem:s20+$0x800]  }
0xde: {  	v3 =	vld [tilespmem:s20+$0x0];
	_ =	sdelay $0x1  }
0xdf: {  	v5 =	vbroadcast v2, $0x7  }
0xe0: {  	s19 =	simm.s32 $0x10;
	v4 =	vbroadcast v1, $0x7  }
0xe1: {  	v8 =	vld [tilespmem:s19+$0x800];
	v7 =	vsub.f32 v6, v5  }
0xe2: {  	v3 =	vsub.f32 v3, v4;
	v6 =	vld [tilespmem:s20+$0x1000]  }
0xe3: {  	v10 =	vmul.f32 v7, v7;
	v7 =	vld [tilespmem:s19+$0x0]  }
0xe4: {  	v9 =	vmul.f32 v3, v3;
	_ =	sdelay $0x1  }
0xe5: {  	s20 =	simm.s32 $0x80;
	v3 =	vimm.f32 $0.0e+00;
	v9 =	vadd.f32 v10, v9  }
.LBB2_16:
0xe6: {  	vm0 =	vgt.f32 v6, $0.0e+00;
	v6 =	vld [tilespmem:s19+$0x1000];
	s19 =	sshra.s32 s20, $0x2;
	p0 =	sne.s32 s20, $0x1FC0  }
.Ltmp7:
0xe7: {  	s20 =	sadd.s32 $0x40, s20;
	v10 =	vsub.f32 v7, v4;
	v7 =	vld [tilespmem:s19+$0x0];
	v11 =	vsub.f32 v8, v5;
	vm1 =	vlt.f32 v9, $9.999999770e-03;
	(pc) =	sbr.rel @p0 .LBB2_16-.Ltmp7, $4  }
0xe8: {  	v8 =	vld [tilespmem:s19+$0x800];
	vm0 =	vmand vm0, vm1  }
0xe9: {  	v9 =	vmul.f32 v10, v10;
	v10 =	vmul.f32 v11, v11;
	v11 =	vsel vm0, $0x3F800000, v0  }
0xea: {  	v3 =	vadd.f32 v11, v3  }
0xeb: {  	v9 =	vadd.f32 v10, v9  }
0xec: {  	_ = 	snop  }
0xed: {  	v4 =	vsub.f32 v7, v4;
	v5 =	vsub.f32 v8, v5  }
0xee: {  	v7 =	vld [tilespmem:s19+$0x1000]  }
0xef: {  	v4 =	vmul.f32 v4, v4;
	v5 =	vmul.f32 v5, v5;
	_ =	sdelay $0x1  }
0xf0: {  	vm0 =	vgt.f32 v6, $0.0e+00;
	vm1 =	vlt.f32 v9, $9.999999770e-03;
	v4 =	vadd.f32 v5, v4  }
0xf1: {  	vm0 =	vmand vm0, vm1  }
0xf2: {  	v5 =	vsel vm0, $0x3F800000, v0;
	vm14 =	vgt.f32 v7, $0.0e+00;
	vm15 =	vlt.f32 v4, $9.999999770e-03  }
0xf3: {  	v3 =	vadd.f32 v5, v3;
	vm0 =	vmand vm14, vm15  }
0xf4: {  	v4 =	vsel vm0, $0x3F800000, v0  }
0xf5: {  	v3 =	vadd.f32 v4, v3;
	_ =	sdelay $0x1  }
0xf6: {  	s20 =	simm.s32 $0x0;
	[tilespmem:$0x1970] =	vst v3  }
0xf7: {  	v6 =	vld [tilespmem:s20+$0x800]  }
0xf8: {  	v3 =	vld [tilespmem:s20+$0x0];
	_ =	sdelay $0x1  }
0xf9: {  	v5 =	vbroadcast v2, $0x8  }
0xfa: {  	s19 =	simm.s32 $0x10;
	v4 =	vbroadcast v1, $0x8  }
0xfb: {  	v8 =	vld [tilespmem:s19+$0x800];
	v7 =	vsub.f32 v6, v5  }
0xfc: {  	v3 =	vsub.f32 v3, v4;
	v6 =	vld [tilespmem:s20+$0x1000]  }
0xfd: {  	v10 =	vmul.f32 v7, v7;
	v7 =	vld [tilespmem:s19+$0x0]  }
0xfe: {  	v9 =	vmul.f32 v3, v3;
	_ =	sdelay $0x1  }
0xff: {  	s20 =	simm.s32 $0x80;
	v3 =	vimm.f32 $0.0e+00;
	v9 =	vadd.f32 v10, v9  }
.LBB2_18:
0x100: {  	vm0 =	vgt.f32 v6, $0.0e+00;
	v6 =	vld [tilespmem:s19+$0x1000];
	s19 =	sshra.s32 s20, $0x2;
	p0 =	sne.s32 s20, $0x1FC0  }
.Ltmp8:
0x101: {  	s20 =	sadd.s32 $0x40, s20;
	v10 =	vsub.f32 v7, v4;
	v7 =	vld [tilespmem:s19+$0x0];
	v11 =	vsub.f32 v8, v5;
	vm1 =	vlt.f32 v9, $9.999999770e-03;
	(pc) =	sbr.rel @p0 .LBB2_18-.Ltmp8, $4  }
0x102: {  	v8 =	vld [tilespmem:s19+$0x800];
	vm0 =	vmand vm0, vm1  }
0x103: {  	v9 =	vmul.f32 v10, v10;
	v10 =	vmul.f32 v11, v11;
	v11 =	vsel vm0, $0x3F800000, v0  }
0x104: {  	v3 =	vadd.f32 v11, v3  }
0x105: {  	v9 =	vadd.f32 v10, v9  }
0x106: {  	_ = 	snop  }
0x107: {  	v4 =	vsub.f32 v7, v4;
	v5 =	vsub.f32 v8, v5  }
0x108: {  	v7 =	vld [tilespmem:s19+$0x1000]  }
0x109: {  	v4 =	vmul.f32 v4, v4;
	v5 =	vmul.f32 v5, v5;
	_ =	sdelay $0x1  }
0x10a: {  	vm0 =	vgt.f32 v6, $0.0e+00;
	vm1 =	vlt.f32 v9, $9.999999770e-03;
	v4 =	vadd.f32 v5, v4  }
0x10b: {  	vm0 =	vmand vm0, vm1  }
0x10c: {  	v5 =	vsel vm0, $0x3F800000, v0;
	vm14 =	vgt.f32 v7, $0.0e+00;
	vm15 =	vlt.f32 v4, $9.999999770e-03  }
0x10d: {  	v3 =	vadd.f32 v5, v3;
	vm0 =	vmand vm14, vm15  }
0x10e: {  	v4 =	vsel vm0, $0x3F800000, v0  }
0x10f: {  	v3 =	vadd.f32 v4, v3;
	_ =	sdelay $0x1  }
0x110: {  	s20 =	simm.s32 $0x0;
	[tilespmem:$0x1980] =	vst v3  }
0x111: {  	v6 =	vld [tilespmem:s20+$0x800]  }
0x112: {  	v3 =	vld [tilespmem:s20+$0x0];
	_ =	sdelay $0x1  }
0x113: {  	v5 =	vbroadcast v2, $0x9  }
0x114: {  	s19 =	simm.s32 $0x10;
	v4 =	vbroadcast v1, $0x9  }
0x115: {  	v8 =	vld [tilespmem:s19+$0x800];
	v7 =	vsub.f32 v6, v5  }
0x116: {  	v3 =	vsub.f32 v3, v4;
	v6 =	vld [tilespmem:s20+$0x1000]  }
0x117: {  	v10 =	vmul.f32 v7, v7;
	v7 =	vld [tilespmem:s19+$0x0]  }
0x118: {  	v9 =	vmul.f32 v3, v3;
	_ =	sdelay $0x1  }
0x119: {  	s20 =	simm.s32 $0x80;
	v3 =	vimm.f32 $0.0e+00;
	v9 =	vadd.f32 v10, v9  }
.LBB2_20:
0x11a: {  	vm0 =	vgt.f32 v6, $0.0e+00;
	v6 =	vld [tilespmem:s19+$0x1000];
	s19 =	sshra.s32 s20, $0x2;
	p0 =	sne.s32 s20, $0x1FC0  }
.Ltmp9:
0x11b: {  	s20 =	sadd.s32 $0x40, s20;
	v10 =	vsub.f32 v7, v4;
	v7 =	vld [tilespmem:s19+$0x0];
	v11 =	vsub.f32 v8, v5;
	vm1 =	vlt.f32 v9, $9.999999770e-03;
	(pc) =	sbr.rel @p0 .LBB2_20-.Ltmp9, $4  }
0x11c: {  	v8 =	vld [tilespmem:s19+$0x800];
	vm0 =	vmand vm0, vm1  }
0x11d: {  	v9 =	vmul.f32 v10, v10;
	v10 =	vmul.f32 v11, v11;
	v11 =	vsel vm0, $0x3F800000, v0  }
0x11e: {  	v3 =	vadd.f32 v11, v3  }
0x11f: {  	v9 =	vadd.f32 v10, v9  }
0x120: {  	_ = 	snop  }
0x121: {  	v4 =	vsub.f32 v7, v4;
	v5 =	vsub.f32 v8, v5  }
0x122: {  	v7 =	vld [tilespmem:s19+$0x1000]  }
0x123: {  	v4 =	vmul.f32 v4, v4;
	v5 =	vmul.f32 v5, v5;
	_ =	sdelay $0x1  }
0x124: {  	vm0 =	vgt.f32 v6, $0.0e+00;
	vm1 =	vlt.f32 v9, $9.999999770e-03;
	v4 =	vadd.f32 v5, v4  }
0x125: {  	vm0 =	vmand vm0, vm1  }
0x126: {  	v5 =	vsel vm0, $0x3F800000, v0;
	vm14 =	vgt.f32 v7, $0.0e+00;
	vm15 =	vlt.f32 v4, $9.999999770e-03  }
0x127: {  	v3 =	vadd.f32 v5, v3;
	vm0 =	vmand vm14, vm15  }
0x128: {  	v4 =	vsel vm0, $0x3F800000, v0  }
0x129: {  	v3 =	vadd.f32 v4, v3;
	_ =	sdelay $0x1  }
0x12a: {  	s20 =	simm.s32 $0x0;
	[tilespmem:$0x1990] =	vst v3  }
0x12b: {  	v6 =	vld [tilespmem:s20+$0x800]  }
0x12c: {  	v3 =	vld [tilespmem:s20+$0x0];
	_ =	sdelay $0x1  }
0x12d: {  	v5 =	vbroadcast v2, $0xA  }
0x12e: {  	s19 =	simm.s32 $0x10;
	v4 =	vbroadcast v1, $0xA  }
0x12f: {  	v8 =	vld [tilespmem:s19+$0x800];
	v7 =	vsub.f32 v6, v5  }
0x130: {  	v3 =	vsub.f32 v3, v4;
	v6 =	vld [tilespmem:s20+$0x1000]  }
0x131: {  	v10 =	vmul.f32 v7, v7;
	v7 =	vld [tilespmem:s19+$0x0]  }
0x132: {  	v9 =	vmul.f32 v3, v3;
	_ =	sdelay $0x1  }
0x133: {  	s20 =	simm.s32 $0x80;
	v3 =	vimm.f32 $0.0e+00;
	v9 =	vadd.f32 v10, v9  }
.LBB2_22:
0x134: {  	vm0 =	vgt.f32 v6, $0.0e+00;
	v6 =	vld [tilespmem:s19+$0x1000];
	s19 =	sshra.s32 s20, $0x2;
	p0 =	sne.s32 s20, $0x1FC0  }
.Ltmp10:
0x135: {  	s20 =	sadd.s32 $0x40, s20;
	v10 =	vsub.f32 v7, v4;
	v7 =	vld [tilespmem:s19+$0x0];
	v11 =	vsub.f32 v8, v5;
	vm1 =	vlt.f32 v9, $9.999999770e-03;
	(pc) =	sbr.rel @p0 .LBB2_22-.Ltmp10, $4  }
0x136: {  	v8 =	vld [tilespmem:s19+$0x800];
	vm0 =	vmand vm0, vm1  }
0x137: {  	v9 =	vmul.f32 v10, v10;
	v10 =	vmul.f32 v11, v11;
	v11 =	vsel vm0, $0x3F800000, v0  }
0x138: {  	v3 =	vadd.f32 v11, v3  }
0x139: {  	v9 =	vadd.f32 v10, v9  }
0x13a: {  	_ = 	snop  }
0x13b: {  	v4 =	vsub.f32 v7, v4;
	v5 =	vsub.f32 v8, v5  }
0x13c: {  	v7 =	vld [tilespmem:s19+$0x1000]  }
0x13d: {  	v4 =	vmul.f32 v4, v4;
	v5 =	vmul.f32 v5, v5;
	_ =	sdelay $0x1  }
0x13e: {  	vm0 =	vgt.f32 v6, $0.0e+00;
	vm1 =	vlt.f32 v9, $9.999999770e-03;
	v4 =	vadd.f32 v5, v4  }
0x13f: {  	vm0 =	vmand vm0, vm1  }
0x140: {  	v5 =	vsel vm0, $0x3F800000, v0;
	vm14 =	vgt.f32 v7, $0.0e+00;
	vm15 =	vlt.f32 v4, $9.999999770e-03  }
0x141: {  	v3 =	vadd.f32 v5, v3;
	vm0 =	vmand vm14, vm15  }
0x142: {  	v4 =	vsel vm0, $0x3F800000, v0  }
0x143: {  	v3 =	vadd.f32 v4, v3;
	_ =	sdelay $0x1  }
0x144: {  	s20 =	simm.s32 $0x0;
	[tilespmem:$0x19A0] =	vst v3  }
0x145: {  	v6 =	vld [tilespmem:s20+$0x800]  }
0x146: {  	v3 =	vld [tilespmem:s20+$0x0];
	_ =	sdelay $0x1  }
0x147: {  	v5 =	vbroadcast v2, $0xB  }
0x148: {  	s19 =	simm.s32 $0x10;
	v4 =	vbroadcast v1, $0xB  }
0x149: {  	v8 =	vld [tilespmem:s19+$0x800];
	v7 =	vsub.f32 v6, v5  }
0x14a: {  	v3 =	vsub.f32 v3, v4;
	v6 =	vld [tilespmem:s20+$0x1000]  }
0x14b: {  	v10 =	vmul.f32 v7, v7;
	v7 =	vld [tilespmem:s19+$0x0]  }
0x14c: {  	v9 =	vmul.f32 v3, v3;
	_ =	sdelay $0x1  }
0x14d: {  	s20 =	simm.s32 $0x80;
	v3 =	vimm.f32 $0.0e+00;
	v9 =	vadd.f32 v10, v9  }
.LBB2_24:
0x14e: {  	vm0 =	vgt.f32 v6, $0.0e+00;
	v6 =	vld [tilespmem:s19+$0x1000];
	s19 =	sshra.s32 s20, $0x2;
	p0 =	sne.s32 s20, $0x1FC0  }
.Ltmp11:
0x14f: {  	s20 =	sadd.s32 $0x40, s20;
	v10 =	vsub.f32 v7, v4;
	v7 =	vld [tilespmem:s19+$0x0];
	v11 =	vsub.f32 v8, v5;
	vm1 =	vlt.f32 v9, $9.999999770e-03;
	(pc) =	sbr.rel @p0 .LBB2_24-.Ltmp11, $4  }
0x150: {  	v8 =	vld [tilespmem:s19+$0x800];
	vm0 =	vmand vm0, vm1  }
0x151: {  	v9 =	vmul.f32 v10, v10;
	v10 =	vmul.f32 v11, v11;
	v11 =	vsel vm0, $0x3F800000, v0  }
0x152: {  	v3 =	vadd.f32 v11, v3  }
0x153: {  	v9 =	vadd.f32 v10, v9  }
0x154: {  	_ = 	snop  }
0x155: {  	v4 =	vsub.f32 v7, v4;
	v5 =	vsub.f32 v8, v5  }
0x156: {  	v7 =	vld [tilespmem:s19+$0x1000]  }
0x157: {  	v4 =	vmul.f32 v4, v4;
	v5 =	vmul.f32 v5, v5;
	_ =	sdelay $0x1  }
0x158: {  	vm0 =	vgt.f32 v6, $0.0e+00;
	vm1 =	vlt.f32 v9, $9.999999770e-03;
	v4 =	vadd.f32 v5, v4  }
0x159: {  	vm0 =	vmand vm0, vm1  }
0x15a: {  	v5 =	vsel vm0, $0x3F800000, v0;
	vm14 =	vgt.f32 v7, $0.0e+00;
	vm15 =	vlt.f32 v4, $9.999999770e-03  }
0x15b: {  	v3 =	vadd.f32 v5, v3;
	vm0 =	vmand vm14, vm15  }
0x15c: {  	v4 =	vsel vm0, $0x3F800000, v0  }
0x15d: {  	v3 =	vadd.f32 v4, v3;
	_ =	sdelay $0x1  }
0x15e: {  	s20 =	simm.s32 $0x0;
	[tilespmem:$0x19B0] =	vst v3  }
0x15f: {  	v6 =	vld [tilespmem:s20+$0x800]  }
0x160: {  	v3 =	vld [tilespmem:s20+$0x0];
	_ =	sdelay $0x1  }
0x161: {  	v5 =	vbroadcast v2, $0xC  }
0x162: {  	s19 =	simm.s32 $0x10;
	v4 =	vbroadcast v1, $0xC  }
0x163: {  	v8 =	vld [tilespmem:s19+$0x800];
	v7 =	vsub.f32 v6, v5  }
0x164: {  	v3 =	vsub.f32 v3, v4;
	v6 =	vld [tilespmem:s20+$0x1000]  }
0x165: {  	v10 =	vmul.f32 v7, v7;
	v7 =	vld [tilespmem:s19+$0x0]  }
0x166: {  	v9 =	vmul.f32 v3, v3;
	_ =	sdelay $0x1  }
0x167: {  	s20 =	simm.s32 $0x80;
	v3 =	vimm.f32 $0.0e+00;
	v9 =	vadd.f32 v10, v9  }
.LBB2_26:
0x168: {  	vm0 =	vgt.f32 v6, $0.0e+00;
	v6 =	vld [tilespmem:s19+$0x1000];
	s19 =	sshra.s32 s20, $0x2;
	p0 =	sne.s32 s20, $0x1FC0  }
.Ltmp12:
0x169: {  	s20 =	sadd.s32 $0x40, s20;
	v10 =	vsub.f32 v7, v4;
	v7 =	vld [tilespmem:s19+$0x0];
	v11 =	vsub.f32 v8, v5;
	vm1 =	vlt.f32 v9, $9.999999770e-03;
	(pc) =	sbr.rel @p0 .LBB2_26-.Ltmp12, $4  }
0x16a: {  	v8 =	vld [tilespmem:s19+$0x800];
	vm0 =	vmand vm0, vm1  }
0x16b: {  	v9 =	vmul.f32 v10, v10;
	v10 =	vmul.f32 v11, v11;
	v11 =	vsel vm0, $0x3F800000, v0  }
0x16c: {  	v3 =	vadd.f32 v11, v3  }
0x16d: {  	v9 =	vadd.f32 v10, v9  }
0x16e: {  	_ = 	snop  }
0x16f: {  	v4 =	vsub.f32 v7, v4;
	v5 =	vsub.f32 v8, v5  }
0x170: {  	v7 =	vld [tilespmem:s19+$0x1000]  }
0x171: {  	v4 =	vmul.f32 v4, v4;
	v5 =	vmul.f32 v5, v5;
	_ =	sdelay $0x1  }
0x172: {  	vm0 =	vgt.f32 v6, $0.0e+00;
	vm1 =	vlt.f32 v9, $9.999999770e-03;
	v4 =	vadd.f32 v5, v4  }
0x173: {  	vm0 =	vmand vm0, vm1  }
0x174: {  	v5 =	vsel vm0, $0x3F800000, v0;
	vm14 =	vgt.f32 v7, $0.0e+00;
	vm15 =	vlt.f32 v4, $9.999999770e-03  }
0x175: {  	v3 =	vadd.f32 v5, v3;
	vm0 =	vmand vm14, vm15  }
0x176: {  	v4 =	vsel vm0, $0x3F800000, v0  }
0x177: {  	v3 =	vadd.f32 v4, v3;
	_ =	sdelay $0x1  }
0x178: {  	s20 =	simm.s32 $0x0;
	[tilespmem:$0x19C0] =	vst v3  }
0x179: {  	v6 =	vld [tilespmem:s20+$0x800]  }
0x17a: {  	v3 =	vld [tilespmem:s20+$0x0];
	_ =	sdelay $0x1  }
0x17b: {  	v5 =	vbroadcast v2, $0xD  }
0x17c: {  	s19 =	simm.s32 $0x10;
	v4 =	vbroadcast v1, $0xD  }
0x17d: {  	v8 =	vld [tilespmem:s19+$0x800];
	v7 =	vsub.f32 v6, v5  }
0x17e: {  	v3 =	vsub.f32 v3, v4;
	v6 =	vld [tilespmem:s20+$0x1000]  }
0x17f: {  	v10 =	vmul.f32 v7, v7;
	v7 =	vld [tilespmem:s19+$0x0]  }
0x180: {  	v9 =	vmul.f32 v3, v3;
	_ =	sdelay $0x1  }
0x181: {  	s20 =	simm.s32 $0x80;
	v3 =	vimm.f32 $0.0e+00;
	v9 =	vadd.f32 v10, v9  }
.LBB2_28:
0x182: {  	vm0 =	vgt.f32 v6, $0.0e+00;
	v6 =	vld [tilespmem:s19+$0x1000];
	s19 =	sshra.s32 s20, $0x2;
	p0 =	sne.s32 s20, $0x1FC0  }
.Ltmp13:
0x183: {  	s20 =	sadd.s32 $0x40, s20;
	v10 =	vsub.f32 v7, v4;
	v7 =	vld [tilespmem:s19+$0x0];
	v11 =	vsub.f32 v8, v5;
	vm1 =	vlt.f32 v9, $9.999999770e-03;
	(pc) =	sbr.rel @p0 .LBB2_28-.Ltmp13, $4  }
0x184: {  	v8 =	vld [tilespmem:s19+$0x800];
	vm0 =	vmand vm0, vm1  }
0x185: {  	v9 =	vmul.f32 v10, v10;
	v10 =	vmul.f32 v11, v11;
	v11 =	vsel vm0, $0x3F800000, v0  }
0x186: {  	v3 =	vadd.f32 v11, v3  }
0x187: {  	v9 =	vadd.f32 v10, v9  }
0x188: {  	_ = 	snop  }
0x189: {  	v4 =	vsub.f32 v7, v4;
	v5 =	vsub.f32 v8, v5  }
0x18a: {  	v7 =	vld [tilespmem:s19+$0x1000]  }
0x18b: {  	v4 =	vmul.f32 v4, v4;
	v5 =	vmul.f32 v5, v5;
	_ =	sdelay $0x1  }
0x18c: {  	vm0 =	vgt.f32 v6, $0.0e+00;
	vm1 =	vlt.f32 v9, $9.999999770e-03;
	v4 =	vadd.f32 v5, v4  }
0x18d: {  	vm0 =	vmand vm0, vm1  }
0x18e: {  	v5 =	vsel vm0, $0x3F800000, v0;
	vm14 =	vgt.f32 v7, $0.0e+00;
	vm15 =	vlt.f32 v4, $9.999999770e-03  }
0x18f: {  	v3 =	vadd.f32 v5, v3;
	vm0 =	vmand vm14, vm15  }
0x190: {  	v4 =	vsel vm0, $0x3F800000, v0  }
0x191: {  	v3 =	vadd.f32 v4, v3;
	_ =	sdelay $0x1  }
0x192: {  	s20 =	simm.s32 $0x0;
	[tilespmem:$0x19D0] =	vst v3  }
0x193: {  	v6 =	vld [tilespmem:s20+$0x800]  }
0x194: {  	v3 =	vld [tilespmem:s20+$0x0];
	_ =	sdelay $0x1  }
0x195: {  	v5 =	vbroadcast v2, $0xE  }
0x196: {  	s19 =	simm.s32 $0x10;
	v4 =	vbroadcast v1, $0xE  }
0x197: {  	v8 =	vld [tilespmem:s19+$0x800];
	v7 =	vsub.f32 v6, v5  }
0x198: {  	v3 =	vsub.f32 v3, v4;
	v6 =	vld [tilespmem:s20+$0x1000]  }
0x199: {  	v10 =	vmul.f32 v7, v7;
	v7 =	vld [tilespmem:s19+$0x0]  }
0x19a: {  	v9 =	vmul.f32 v3, v3;
	_ =	sdelay $0x1  }
0x19b: {  	s20 =	simm.s32 $0x80;
	v3 =	vimm.f32 $0.0e+00;
	v9 =	vadd.f32 v10, v9  }
.LBB2_30:
0x19c: {  	vm0 =	vgt.f32 v6, $0.0e+00;
	v6 =	vld [tilespmem:s19+$0x1000];
	s19 =	sshra.s32 s20, $0x2;
	p0 =	sne.s32 s20, $0x1FC0  }
.Ltmp14:
0x19d: {  	s20 =	sadd.s32 $0x40, s20;
	v10 =	vsub.f32 v7, v4;
	v7 =	vld [tilespmem:s19+$0x0];
	v11 =	vsub.f32 v8, v5;
	vm1 =	vlt.f32 v9, $9.999999770e-03;
	(pc) =	sbr.rel @p0 .LBB2_30-.Ltmp14, $4  }
0x19e: {  	v8 =	vld [tilespmem:s19+$0x800];
	vm0 =	vmand vm0, vm1  }
0x19f: {  	v9 =	vmul.f32 v10, v10;
	v10 =	vmul.f32 v11, v11;
	v11 =	vsel vm0, $0x3F800000, v0  }
0x1a0: {  	v3 =	vadd.f32 v11, v3  }
0x1a1: {  	v9 =	vadd.f32 v10, v9  }
0x1a2: {  	_ = 	snop  }
0x1a3: {  	v4 =	vsub.f32 v7, v4;
	v5 =	vsub.f32 v8, v5  }
0x1a4: {  	v7 =	vld [tilespmem:s19+$0x1000]  }
0x1a5: {  	v4 =	vmul.f32 v4, v4;
	v5 =	vmul.f32 v5, v5;
	_ =	sdelay $0x1  }
0x1a6: {  	vm0 =	vgt.f32 v6, $0.0e+00;
	vm1 =	vlt.f32 v9, $9.999999770e-03;
	v4 =	vadd.f32 v5, v4  }
0x1a7: {  	vm0 =	vmand vm0, vm1  }
0x1a8: {  	v5 =	vsel vm0, $0x3F800000, v0;
	vm14 =	vgt.f32 v7, $0.0e+00;
	vm15 =	vlt.f32 v4, $9.999999770e-03  }
0x1a9: {  	v3 =	vadd.f32 v5, v3;
	vm0 =	vmand vm14, vm15  }
0x1aa: {  	v4 =	vsel vm0, $0x3F800000, v0  }
0x1ab: {  	v3 =	vadd.f32 v4, v3;
	_ =	sdelay $0x1  }
0x1ac: {  	s20 =	simm.s32 $0x0;
	[tilespmem:$0x19E0] =	vst v3  }
0x1ad: {  	v5 =	vld [tilespmem:s20+$0x800]  }
0x1ae: {  	v4 =	vld [tilespmem:s20+$0x0];
	_ =	sdelay $0x1  }
0x1af: {  	v2 =	vbroadcast v2, $0xF  }
0x1b0: {  	s19 =	simm.s32 $0x10;
	v3 =	vbroadcast v1, $0xF  }
0x1b1: {  	v6 =	vld [tilespmem:s19+$0x800];
	v5 =	vsub.f32 v5, v2  }
0x1b2: {  	v1 =	vsub.f32 v4, v3;
	v4 =	vld [tilespmem:s20+$0x1000]  }
0x1b3: {  	v8 =	vmul.f32 v5, v5;
	v5 =	vld [tilespmem:s19+$0x0]  }
0x1b4: {  	v7 =	vmul.f32 v1, v1;
	_ =	sdelay $0x1  }
0x1b5: {  	s20 =	simm.s32 $0x80;
	v1 =	vimm.f32 $0.0e+00;
	v7 =	vadd.f32 v8, v7  }
.LBB2_32:
0x1b6: {  	vm0 =	vgt.f32 v4, $0.0e+00;
	v4 =	vld [tilespmem:s19+$0x1000];
	s19 =	sshra.s32 s20, $0x2;
	p0 =	sne.s32 s20, $0x1FC0  }
.Ltmp15:
0x1b7: {  	s20 =	sadd.s32 $0x40, s20;
	v8 =	vsub.f32 v5, v3;
	v5 =	vld [tilespmem:s19+$0x0];
	v9 =	vsub.f32 v6, v2;
	vm1 =	vlt.f32 v7, $9.999999770e-03;
	(pc) =	sbr.rel @p0 .LBB2_32-.Ltmp15, $4  }
0x1b8: {  	v6 =	vld [tilespmem:s19+$0x800];
	vm0 =	vmand vm0, vm1  }
0x1b9: {  	v7 =	vmul.f32 v8, v8;
	v8 =	vmul.f32 v9, v9;
	v9 =	vsel vm0, $0x3F800000, v0  }
0x1ba: {  	v1 =	vadd.f32 v9, v1  }
0x1bb: {  	v7 =	vadd.f32 v8, v7  }
0x1bc: {  	_ = 	snop  }
0x1bd: {  	v3 =	vsub.f32 v5, v3;
	v2 =	vsub.f32 v6, v2  }
0x1be: {  	v5 =	vld [tilespmem:s19+$0x1000]  }
0x1bf: {  	v3 =	vmul.f32 v3, v3;
	v2 =	vmul.f32 v2, v2;
	_ =	sdelay $0x1  }
0x1c0: {  	vm0 =	vgt.f32 v4, $0.0e+00;
	vm1 =	vlt.f32 v7, $9.999999770e-03;
	v2 =	vadd.f32 v2, v3  }
0x1c1: {  	vm0 =	vmand vm0, vm1  }
0x1c2: {  	v3 =	vsel vm0, $0x3F800000, v0;
	vm14 =	vgt.f32 v5, $0.0e+00;
	vm15 =	vlt.f32 v2, $9.999999770e-03  }
0x1c3: {  	v1 =	vadd.f32 v3, v1;
	vm0 =	vmand vm14, vm15  }
0x1c4: {  	v2 =	vsel vm0, $0x3F800000, v0  }
0x1c5: {  	v2 =	vadd.f32 v2, v1;
	_ =	sdelay $0x1  }
0x1c6: {  	[tilespmem:$0x19F0] =	vst v2;
	v2 =	vld [tilespmem:$0x1890]  }
0x1c7: {  	s20 =	simm.s32 $0x0;
	v1 =	vld [tilespmem:$0x1810]  }
0x1c8: {  	v6 =	vld [tilespmem:s20+$0x800]  }
0x1c9: {  	v3 =	vld [tilespmem:s20+$0x0];
	_ =	sdelay $0x1  }
0x1ca: {  	v5 =	vbroadcast v2, $0x0  }
0x1cb: {  	s19 =	simm.s32 $0x10;
	v4 =	vbroadcast v1, $0x0  }
0x1cc: {  	v8 =	vld [tilespmem:s19+$0x800];
	v7 =	vsub.f32 v6, v5  }
0x1cd: {  	v3 =	vsub.f32 v3, v4;
	v6 =	vld [tilespmem:s20+$0x1000]  }
0x1ce: {  	v10 =	vmul.f32 v7, v7;
	v7 =	vld [tilespmem:s19+$0x0]  }
0x1cf: {  	v9 =	vmul.f32 v3, v3;
	_ =	sdelay $0x1  }
0x1d0: {  	s20 =	simm.s32 $0x80;
	v3 =	vimm.f32 $0.0e+00;
	v9 =	vadd.f32 v10, v9  }
.LBB2_34:
0x1d1: {  	vm0 =	vgt.f32 v6, $0.0e+00;
	v6 =	vld [tilespmem:s19+$0x1000];
	s19 =	sshra.s32 s20, $0x2;
	p0 =	sne.s32 s20, $0x1FC0  }
.Ltmp16:
0x1d2: {  	s20 =	sadd.s32 $0x40, s20;
	v10 =	vsub.f32 v7, v4;
	v7 =	vld [tilespmem:s19+$0x0];
	v11 =	vsub.f32 v8, v5;
	vm1 =	vlt.f32 v9, $9.999999770e-03;
	(pc) =	sbr.rel @p0 .LBB2_34-.Ltmp16, $4  }
0x1d3: {  	v8 =	vld [tilespmem:s19+$0x800];
	vm0 =	vmand vm0, vm1  }
0x1d4: {  	v9 =	vmul.f32 v10, v10;
	v10 =	vmul.f32 v11, v11;
	v11 =	vsel vm0, $0x3F800000, v0  }
0x1d5: {  	v3 =	vadd.f32 v11, v3  }
0x1d6: {  	v9 =	vadd.f32 v10, v9  }
0x1d7: {  	_ = 	snop  }
0x1d8: {  	v4 =	vsub.f32 v7, v4;
	v5 =	vsub.f32 v8, v5  }
0x1d9: {  	v7 =	vld [tilespmem:s19+$0x1000]  }
0x1da: {  	v4 =	vmul.f32 v4, v4;
	v5 =	vmul.f32 v5, v5;
	_ =	sdelay $0x1  }
0x1db: {  	vm0 =	vgt.f32 v6, $0.0e+00;
	vm1 =	vlt.f32 v9, $9.999999770e-03;
	v4 =	vadd.f32 v5, v4  }
0x1dc: {  	vm0 =	vmand vm0, vm1  }
0x1dd: {  	v5 =	vsel vm0, $0x3F800000, v0;
	vm14 =	vgt.f32 v7, $0.0e+00;
	vm15 =	vlt.f32 v4, $9.999999770e-03  }
0x1de: {  	v3 =	vadd.f32 v5, v3;
	vm0 =	vmand vm14, vm15  }
0x1df: {  	v4 =	vsel vm0, $0x3F800000, v0  }
0x1e0: {  	v3 =	vadd.f32 v4, v3;
	_ =	sdelay $0x1  }
0x1e1: {  	s20 =	simm.s32 $0x0;
	[tilespmem:$0x1A00] =	vst v3  }
0x1e2: {  	v6 =	vld [tilespmem:s20+$0x800]  }
0x1e3: {  	v3 =	vld [tilespmem:s20+$0x0];
	_ =	sdelay $0x1  }
0x1e4: {  	v5 =	vbroadcast v2, $0x1  }
0x1e5: {  	s19 =	simm.s32 $0x10;
	v4 =	vbroadcast v1, $0x1  }
0x1e6: {  	v8 =	vld [tilespmem:s19+$0x800];
	v7 =	vsub.f32 v6, v5  }
0x1e7: {  	v3 =	vsub.f32 v3, v4;
	v6 =	vld [tilespmem:s20+$0x1000]  }
0x1e8: {  	v10 =	vmul.f32 v7, v7;
	v7 =	vld [tilespmem:s19+$0x0]  }
0x1e9: {  	v9 =	vmul.f32 v3, v3;
	_ =	sdelay $0x1  }
0x1ea: {  	s20 =	simm.s32 $0x80;
	v3 =	vimm.f32 $0.0e+00;
	v9 =	vadd.f32 v10, v9  }
.LBB2_36:
0x1eb: {  	vm0 =	vgt.f32 v6, $0.0e+00;
	v6 =	vld [tilespmem:s19+$0x1000];
	s19 =	sshra.s32 s20, $0x2;
	p0 =	sne.s32 s20, $0x1FC0  }
.Ltmp17:
0x1ec: {  	s20 =	sadd.s32 $0x40, s20;
	v10 =	vsub.f32 v7, v4;
	v7 =	vld [tilespmem:s19+$0x0];
	v11 =	vsub.f32 v8, v5;
	vm1 =	vlt.f32 v9, $9.999999770e-03;
	(pc) =	sbr.rel @p0 .LBB2_36-.Ltmp17, $4  }
0x1ed: {  	v8 =	vld [tilespmem:s19+$0x800];
	vm0 =	vmand vm0, vm1  }
0x1ee: {  	v9 =	vmul.f32 v10, v10;
	v10 =	vmul.f32 v11, v11;
	v11 =	vsel vm0, $0x3F800000, v0  }
0x1ef: {  	v3 =	vadd.f32 v11, v3  }
0x1f0: {  	v9 =	vadd.f32 v10, v9  }
0x1f1: {  	_ = 	snop  }
0x1f2: {  	v4 =	vsub.f32 v7, v4;
	v5 =	vsub.f32 v8, v5  }
0x1f3: {  	v7 =	vld [tilespmem:s19+$0x1000]  }
0x1f4: {  	v4 =	vmul.f32 v4, v4;
	v5 =	vmul.f32 v5, v5;
	_ =	sdelay $0x1  }
0x1f5: {  	vm0 =	vgt.f32 v6, $0.0e+00;
	vm1 =	vlt.f32 v9, $9.999999770e-03;
	v4 =	vadd.f32 v5, v4  }
0x1f6: {  	vm0 =	vmand vm0, vm1  }
0x1f7: {  	v5 =	vsel vm0, $0x3F800000, v0;
	vm14 =	vgt.f32 v7, $0.0e+00;
	vm15 =	vlt.f32 v4, $9.999999770e-03  }
0x1f8: {  	v3 =	vadd.f32 v5, v3;
	vm0 =	vmand vm14, vm15  }
0x1f9: {  	v4 =	vsel vm0, $0x3F800000, v0  }
0x1fa: {  	v3 =	vadd.f32 v4, v3;
	_ =	sdelay $0x1  }
0x1fb: {  	s20 =	simm.s32 $0x0;
	[tilespmem:$0x1A10] =	vst v3  }
0x1fc: {  	v6 =	vld [tilespmem:s20+$0x800]  }
0x1fd: {  	v3 =	vld [tilespmem:s20+$0x0];
	_ =	sdelay $0x1  }
0x1fe: {  	v5 =	vbroadcast v2, $0x2  }
0x1ff: {  	s19 =	simm.s32 $0x10;
	v4 =	vbroadcast v1, $0x2  }
0x200: {  	v8 =	vld [tilespmem:s19+$0x800];
	v7 =	vsub.f32 v6, v5  }
0x201: {  	v3 =	vsub.f32 v3, v4;
	v6 =	vld [tilespmem:s20+$0x1000]  }
0x202: {  	v10 =	vmul.f32 v7, v7;
	v7 =	vld [tilespmem:s19+$0x0]  }
0x203: {  	v9 =	vmul.f32 v3, v3;
	_ =	sdelay $0x1  }
0x204: {  	s20 =	simm.s32 $0x80;
	v3 =	vimm.f32 $0.0e+00;
	v9 =	vadd.f32 v10, v9  }
.LBB2_38:
0x205: {  	vm0 =	vgt.f32 v6, $0.0e+00;
	v6 =	vld [tilespmem:s19+$0x1000];
	s19 =	sshra.s32 s20, $0x2;
	p0 =	sne.s32 s20, $0x1FC0  }
.Ltmp18:
0x206: {  	s20 =	sadd.s32 $0x40, s20;
	v10 =	vsub.f32 v7, v4;
	v7 =	vld [tilespmem:s19+$0x0];
	v11 =	vsub.f32 v8, v5;
	vm1 =	vlt.f32 v9, $9.999999770e-03;
	(pc) =	sbr.rel @p0 .LBB2_38-.Ltmp18, $4  }
0x207: {  	v8 =	vld [tilespmem:s19+$0x800];
	vm0 =	vmand vm0, vm1  }
0x208: {  	v9 =	vmul.f32 v10, v10;
	v10 =	vmul.f32 v11, v11;
	v11 =	vsel vm0, $0x3F800000, v0  }
0x209: {  	v3 =	vadd.f32 v11, v3  }
0x20a: {  	v9 =	vadd.f32 v10, v9  }
0x20b: {  	_ = 	snop  }
0x20c: {  	v4 =	vsub.f32 v7, v4;
	v5 =	vsub.f32 v8, v5  }
0x20d: {  	v7 =	vld [tilespmem:s19+$0x1000]  }
0x20e: {  	v4 =	vmul.f32 v4, v4;
	v5 =	vmul.f32 v5, v5;
	_ =	sdelay $0x1  }
0x20f: {  	vm0 =	vgt.f32 v6, $0.0e+00;
	vm1 =	vlt.f32 v9, $9.999999770e-03;
	v4 =	vadd.f32 v5, v4  }
0x210: {  	vm0 =	vmand vm0, vm1  }
0x211: {  	v5 =	vsel vm0, $0x3F800000, v0;
	vm14 =	vgt.f32 v7, $0.0e+00;
	vm15 =	vlt.f32 v4, $9.999999770e-03  }
0x212: {  	v3 =	vadd.f32 v5, v3;
	vm0 =	vmand vm14, vm15  }
0x213: {  	v4 =	vsel vm0, $0x3F800000, v0  }
0x214: {  	v3 =	vadd.f32 v4, v3;
	_ =	sdelay $0x1  }
0x215: {  	s20 =	simm.s32 $0x0;
	[tilespmem:$0x1A20] =	vst v3  }
0x216: {  	v6 =	vld [tilespmem:s20+$0x800]  }
0x217: {  	v3 =	vld [tilespmem:s20+$0x0];
	_ =	sdelay $0x1  }
0x218: {  	v5 =	vbroadcast v2, $0x3  }
0x219: {  	s19 =	simm.s32 $0x10;
	v4 =	vbroadcast v1, $0x3  }
0x21a: {  	v8 =	vld [tilespmem:s19+$0x800];
	v7 =	vsub.f32 v6, v5  }
0x21b: {  	v3 =	vsub.f32 v3, v4;
	v6 =	vld [tilespmem:s20+$0x1000]  }
0x21c: {  	v10 =	vmul.f32 v7, v7;
	v7 =	vld [tilespmem:s19+$0x0]  }
0x21d: {  	v9 =	vmul.f32 v3, v3;
	_ =	sdelay $0x1  }
0x21e: {  	s20 =	simm.s32 $0x80;
	v3 =	vimm.f32 $0.0e+00;
	v9 =	vadd.f32 v10, v9  }
.LBB2_40:
0x21f: {  	vm0 =	vgt.f32 v6, $0.0e+00;
	v6 =	vld [tilespmem:s19+$0x1000];
	s19 =	sshra.s32 s20, $0x2;
	p0 =	sne.s32 s20, $0x1FC0  }
.Ltmp19:
0x220: {  	s20 =	sadd.s32 $0x40, s20;
	v10 =	vsub.f32 v7, v4;
	v7 =	vld [tilespmem:s19+$0x0];
	v11 =	vsub.f32 v8, v5;
	vm1 =	vlt.f32 v9, $9.999999770e-03;
	(pc) =	sbr.rel @p0 .LBB2_40-.Ltmp19, $4  }
0x221: {  	v8 =	vld [tilespmem:s19+$0x800];
	vm0 =	vmand vm0, vm1  }
0x222: {  	v9 =	vmul.f32 v10, v10;
	v10 =	vmul.f32 v11, v11;
	v11 =	vsel vm0, $0x3F800000, v0  }
0x223: {  	v3 =	vadd.f32 v11, v3  }
0x224: {  	v9 =	vadd.f32 v10, v9  }
0x225: {  	_ = 	snop  }
0x226: {  	v4 =	vsub.f32 v7, v4;
	v5 =	vsub.f32 v8, v5  }
0x227: {  	v7 =	vld [tilespmem:s19+$0x1000]  }
0x228: {  	v4 =	vmul.f32 v4, v4;
	v5 =	vmul.f32 v5, v5;
	_ =	sdelay $0x1  }
0x229: {  	vm0 =	vgt.f32 v6, $0.0e+00;
	vm1 =	vlt.f32 v9, $9.999999770e-03;
	v4 =	vadd.f32 v5, v4  }
0x22a: {  	vm0 =	vmand vm0, vm1  }
0x22b: {  	v5 =	vsel vm0, $0x3F800000, v0;
	vm14 =	vgt.f32 v7, $0.0e+00;
	vm15 =	vlt.f32 v4, $9.999999770e-03  }
0x22c: {  	v3 =	vadd.f32 v5, v3;
	vm0 =	vmand vm14, vm15  }
0x22d: {  	v4 =	vsel vm0, $0x3F800000, v0  }
0x22e: {  	v3 =	vadd.f32 v4, v3;
	_ =	sdelay $0x1  }
0x22f: {  	s20 =	simm.s32 $0x0;
	[tilespmem:$0x1A30] =	vst v3  }
0x230: {  	v6 =	vld [tilespmem:s20+$0x800]  }
0x231: {  	v3 =	vld [tilespmem:s20+$0x0];
	_ =	sdelay $0x1  }
0x232: {  	v5 =	vbroadcast v2, $0x4  }
0x233: {  	s19 =	simm.s32 $0x10;
	v4 =	vbroadcast v1, $0x4  }
0x234: {  	v8 =	vld [tilespmem:s19+$0x800];
	v7 =	vsub.f32 v6, v5  }
0x235: {  	v3 =	vsub.f32 v3, v4;
	v6 =	vld [tilespmem:s20+$0x1000]  }
0x236: {  	v10 =	vmul.f32 v7, v7;
	v7 =	vld [tilespmem:s19+$0x0]  }
0x237: {  	v9 =	vmul.f32 v3, v3;
	_ =	sdelay $0x1  }
0x238: {  	s20 =	simm.s32 $0x80;
	v3 =	vimm.f32 $0.0e+00;
	v9 =	vadd.f32 v10, v9  }
.LBB2_42:
0x239: {  	vm0 =	vgt.f32 v6, $0.0e+00;
	v6 =	vld [tilespmem:s19+$0x1000];
	s19 =	sshra.s32 s20, $0x2;
	p0 =	sne.s32 s20, $0x1FC0  }
.Ltmp20:
0x23a: {  	s20 =	sadd.s32 $0x40, s20;
	v10 =	vsub.f32 v7, v4;
	v7 =	vld [tilespmem:s19+$0x0];
	v11 =	vsub.f32 v8, v5;
	vm1 =	vlt.f32 v9, $9.999999770e-03;
	(pc) =	sbr.rel @p0 .LBB2_42-.Ltmp20, $4  }
0x23b: {  	v8 =	vld [tilespmem:s19+$0x800];
	vm0 =	vmand vm0, vm1  }
0x23c: {  	v9 =	vmul.f32 v10, v10;
	v10 =	vmul.f32 v11, v11;
	v11 =	vsel vm0, $0x3F800000, v0  }
0x23d: {  	v3 =	vadd.f32 v11, v3  }
0x23e: {  	v9 =	vadd.f32 v10, v9  }
0x23f: {  	_ = 	snop  }
0x240: {  	v4 =	vsub.f32 v7, v4;
	v5 =	vsub.f32 v8, v5  }
0x241: {  	v7 =	vld [tilespmem:s19+$0x1000]  }
0x242: {  	v4 =	vmul.f32 v4, v4;
	v5 =	vmul.f32 v5, v5;
	_ =	sdelay $0x1  }
0x243: {  	vm0 =	vgt.f32 v6, $0.0e+00;
	vm1 =	vlt.f32 v9, $9.999999770e-03;
	v4 =	vadd.f32 v5, v4  }
0x244: {  	vm0 =	vmand vm0, vm1  }
0x245: {  	v5 =	vsel vm0, $0x3F800000, v0;
	vm14 =	vgt.f32 v7, $0.0e+00;
	vm15 =	vlt.f32 v4, $9.999999770e-03  }
0x246: {  	v3 =	vadd.f32 v5, v3;
	vm0 =	vmand vm14, vm15  }
0x247: {  	v4 =	vsel vm0, $0x3F800000, v0  }
0x248: {  	v3 =	vadd.f32 v4, v3;
	_ =	sdelay $0x1  }
0x249: {  	s20 =	simm.s32 $0x0;
	[tilespmem:$0x1A40] =	vst v3  }
0x24a: {  	v6 =	vld [tilespmem:s20+$0x800]  }
0x24b: {  	v3 =	vld [tilespmem:s20+$0x0];
	_ =	sdelay $0x1  }
0x24c: {  	v5 =	vbroadcast v2, $0x5  }
0x24d: {  	s19 =	simm.s32 $0x10;
	v4 =	vbroadcast v1, $0x5  }
0x24e: {  	v8 =	vld [tilespmem:s19+$0x800];
	v7 =	vsub.f32 v6, v5  }
0x24f: {  	v3 =	vsub.f32 v3, v4;
	v6 =	vld [tilespmem:s20+$0x1000]  }
0x250: {  	v10 =	vmul.f32 v7, v7;
	v7 =	vld [tilespmem:s19+$0x0]  }
0x251: {  	v9 =	vmul.f32 v3, v3;
	_ =	sdelay $0x1  }
0x252: {  	s20 =	simm.s32 $0x80;
	v3 =	vimm.f32 $0.0e+00;
	v9 =	vadd.f32 v10, v9  }
.LBB2_44:
0x253: {  	vm0 =	vgt.f32 v6, $0.0e+00;
	v6 =	vld [tilespmem:s19+$0x1000];
	s19 =	sshra.s32 s20, $0x2;
	p0 =	sne.s32 s20, $0x1FC0  }
.Ltmp21:
0x254: {  	s20 =	sadd.s32 $0x40, s20;
	v10 =	vsub.f32 v7, v4;
	v7 =	vld [tilespmem:s19+$0x0];
	v11 =	vsub.f32 v8, v5;
	vm1 =	vlt.f32 v9, $9.999999770e-03;
	(pc) =	sbr.rel @p0 .LBB2_44-.Ltmp21, $4  }
0x255: {  	v8 =	vld [tilespmem:s19+$0x800];
	vm0 =	vmand vm0, vm1  }
0x256: {  	v9 =	vmul.f32 v10, v10;
	v10 =	vmul.f32 v11, v11;
	v11 =	vsel vm0, $0x3F800000, v0  }
0x257: {  	v3 =	vadd.f32 v11, v3  }
0x258: {  	v9 =	vadd.f32 v10, v9  }
0x259: {  	_ = 	snop  }
0x25a: {  	v4 =	vsub.f32 v7, v4;
	v5 =	vsub.f32 v8, v5  }
0x25b: {  	v7 =	vld [tilespmem:s19+$0x1000]  }
0x25c: {  	v4 =	vmul.f32 v4, v4;
	v5 =	vmul.f32 v5, v5;
	_ =	sdelay $0x1  }
0x25d: {  	vm0 =	vgt.f32 v6, $0.0e+00;
	vm1 =	vlt.f32 v9, $9.999999770e-03;
	v4 =	vadd.f32 v5, v4  }
0x25e: {  	vm0 =	vmand vm0, vm1  }
0x25f: {  	v5 =	vsel vm0, $0x3F800000, v0;
	vm14 =	vgt.f32 v7, $0.0e+00;
	vm15 =	vlt.f32 v4, $9.999999770e-03  }
0x260: {  	v3 =	vadd.f32 v5, v3;
	vm0 =	vmand vm14, vm15  }
0x261: {  	v4 =	vsel vm0, $0x3F800000, v0  }
0x262: {  	v3 =	vadd.f32 v4, v3;
	_ =	sdelay $0x1  }
0x263: {  	s20 =	simm.s32 $0x0;
	[tilespmem:$0x1A50] =	vst v3  }
0x264: {  	v6 =	vld [tilespmem:s20+$0x800]  }
0x265: {  	v3 =	vld [tilespmem:s20+$0x0];
	_ =	sdelay $0x1  }
0x266: {  	v5 =	vbroadcast v2, $0x6  }
0x267: {  	s19 =	simm.s32 $0x10;
	v4 =	vbroadcast v1, $0x6  }
0x268: {  	v8 =	vld [tilespmem:s19+$0x800];
	v7 =	vsub.f32 v6, v5  }
0x269: {  	v3 =	vsub.f32 v3, v4;
	v6 =	vld [tilespmem:s20+$0x1000]  }
0x26a: {  	v10 =	vmul.f32 v7, v7;
	v7 =	vld [tilespmem:s19+$0x0]  }
0x26b: {  	v9 =	vmul.f32 v3, v3;
	_ =	sdelay $0x1  }
0x26c: {  	s20 =	simm.s32 $0x80;
	v3 =	vimm.f32 $0.0e+00;
	v9 =	vadd.f32 v10, v9  }
.LBB2_46:
0x26d: {  	vm0 =	vgt.f32 v6, $0.0e+00;
	v6 =	vld [tilespmem:s19+$0x1000];
	s19 =	sshra.s32 s20, $0x2;
	p0 =	sne.s32 s20, $0x1FC0  }
.Ltmp22:
0x26e: {  	s20 =	sadd.s32 $0x40, s20;
	v10 =	vsub.f32 v7, v4;
	v7 =	vld [tilespmem:s19+$0x0];
	v11 =	vsub.f32 v8, v5;
	vm1 =	vlt.f32 v9, $9.999999770e-03;
	(pc) =	sbr.rel @p0 .LBB2_46-.Ltmp22, $4  }
0x26f: {  	v8 =	vld [tilespmem:s19+$0x800];
	vm0 =	vmand vm0, vm1  }
0x270: {  	v9 =	vmul.f32 v10, v10;
	v10 =	vmul.f32 v11, v11;
	v11 =	vsel vm0, $0x3F800000, v0  }
0x271: {  	v3 =	vadd.f32 v11, v3  }
0x272: {  	v9 =	vadd.f32 v10, v9  }
0x273: {  	_ = 	snop  }
0x274: {  	v4 =	vsub.f32 v7, v4;
	v5 =	vsub.f32 v8, v5  }
0x275: {  	v7 =	vld [tilespmem:s19+$0x1000]  }
0x276: {  	v4 =	vmul.f32 v4, v4;
	v5 =	vmul.f32 v5, v5;
	_ =	sdelay $0x1  }
0x277: {  	vm0 =	vgt.f32 v6, $0.0e+00;
	vm1 =	vlt.f32 v9, $9.999999770e-03;
	v4 =	vadd.f32 v5, v4  }
0x278: {  	vm0 =	vmand vm0, vm1  }
0x279: {  	v5 =	vsel vm0, $0x3F800000, v0;
	vm14 =	vgt.f32 v7, $0.0e+00;
	vm15 =	vlt.f32 v4, $9.999999770e-03  }
0x27a: {  	v3 =	vadd.f32 v5, v3;
	vm0 =	vmand vm14, vm15  }
0x27b: {  	v4 =	vsel vm0, $0x3F800000, v0  }
0x27c: {  	v3 =	vadd.f32 v4, v3;
	_ =	sdelay $0x1  }
0x27d: {  	s20 =	simm.s32 $0x0;
	[tilespmem:$0x1A60] =	vst v3  }
0x27e: {  	v6 =	vld [tilespmem:s20+$0x800]  }
0x27f: {  	v3 =	vld [tilespmem:s20+$0x0];
	_ =	sdelay $0x1  }
0x280: {  	v5 =	vbroadcast v2, $0x7  }
0x281: {  	s19 =	simm.s32 $0x10;
	v4 =	vbroadcast v1, $0x7  }
0x282: {  	v8 =	vld [tilespmem:s19+$0x800];
	v7 =	vsub.f32 v6, v5  }
0x283: {  	v3 =	vsub.f32 v3, v4;
	v6 =	vld [tilespmem:s20+$0x1000]  }
0x284: {  	v10 =	vmul.f32 v7, v7;
	v7 =	vld [tilespmem:s19+$0x0]  }
0x285: {  	v9 =	vmul.f32 v3, v3;
	_ =	sdelay $0x1  }
0x286: {  	s20 =	simm.s32 $0x80;
	v3 =	vimm.f32 $0.0e+00;
	v9 =	vadd.f32 v10, v9  }
.LBB2_48:
0x287: {  	vm0 =	vgt.f32 v6, $0.0e+00;
	v6 =	vld [tilespmem:s19+$0x1000];
	s19 =	sshra.s32 s20, $0x2;
	p0 =	sne.s32 s20, $0x1FC0  }
.Ltmp23:
0x288: {  	s20 =	sadd.s32 $0x40, s20;
	v10 =	vsub.f32 v7, v4;
	v7 =	vld [tilespmem:s19+$0x0];
	v11 =	vsub.f32 v8, v5;
	vm1 =	vlt.f32 v9, $9.999999770e-03;
	(pc) =	sbr.rel @p0 .LBB2_48-.Ltmp23, $4  }
0x289: {  	v8 =	vld [tilespmem:s19+$0x800];
	vm0 =	vmand vm0, vm1  }
0x28a: {  	v9 =	vmul.f32 v10, v10;
	v10 =	vmul.f32 v11, v11;
	v11 =	vsel vm0, $0x3F800000, v0  }
0x28b: {  	v3 =	vadd.f32 v11, v3  }
0x28c: {  	v9 =	vadd.f32 v10, v9  }
0x28d: {  	_ = 	snop  }
0x28e: {  	v4 =	vsub.f32 v7, v4;
	v5 =	vsub.f32 v8, v5  }
0x28f: {  	v7 =	vld [tilespmem:s19+$0x1000]  }
0x290: {  	v4 =	vmul.f32 v4, v4;
	v5 =	vmul.f32 v5, v5;
	_ =	sdelay $0x1  }
0x291: {  	vm0 =	vgt.f32 v6, $0.0e+00;
	vm1 =	vlt.f32 v9, $9.999999770e-03;
	v4 =	vadd.f32 v5, v4  }
0x292: {  	vm0 =	vmand vm0, vm1  }
0x293: {  	v5 =	vsel vm0, $0x3F800000, v0;
	vm14 =	vgt.f32 v7, $0.0e+00;
	vm15 =	vlt.f32 v4, $9.999999770e-03  }
0x294: {  	v3 =	vadd.f32 v5, v3;
	vm0 =	vmand vm14, vm15  }
0x295: {  	v4 =	vsel vm0, $0x3F800000, v0  }
0x296: {  	v3 =	vadd.f32 v4, v3;
	_ =	sdelay $0x1  }
0x297: {  	s20 =	simm.s32 $0x0;
	[tilespmem:$0x1A70] =	vst v3  }
0x298: {  	v6 =	vld [tilespmem:s20+$0x800]  }
0x299: {  	v3 =	vld [tilespmem:s20+$0x0];
	_ =	sdelay $0x1  }
0x29a: {  	v5 =	vbroadcast v2, $0x8  }
0x29b: {  	s19 =	simm.s32 $0x10;
	v4 =	vbroadcast v1, $0x8  }
0x29c: {  	v8 =	vld [tilespmem:s19+$0x800];
	v7 =	vsub.f32 v6, v5  }
0x29d: {  	v3 =	vsub.f32 v3, v4;
	v6 =	vld [tilespmem:s20+$0x1000]  }
0x29e: {  	v10 =	vmul.f32 v7, v7;
	v7 =	vld [tilespmem:s19+$0x0]  }
0x29f: {  	v9 =	vmul.f32 v3, v3;
	_ =	sdelay $0x1  }
0x2a0: {  	s20 =	simm.s32 $0x80;
	v3 =	vimm.f32 $0.0e+00;
	v9 =	vadd.f32 v10, v9  }
.LBB2_50:
0x2a1: {  	vm0 =	vgt.f32 v6, $0.0e+00;
	v6 =	vld [tilespmem:s19+$0x1000];
	s19 =	sshra.s32 s20, $0x2;
	p0 =	sne.s32 s20, $0x1FC0  }
.Ltmp24:
0x2a2: {  	s20 =	sadd.s32 $0x40, s20;
	v10 =	vsub.f32 v7, v4;
	v7 =	vld [tilespmem:s19+$0x0];
	v11 =	vsub.f32 v8, v5;
	vm1 =	vlt.f32 v9, $9.999999770e-03;
	(pc) =	sbr.rel @p0 .LBB2_50-.Ltmp24, $4  }
0x2a3: {  	v8 =	vld [tilespmem:s19+$0x800];
	vm0 =	vmand vm0, vm1  }
0x2a4: {  	v9 =	vmul.f32 v10, v10;
	v10 =	vmul.f32 v11, v11;
	v11 =	vsel vm0, $0x3F800000, v0  }
0x2a5: {  	v3 =	vadd.f32 v11, v3  }
0x2a6: {  	v9 =	vadd.f32 v10, v9  }
0x2a7: {  	_ = 	snop  }
0x2a8: {  	v4 =	vsub.f32 v7, v4;
	v5 =	vsub.f32 v8, v5  }
0x2a9: {  	v7 =	vld [tilespmem:s19+$0x1000]  }
0x2aa: {  	v4 =	vmul.f32 v4, v4;
	v5 =	vmul.f32 v5, v5;
	_ =	sdelay $0x1  }
0x2ab: {  	vm0 =	vgt.f32 v6, $0.0e+00;
	vm1 =	vlt.f32 v9, $9.999999770e-03;
	v4 =	vadd.f32 v5, v4  }
0x2ac: {  	vm0 =	vmand vm0, vm1  }
0x2ad: {  	v5 =	vsel vm0, $0x3F800000, v0;
	vm14 =	vgt.f32 v7, $0.0e+00;
	vm15 =	vlt.f32 v4, $9.999999770e-03  }
0x2ae: {  	v3 =	vadd.f32 v5, v3;
	vm0 =	vmand vm14, vm15  }
0x2af: {  	v4 =	vsel vm0, $0x3F800000, v0  }
0x2b0: {  	v3 =	vadd.f32 v4, v3;
	_ =	sdelay $0x1  }
0x2b1: {  	s20 =	simm.s32 $0x0;
	[tilespmem:$0x1A80] =	vst v3  }
0x2b2: {  	v6 =	vld [tilespmem:s20+$0x800]  }
0x2b3: {  	v3 =	vld [tilespmem:s20+$0x0];
	_ =	sdelay $0x1  }
0x2b4: {  	v5 =	vbroadcast v2, $0x9  }
0x2b5: {  	s19 =	simm.s32 $0x10;
	v4 =	vbroadcast v1, $0x9  }
0x2b6: {  	v8 =	vld [tilespmem:s19+$0x800];
	v7 =	vsub.f32 v6, v5  }
0x2b7: {  	v3 =	vsub.f32 v3, v4;
	v6 =	vld [tilespmem:s20+$0x1000]  }
0x2b8: {  	v10 =	vmul.f32 v7, v7;
	v7 =	vld [tilespmem:s19+$0x0]  }
0x2b9: {  	v9 =	vmul.f32 v3, v3;
	_ =	sdelay $0x1  }
0x2ba: {  	s20 =	simm.s32 $0x80;
	v3 =	vimm.f32 $0.0e+00;
	v9 =	vadd.f32 v10, v9  }
.LBB2_52:
0x2bb: {  	vm0 =	vgt.f32 v6, $0.0e+00;
	v6 =	vld [tilespmem:s19+$0x1000];
	s19 =	sshra.s32 s20, $0x2;
	p0 =	sne.s32 s20, $0x1FC0  }
.Ltmp25:
0x2bc: {  	s20 =	sadd.s32 $0x40, s20;
	v10 =	vsub.f32 v7, v4;
	v7 =	vld [tilespmem:s19+$0x0];
	v11 =	vsub.f32 v8, v5;
	vm1 =	vlt.f32 v9, $9.999999770e-03;
	(pc) =	sbr.rel @p0 .LBB2_52-.Ltmp25, $4  }
0x2bd: {  	v8 =	vld [tilespmem:s19+$0x800];
	vm0 =	vmand vm0, vm1  }
0x2be: {  	v9 =	vmul.f32 v10, v10;
	v10 =	vmul.f32 v11, v11;
	v11 =	vsel vm0, $0x3F800000, v0  }
0x2bf: {  	v3 =	vadd.f32 v11, v3  }
0x2c0: {  	v9 =	vadd.f32 v10, v9  }
0x2c1: {  	_ = 	snop  }
0x2c2: {  	v4 =	vsub.f32 v7, v4;
	v5 =	vsub.f32 v8, v5  }
0x2c3: {  	v7 =	vld [tilespmem:s19+$0x1000]  }
0x2c4: {  	v4 =	vmul.f32 v4, v4;
	v5 =	vmul.f32 v5, v5;
	_ =	sdelay $0x1  }
0x2c5: {  	vm0 =	vgt.f32 v6, $0.0e+00;
	vm1 =	vlt.f32 v9, $9.999999770e-03;
	v4 =	vadd.f32 v5, v4  }
0x2c6: {  	vm0 =	vmand vm0, vm1  }
0x2c7: {  	v5 =	vsel vm0, $0x3F800000, v0;
	vm14 =	vgt.f32 v7, $0.0e+00;
	vm15 =	vlt.f32 v4, $9.999999770e-03  }
0x2c8: {  	v3 =	vadd.f32 v5, v3;
	vm0 =	vmand vm14, vm15  }
0x2c9: {  	v4 =	vsel vm0, $0x3F800000, v0  }
0x2ca: {  	v3 =	vadd.f32 v4, v3;
	_ =	sdelay $0x1  }
0x2cb: {  	s20 =	simm.s32 $0x0;
	[tilespmem:$0x1A90] =	vst v3  }
0x2cc: {  	v6 =	vld [tilespmem:s20+$0x800]  }
0x2cd: {  	v3 =	vld [tilespmem:s20+$0x0];
	_ =	sdelay $0x1  }
0x2ce: {  	v5 =	vbroadcast v2, $0xA  }
0x2cf: {  	s19 =	simm.s32 $0x10;
	v4 =	vbroadcast v1, $0xA  }
0x2d0: {  	v8 =	vld [tilespmem:s19+$0x800];
	v7 =	vsub.f32 v6, v5  }
0x2d1: {  	v3 =	vsub.f32 v3, v4;
	v6 =	vld [tilespmem:s20+$0x1000]  }
0x2d2: {  	v10 =	vmul.f32 v7, v7;
	v7 =	vld [tilespmem:s19+$0x0]  }
0x2d3: {  	v9 =	vmul.f32 v3, v3;
	_ =	sdelay $0x1  }
0x2d4: {  	s20 =	simm.s32 $0x80;
	v3 =	vimm.f32 $0.0e+00;
	v9 =	vadd.f32 v10, v9  }
.LBB2_54:
0x2d5: {  	vm0 =	vgt.f32 v6, $0.0e+00;
	v6 =	vld [tilespmem:s19+$0x1000];
	s19 =	sshra.s32 s20, $0x2;
	p0 =	sne.s32 s20, $0x1FC0  }
.Ltmp26:
0x2d6: {  	s20 =	sadd.s32 $0x40, s20;
	v10 =	vsub.f32 v7, v4;
	v7 =	vld [tilespmem:s19+$0x0];
	v11 =	vsub.f32 v8, v5;
	vm1 =	vlt.f32 v9, $9.999999770e-03;
	(pc) =	sbr.rel @p0 .LBB2_54-.Ltmp26, $4  }
0x2d7: {  	v8 =	vld [tilespmem:s19+$0x800];
	vm0 =	vmand vm0, vm1  }
0x2d8: {  	v9 =	vmul.f32 v10, v10;
	v10 =	vmul.f32 v11, v11;
	v11 =	vsel vm0, $0x3F800000, v0  }
0x2d9: {  	v3 =	vadd.f32 v11, v3  }
0x2da: {  	v9 =	vadd.f32 v10, v9  }
0x2db: {  	_ = 	snop  }
0x2dc: {  	v4 =	vsub.f32 v7, v4;
	v5 =	vsub.f32 v8, v5  }
0x2dd: {  	v7 =	vld [tilespmem:s19+$0x1000]  }
0x2de: {  	v4 =	vmul.f32 v4, v4;
	v5 =	vmul.f32 v5, v5;
	_ =	sdelay $0x1  }
0x2df: {  	vm0 =	vgt.f32 v6, $0.0e+00;
	vm1 =	vlt.f32 v9, $9.999999770e-03;
	v4 =	vadd.f32 v5, v4  }
0x2e0: {  	vm0 =	vmand vm0, vm1  }
0x2e1: {  	v5 =	vsel vm0, $0x3F800000, v0;
	vm14 =	vgt.f32 v7, $0.0e+00;
	vm15 =	vlt.f32 v4, $9.999999770e-03  }
0x2e2: {  	v3 =	vadd.f32 v5, v3;
	vm0 =	vmand vm14, vm15  }
0x2e3: {  	v4 =	vsel vm0, $0x3F800000, v0  }
0x2e4: {  	v3 =	vadd.f32 v4, v3;
	_ =	sdelay $0x1  }
0x2e5: {  	s20 =	simm.s32 $0x0;
	[tilespmem:$0x1AA0] =	vst v3  }
0x2e6: {  	v6 =	vld [tilespmem:s20+$0x800]  }
0x2e7: {  	v3 =	vld [tilespmem:s20+$0x0];
	_ =	sdelay $0x1  }
0x2e8: {  	v5 =	vbroadcast v2, $0xB  }
0x2e9: {  	s19 =	simm.s32 $0x10;
	v4 =	vbroadcast v1, $0xB  }
0x2ea: {  	v8 =	vld [tilespmem:s19+$0x800];
	v7 =	vsub.f32 v6, v5  }
0x2eb: {  	v3 =	vsub.f32 v3, v4;
	v6 =	vld [tilespmem:s20+$0x1000]  }
0x2ec: {  	v10 =	vmul.f32 v7, v7;
	v7 =	vld [tilespmem:s19+$0x0]  }
0x2ed: {  	v9 =	vmul.f32 v3, v3;
	_ =	sdelay $0x1  }
0x2ee: {  	s20 =	simm.s32 $0x80;
	v3 =	vimm.f32 $0.0e+00;
	v9 =	vadd.f32 v10, v9  }
.LBB2_56:
0x2ef: {  	vm0 =	vgt.f32 v6, $0.0e+00;
	v6 =	vld [tilespmem:s19+$0x1000];
	s19 =	sshra.s32 s20, $0x2;
	p0 =	sne.s32 s20, $0x1FC0  }
.Ltmp27:
0x2f0: {  	s20 =	sadd.s32 $0x40, s20;
	v10 =	vsub.f32 v7, v4;
	v7 =	vld [tilespmem:s19+$0x0];
	v11 =	vsub.f32 v8, v5;
	vm1 =	vlt.f32 v9, $9.999999770e-03;
	(pc) =	sbr.rel @p0 .LBB2_56-.Ltmp27, $4  }
0x2f1: {  	v8 =	vld [tilespmem:s19+$0x800];
	vm0 =	vmand vm0, vm1  }
0x2f2: {  	v9 =	vmul.f32 v10, v10;
	v10 =	vmul.f32 v11, v11;
	v11 =	vsel vm0, $0x3F800000, v0  }
0x2f3: {  	v3 =	vadd.f32 v11, v3  }
0x2f4: {  	v9 =	vadd.f32 v10, v9  }
0x2f5: {  	_ = 	snop  }
0x2f6: {  	v4 =	vsub.f32 v7, v4;
	v5 =	vsub.f32 v8, v5  }
0x2f7: {  	v7 =	vld [tilespmem:s19+$0x1000]  }
0x2f8: {  	v4 =	vmul.f32 v4, v4;
	v5 =	vmul.f32 v5, v5;
	_ =	sdelay $0x1  }
0x2f9: {  	vm0 =	vgt.f32 v6, $0.0e+00;
	vm1 =	vlt.f32 v9, $9.999999770e-03;
	v4 =	vadd.f32 v5, v4  }
0x2fa: {  	vm0 =	vmand vm0, vm1  }
0x2fb: {  	v5 =	vsel vm0, $0x3F800000, v0;
	vm14 =	vgt.f32 v7, $0.0e+00;
	vm15 =	vlt.f32 v4, $9.999999770e-03  }
0x2fc: {  	v3 =	vadd.f32 v5, v3;
	vm0 =	vmand vm14, vm15  }
0x2fd: {  	v4 =	vsel vm0, $0x3F800000, v0  }
0x2fe: {  	v3 =	vadd.f32 v4, v3;
	_ =	sdelay $0x1  }
0x2ff: {  	s20 =	simm.s32 $0x0;
	[tilespmem:$0x1AB0] =	vst v3  }
0x300: {  	v6 =	vld [tilespmem:s20+$0x800]  }
0x301: {  	v3 =	vld [tilespmem:s20+$0x0];
	_ =	sdelay $0x1  }
0x302: {  	v5 =	vbroadcast v2, $0xC  }
0x303: {  	s19 =	simm.s32 $0x10;
	v4 =	vbroadcast v1, $0xC  }
0x304: {  	v8 =	vld [tilespmem:s19+$0x800];
	v7 =	vsub.f32 v6, v5  }
0x305: {  	v3 =	vsub.f32 v3, v4;
	v6 =	vld [tilespmem:s20+$0x1000]  }
0x306: {  	v10 =	vmul.f32 v7, v7;
	v7 =	vld [tilespmem:s19+$0x0]  }
0x307: {  	v9 =	vmul.f32 v3, v3;
	_ =	sdelay $0x1  }
0x308: {  	s20 =	simm.s32 $0x80;
	v3 =	vimm.f32 $0.0e+00;
	v9 =	vadd.f32 v10, v9  }
.LBB2_58:
0x309: {  	vm0 =	vgt.f32 v6, $0.0e+00;
	v6 =	vld [tilespmem:s19+$0x1000];
	s19 =	sshra.s32 s20, $0x2;
	p0 =	sne.s32 s20, $0x1FC0  }
.Ltmp28:
0x30a: {  	s20 =	sadd.s32 $0x40, s20;
	v10 =	vsub.f32 v7, v4;
	v7 =	vld [tilespmem:s19+$0x0];
	v11 =	vsub.f32 v8, v5;
	vm1 =	vlt.f32 v9, $9.999999770e-03;
	(pc) =	sbr.rel @p0 .LBB2_58-.Ltmp28, $4  }
0x30b: {  	v8 =	vld [tilespmem:s19+$0x800];
	vm0 =	vmand vm0, vm1  }
0x30c: {  	v9 =	vmul.f32 v10, v10;
	v10 =	vmul.f32 v11, v11;
	v11 =	vsel vm0, $0x3F800000, v0  }
0x30d: {  	v3 =	vadd.f32 v11, v3  }
0x30e: {  	v9 =	vadd.f32 v10, v9  }
0x30f: {  	_ = 	snop  }
0x310: {  	v4 =	vsub.f32 v7, v4;
	v5 =	vsub.f32 v8, v5  }
0x311: {  	v7 =	vld [tilespmem:s19+$0x1000]  }
0x312: {  	v4 =	vmul.f32 v4, v4;
	v5 =	vmul.f32 v5, v5;
	_ =	sdelay $0x1  }
0x313: {  	vm0 =	vgt.f32 v6, $0.0e+00;
	vm1 =	vlt.f32 v9, $9.999999770e-03;
	v4 =	vadd.f32 v5, v4  }
0x314: {  	vm0 =	vmand vm0, vm1  }
0x315: {  	v5 =	vsel vm0, $0x3F800000, v0;
	vm14 =	vgt.f32 v7, $0.0e+00;
	vm15 =	vlt.f32 v4, $9.999999770e-03  }
0x316: {  	v3 =	vadd.f32 v5, v3;
	vm0 =	vmand vm14, vm15  }
0x317: {  	v4 =	vsel vm0, $0x3F800000, v0  }
0x318: {  	v3 =	vadd.f32 v4, v3;
	_ =	sdelay $0x1  }
0x319: {  	s20 =	simm.s32 $0x0;
	[tilespmem:$0x1AC0] =	vst v3  }
0x31a: {  	v6 =	vld [tilespmem:s20+$0x800]  }
0x31b: {  	v3 =	vld [tilespmem:s20+$0x0];
	_ =	sdelay $0x1  }
0x31c: {  	v5 =	vbroadcast v2, $0xD  }
0x31d: {  	s19 =	simm.s32 $0x10;
	v4 =	vbroadcast v1, $0xD  }
0x31e: {  	v8 =	vld [tilespmem:s19+$0x800];
	v7 =	vsub.f32 v6, v5  }
0x31f: {  	v3 =	vsub.f32 v3, v4;
	v6 =	vld [tilespmem:s20+$0x1000]  }
0x320: {  	v10 =	vmul.f32 v7, v7;
	v7 =	vld [tilespmem:s19+$0x0]  }
0x321: {  	v9 =	vmul.f32 v3, v3;
	_ =	sdelay $0x1  }
0x322: {  	s20 =	simm.s32 $0x80;
	v3 =	vimm.f32 $0.0e+00;
	v9 =	vadd.f32 v10, v9  }
.LBB2_60:
0x323: {  	vm0 =	vgt.f32 v6, $0.0e+00;
	v6 =	vld [tilespmem:s19+$0x1000];
	s19 =	sshra.s32 s20, $0x2;
	p0 =	sne.s32 s20, $0x1FC0  }
.Ltmp29:
0x324: {  	s20 =	sadd.s32 $0x40, s20;
	v10 =	vsub.f32 v7, v4;
	v7 =	vld [tilespmem:s19+$0x0];
	v11 =	vsub.f32 v8, v5;
	vm1 =	vlt.f32 v9, $9.999999770e-03;
	(pc) =	sbr.rel @p0 .LBB2_60-.Ltmp29, $4  }
0x325: {  	v8 =	vld [tilespmem:s19+$0x800];
	vm0 =	vmand vm0, vm1  }
0x326: {  	v9 =	vmul.f32 v10, v10;
	v10 =	vmul.f32 v11, v11;
	v11 =	vsel vm0, $0x3F800000, v0  }
0x327: {  	v3 =	vadd.f32 v11, v3  }
0x328: {  	v9 =	vadd.f32 v10, v9  }
0x329: {  	_ = 	snop  }
0x32a: {  	v4 =	vsub.f32 v7, v4;
	v5 =	vsub.f32 v8, v5  }
0x32b: {  	v7 =	vld [tilespmem:s19+$0x1000]  }
0x32c: {  	v4 =	vmul.f32 v4, v4;
	v5 =	vmul.f32 v5, v5;
	_ =	sdelay $0x1  }
0x32d: {  	vm0 =	vgt.f32 v6, $0.0e+00;
	vm1 =	vlt.f32 v9, $9.999999770e-03;
	v4 =	vadd.f32 v5, v4  }
0x32e: {  	vm0 =	vmand vm0, vm1  }
0x32f: {  	v5 =	vsel vm0, $0x3F800000, v0;
	vm14 =	vgt.f32 v7, $0.0e+00;
	vm15 =	vlt.f32 v4, $9.999999770e-03  }
0x330: {  	v3 =	vadd.f32 v5, v3;
	vm0 =	vmand vm14, vm15  }
0x331: {  	v4 =	vsel vm0, $0x3F800000, v0  }
0x332: {  	v3 =	vadd.f32 v4, v3;
	_ =	sdelay $0x1  }
0x333: {  	s20 =	simm.s32 $0x0;
	[tilespmem:$0x1AD0] =	vst v3  }
0x334: {  	v6 =	vld [tilespmem:s20+$0x800]  }
0x335: {  	v3 =	vld [tilespmem:s20+$0x0];
	_ =	sdelay $0x1  }
0x336: {  	v5 =	vbroadcast v2, $0xE  }
0x337: {  	s19 =	simm.s32 $0x10;
	v4 =	vbroadcast v1, $0xE  }
0x338: {  	v8 =	vld [tilespmem:s19+$0x800];
	v7 =	vsub.f32 v6, v5  }
0x339: {  	v3 =	vsub.f32 v3, v4;
	v6 =	vld [tilespmem:s20+$0x1000]  }
0x33a: {  	v10 =	vmul.f32 v7, v7;
	v7 =	vld [tilespmem:s19+$0x0]  }
0x33b: {  	v9 =	vmul.f32 v3, v3;
	_ =	sdelay $0x1  }
0x33c: {  	s20 =	simm.s32 $0x80;
	v3 =	vimm.f32 $0.0e+00;
	v9 =	vadd.f32 v10, v9  }
.LBB2_62:
0x33d: {  	vm0 =	vgt.f32 v6, $0.0e+00;
	v6 =	vld [tilespmem:s19+$0x1000];
	s19 =	sshra.s32 s20, $0x2;
	p0 =	sne.s32 s20, $0x1FC0  }
.Ltmp30:
0x33e: {  	s20 =	sadd.s32 $0x40, s20;
	v10 =	vsub.f32 v7, v4;
	v7 =	vld [tilespmem:s19+$0x0];
	v11 =	vsub.f32 v8, v5;
	vm1 =	vlt.f32 v9, $9.999999770e-03;
	(pc) =	sbr.rel @p0 .LBB2_62-.Ltmp30, $4  }
0x33f: {  	v8 =	vld [tilespmem:s19+$0x800];
	vm0 =	vmand vm0, vm1  }
0x340: {  	v9 =	vmul.f32 v10, v10;
	v10 =	vmul.f32 v11, v11;
	v11 =	vsel vm0, $0x3F800000, v0  }
0x341: {  	v3 =	vadd.f32 v11, v3  }
0x342: {  	v9 =	vadd.f32 v10, v9  }
0x343: {  	_ = 	snop  }
0x344: {  	v4 =	vsub.f32 v7, v4;
	v5 =	vsub.f32 v8, v5  }
0x345: {  	v7 =	vld [tilespmem:s19+$0x1000]  }
0x346: {  	v4 =	vmul.f32 v4, v4;
	v5 =	vmul.f32 v5, v5;
	_ =	sdelay $0x1  }
0x347: {  	vm0 =	vgt.f32 v6, $0.0e+00;
	vm1 =	vlt.f32 v9, $9.999999770e-03;
	v4 =	vadd.f32 v5, v4  }
0x348: {  	vm0 =	vmand vm0, vm1  }
0x349: {  	v5 =	vsel vm0, $0x3F800000, v0;
	vm14 =	vgt.f32 v7, $0.0e+00;
	vm15 =	vlt.f32 v4, $9.999999770e-03  }
0x34a: {  	v3 =	vadd.f32 v5, v3;
	vm0 =	vmand vm14, vm15  }
0x34b: {  	v4 =	vsel vm0, $0x3F800000, v0  }
0x34c: {  	v3 =	vadd.f32 v4, v3;
	_ =	sdelay $0x1  }
0x34d: {  	s20 =	simm.s32 $0x0;
	[tilespmem:$0x1AE0] =	vst v3  }
0x34e: {  	v5 =	vld [tilespmem:s20+$0x800]  }
0x34f: {  	v4 =	vld [tilespmem:s20+$0x0];
	_ =	sdelay $0x1  }
0x350: {  	v2 =	vbroadcast v2, $0xF  }
0x351: {  	s19 =	simm.s32 $0x10;
	v3 =	vbroadcast v1, $0xF  }
0x352: {  	v6 =	vld [tilespmem:s19+$0x800];
	v5 =	vsub.f32 v5, v2  }
0x353: {  	v1 =	vsub.f32 v4, v3;
	v4 =	vld [tilespmem:s20+$0x1000]  }
0x354: {  	v8 =	vmul.f32 v5, v5;
	v5 =	vld [tilespmem:s19+$0x0]  }
0x355: {  	v7 =	vmul.f32 v1, v1;
	_ =	sdelay $0x1  }
0x356: {  	s20 =	simm.s32 $0x80;
	v1 =	vimm.f32 $0.0e+00;
	v7 =	vadd.f32 v8, v7  }
.LBB2_64:
0x357: {  	vm0 =	vgt.f32 v4, $0.0e+00;
	v4 =	vld [tilespmem:s19+$0x1000];
	s19 =	sshra.s32 s20, $0x2;
	p0 =	sne.s32 s20, $0x1FC0  }
.Ltmp31:
0x358: {  	s20 =	sadd.s32 $0x40, s20;
	v8 =	vsub.f32 v5, v3;
	v5 =	vld [tilespmem:s19+$0x0];
	v9 =	vsub.f32 v6, v2;
	vm1 =	vlt.f32 v7, $9.999999770e-03;
	(pc) =	sbr.rel @p0 .LBB2_64-.Ltmp31, $4  }
0x359: {  	v6 =	vld [tilespmem:s19+$0x800];
	vm0 =	vmand vm0, vm1  }
0x35a: {  	v7 =	vmul.f32 v8, v8;
	v8 =	vmul.f32 v9, v9;
	v9 =	vsel vm0, $0x3F800000, v0  }
0x35b: {  	v1 =	vadd.f32 v9, v1  }
0x35c: {  	v7 =	vadd.f32 v8, v7  }
0x35d: {  	_ = 	snop  }
0x35e: {  	v3 =	vsub.f32 v5, v3;
	v2 =	vsub.f32 v6, v2  }
0x35f: {  	v63 =	vld [tilespmem:s19+$0x1000]  }
0x360: {  	v3 =	vmul.f32 v3, v3;
	v2 =	vmul.f32 v2, v2;
	_ =	sdelay $0x1  }
0x361: {  	vm0 =	vgt.f32 v4, $0.0e+00;
	vm1 =	vlt.f32 v7, $9.999999770e-03;
	v2 =	vadd.f32 v2, v3  }
0x362: {  	vm0 =	vmand vm0, vm1  }
0x363: {  	v3 =	vsel vm0, $0x3F800000, v0;
	vm14 =	vgt.f32 v63, $0.0e+00;
	vm15 =	vlt.f32 v2, $9.999999770e-03  }
0x364: {  	v1 =	vadd.f32 v3, v1;
	vm0 =	vmand vm14, vm15  }
0x365: {  	v2 =	vsel vm0, $0x3F800000, v0  }
0x366: {  	s18 =	sadd.s32 $0x1, s18;
	v1 =	vadd.f32 v2, v1  }
0x367: {  	p0 =	sne.s32 s18, s9  }
.Ltmp32:
0x368: {  	[tilespmem:$0x1AF0] =	vst v1;
	(pc) =	sbr.rel @p0 .LBB2_1-.Ltmp32, $4  }
0x369: {  	[hbm4b:s8+s10] =	stream.strided.scatter [tilespmem:s17], [sflag:$0x1], $0x200, s11, s10, $0x38;
	[tilespmem:$0x1B00] =	vst v63  }
0x36a: {  	_ =	swait.ge [sflag:s12], $0x200  }
0x36b: {  	[sflag:s12] =	ssyncset.done $0x0  }
0x36c: {  	[sflag:s12] =	ssyncadd.s32 $0xFFFFFE00  }
0x36d: {  	_ =	sfence.sel $0x180000  }
0x36e: {  	[bflag:$0x0] =	sbarrier.arrive $0xFFFF  }
0x36f: {  	p0 =	sne.s32 s0, $0x0;
	_ =	strace $0x90000047  }
0x370: {  	s0 =	sadd.s32 @!p0 $0x100000, s1;
	[bflag:$0x2] =	sbarrier.arrive $0xFFFF  }
0x371: {  	[sflag:s0] =	ssyncadd.tile.s32 @!p0 $0x1;
	_ =	shalt  }
.Lfunc_end2:
_tile_overlayer_lowered:
.L_overlay_start_2:
0x372: {  	(tag) =	ssettag $0x2  }
0x373: {  	s0 =	rddreg [dreg:$0x0];
	s2 =	stileid.u32  }
0x374: {  	s1 =	rddreg [dreg:$0x1];
	p0 =	sne.s32 s2, $0x0  }
0x375: {  	s3 =	rddreg [dreg:$0x2];
	[bflag:$0x3] =	sbarrier.arrive $0xFFFF;
	s2 =	simm.s32 @!p0 $0x1C01  }
0x376: {  	[timem:s3], [sflag:s2] =	dma.local @!p0 [hbm:s0], s1  }
0x377: {  	s0 =	simm.s32 @!p0 $0x1  }
0x378: {  	_ =	swait.ge @!p0 [sflag:s0], s1  }
0x379: {  	s1 =	ssub.s32 @!p0 $0x0, s1;
	[sflag:s0] =	ssyncset.done @!p0 $0x0  }
0x37a: {  	[sflag:s0] =	ssyncadd.s32 @!p0 s1  }
0x37b: {  	[bflag:$0x3] =	sbarrier.arrive $0xFFFF  }
0x37c: {  	_ =	shalt  }

</sc_bundles>
